<compile_context>
chip_gen: v7x
topology: tpu7x:2x2x1
jax: 0.10.2.dev20260603
libtpu: 0.0.44.dev20260713+nightly
codegen_flags: <defaults>
</compile_context>

<pallas_src>
import jax
import jax.numpy as jnp
from jax import lax
from jax.experimental import pallas as pl
from jax.experimental.pallas import tpu as pltpu
from jax.experimental.pallas import tpu_sc as plsc

N = 10000
E = 320000
D = 128
NEG_SLOPE = 0.01
EPS = 1e-5

NUM_CORES = 2
NUM_SUBCORES = 16
NUM_TILES = NUM_CORES * NUM_SUBCORES
N_PAD = 10240
ROWS_PER_TILE = N_PAD // NUM_TILES

CHUNK = 10000
NCHUNK = E // CHUNK
VPC = 16
CHECK_VREGS = 25
CHECKS_PER_CHUNK = CHUNK // (CHECK_VREGS * VPC)
FIRE = 80
PCAP = 640


def _leaky(v):
    return jnp.where(v >= 0, v, NEG_SLOPE * v)


def _sc_agg_body(y_hbm, src_hbm, dst_hbm, ea_hbm, out_hbm,
                 srcc, dstc, eac, srcc1, dstc1, eac1,
                 psrc, pdl, pea, rows_v, acc, sem0, sem1, gsem):
    c = lax.axis_index("c")
    s = lax.axis_index("s")
    tid = c * NUM_SUBCORES + s
    tid_vec = jnp.full((VPC,), tid, jnp.int32)
    iota = lax.iota(jnp.int32, VPC)
    zeros16 = jnp.zeros((VPC,), jnp.float32)
    zeros16i = jnp.zeros((VPC,), jnp.int32)

    def zrow(r, carry):
        for i in range(D // VPC):
            acc[r, pl.ds(i * VPC, VPC)] = zeros16
        return carry
    lax.fori_loop(0, ROWS_PER_TILE, zrow, 0)

    def fire(f, carry):
        off = pl.multiple_of(f * FIRE, FIRE)
        pltpu.async_copy(y_hbm.at[psrc.at[pl.ds(off, FIRE)]], rows_v, gsem).wait()

        def consume(k2, c2):
            for kk in range(2):
                k = k2 * 2 + kk
                pidx = jnp.full((VPC,), off + k, jnp.int32)
                ea_b = plsc.load_gather(pea, [pidx])
                dl_b = plsc.load_gather(pdl, [pidx])
                for i in range(D // VPC):
                    v = rows_v[k, pl.ds(i * VPC, VPC)] * ea_b
                    plsc.addupdate_scatter(acc, [dl_b, iota + (i * VPC)], v)
            return c2
        lax.fori_loop(0, FIRE // 2, consume, 0)
        return carry

    def append_vreg(base, np_vec, mask_all, sb, db, eb):
        dvec = db[pl.ds(base, VPC)]
        svec = sb[pl.ds(base, VPC)]
        avec = eb[pl.ds(base, VPC)]
        owner = lax.shift_right_logical(
            lax.shift_right_logical(dvec, 6) * 52429, 18)
        if mask_all:
            m = jnp.ones((VPC,), jnp.bool_)
            pos = iota
            cnt = jnp.full((VPC,), VPC, jnp.int32)
        else:
            m = owner == tid_vec
            m_i = jnp.where(m, 1, 0).astype(jnp.int32)
            pos = plsc.cumsum(m_i) - m_i
            cnt = plsc.all_reduce_population_count(m)
        local = dvec - owner * ROWS_PER_TILE
        idx = np_vec + pos
        plsc.store_scatter(psrc, [idx], svec, mask=m)
        plsc.store_scatter(pea, [idx], avec, mask=m)
        plsc.store_scatter(pdl, [idx], local, mask=m)
        return np_vec + cnt

    def drain_fires(np_vec):
        np_s = jnp.max(np_vec)
        nf = np_s // FIRE
        lax.fori_loop(0, nf, fire, 0)
        sh = nf * FIRE
        for t in range(FIRE // VPC):
            o = pl.multiple_of(sh + t * VPC, VPC)
            psrc[pl.ds(t * VPC, VPC)] = psrc[pl.ds(o, VPC)]
            pea[pl.ds(t * VPC, VPC)] = pea[pl.ds(o, VPC)]
            pdl[pl.ds(t * VPC, VPC)] = pdl[pl.ds(o, VPC)]
        left = np_s - sh
        return jnp.full((VPC,), 1, jnp.int32) * left

    def prefetch(g, sb, db, eb, sm):
        o = g * CHUNK
        pltpu.async_copy(src_hbm.at[pl.ds(o, CHUNK)], sb, sm)
        pltpu.async_copy(dst_hbm.at[pl.ds(o, CHUNK)], db, sm)
        pltpu.async_copy(ea_hbm.at[pl.ds(o, CHUNK)], eb, sm)

    def wait_prefetch(g, sb, db, eb, sm):
        o = g * CHUNK
        pltpu.make_async_copy(src_hbm.at[pl.ds(o, CHUNK)], sb, sm).wait()
        pltpu.make_async_copy(dst_hbm.at[pl.ds(o, CHUNK)], db, sm).wait()
        pltpu.make_async_copy(ea_hbm.at[pl.ds(o, CHUNK)], eb, sm).wait()

    def scan_chunk(sb, db, eb, np_vec):
        def check_body(k, np_vec2):
            def app(u, np_vec3):
                for uu in range(5):
                    base = (k * CHECK_VREGS + u * 5 + uu) * VPC
                    np_vec3 = append_vreg(base, np_vec3, False, sb, db, eb)
                return np_vec3
            np_vec2 = lax.fori_loop(0, CHECK_VREGS // 5, app, np_vec2)
            return drain_fires(np_vec2)
        return lax.fori_loop(0, CHECKS_PER_CHUNK, check_body, np_vec)

    prefetch(0, srcc, dstc, eac, sem0)

    def pair(h, np_vec):
        g0 = h * 2
        wait_prefetch(g0, srcc, dstc, eac, sem0)
        prefetch(g0 + 1, srcc1, dstc1, eac1, sem1)
        np_vec = scan_chunk(srcc, dstc, eac, np_vec)
        wait_prefetch(g0 + 1, srcc1, dstc1, eac1, sem1)

        @pl.when(h < NCHUNK // 2 - 1)
        def _():
            prefetch(g0 + 2, srcc, dstc, eac, sem0)
        return scan_chunk(srcc1, dstc1, eac1, np_vec)

    np_vec = lax.fori_loop(0, NCHUNK // 2, pair, zeros16i)

    def fake(u, np_vec2):
        srcc[pl.ds(u * VPC, VPC)] = zeros16i
        dstc[pl.ds(u * VPC, VPC)] = tid_vec * ROWS_PER_TILE
        eac[pl.ds(u * VPC, VPC)] = zeros16
        return append_vreg(u * VPC, np_vec2, True, srcc, dstc, eac)
    np_vec = lax.fori_loop(0, FIRE // VPC, fake, np_vec)
    drain_fires(np_vec)

    pltpu.sync_copy(acc, out_hbm.at[pl.ds(tid * ROWS_PER_TILE, ROWS_PER_TILE)])


_sc_agg = pl.kernel(
    _sc_agg_body,
    out_type=jax.ShapeDtypeStruct((N_PAD, D), jnp.float32),
    mesh=plsc.VectorSubcoreMesh(core_axis_name="c", subcore_axis_name="s",
                                num_cores=NUM_CORES,
                                num_subcores=NUM_SUBCORES),
    compiler_params=pltpu.CompilerParams(needs_layout_passes=False),
    scratch_types=[
        pltpu.VMEM((CHUNK,), jnp.int32),
        pltpu.VMEM((CHUNK,), jnp.int32),
        pltpu.VMEM((CHUNK,), jnp.float32),
        pltpu.VMEM((CHUNK,), jnp.int32),
        pltpu.VMEM((CHUNK,), jnp.int32),
        pltpu.VMEM((CHUNK,), jnp.float32),
        pltpu.VMEM((PCAP,), jnp.int32),
        pltpu.VMEM((PCAP,), jnp.int32),
        pltpu.VMEM((PCAP,), jnp.float32),
        pltpu.VMEM((FIRE, D), jnp.float32),
        pltpu.VMEM((ROWS_PER_TILE, D), jnp.float32),
        pltpu.SemaphoreType.DMA,
        pltpu.SemaphoreType.DMA,
        pltpu.SemaphoreType.DMA,
    ],
)


def _post_body(a_ref, x_ref, wr_ref, wt_ref, br_ref, wl_ref, bl_ref,
               x3_ref, s_ref, q_ref):
    i = pl.program_id(0)
    x1 = (jnp.dot(a_ref[...], wr_ref[...], preferred_element_type=jnp.float32)
          + jnp.dot(x_ref[...], wt_ref[...], preferred_element_type=jnp.float32)
          + br_ref[...])
    x2 = _leaky(x1)
    x3 = jnp.dot(x2, wl_ref[...], preferred_element_type=jnp.float32) + bl_ref[...]
    x3_ref[...] = x3

    @pl.when(i == 0)
    def _():
        s_ref[...] = jnp.zeros_like(s_ref)
        q_ref[...] = jnp.zeros_like(q_ref)

    s_ref[...] += jnp.sum(x3, axis=0, keepdims=True)
    q_ref[...] += jnp.sum(x3 * x3, axis=0, keepdims=True)


def _post(a, x, wrT, wtT, br, wlT, bl):
    blk = 1000
    grid = N // blk
    return pl.pallas_call(
        _post_body,
        grid=(grid,),
        in_specs=[
            pl.BlockSpec((blk, D), lambda i: (i, 0)),
            pl.BlockSpec((blk, D), lambda i: (i, 0)),
            pl.BlockSpec((D, D), lambda i: (0, 0)),
            pl.BlockSpec((D, D), lambda i: (0, 0)),
            pl.BlockSpec((1, D), lambda i: (0, 0)),
            pl.BlockSpec((D, D), lambda i: (0, 0)),
            pl.BlockSpec((1, D), lambda i: (0, 0)),
        ],
        out_specs=[
            pl.BlockSpec((blk, D), lambda i: (i, 0)),
            pl.BlockSpec((1, D), lambda i: (0, 0)),
            pl.BlockSpec((1, D), lambda i: (0, 0)),
        ],
        out_shape=[
            jax.ShapeDtypeStruct((N, D), jnp.float32),
            jax.ShapeDtypeStruct((1, D), jnp.float32),
            jax.ShapeDtypeStruct((1, D), jnp.float32),
        ],
    )(a, x, wrT, wtT, br, wlT, bl)


def _bn_body(x3_ref, s_ref, q_ref, g_ref, b_ref, o_ref):
    mean = s_ref[...] / N
    var = q_ref[...] / N - mean * mean
    scale = lax.rsqrt(var + EPS) * g_ref[...]
    x4 = (x3_ref[...] - mean) * scale + b_ref[...]
    o_ref[...] = _leaky(x4)


def _bn(x3, s, q, g, b):
    blk = 1000
    grid = N // blk
    return pl.pallas_call(
        _bn_body,
        grid=(grid,),
        in_specs=[
            pl.BlockSpec((blk, D), lambda i: (i, 0)),
            pl.BlockSpec((1, D), lambda i: (0, 0)),
            pl.BlockSpec((1, D), lambda i: (0, 0)),
            pl.BlockSpec((1, D), lambda i: (0, 0)),
            pl.BlockSpec((1, D), lambda i: (0, 0)),
        ],
        out_specs=pl.BlockSpec((blk, D), lambda i: (i, 0)),
        out_shape=jax.ShapeDtypeStruct((N, D), jnp.float32),
    )(x3, s, q, g, b)


def kernel(x, edge_index, batch, edge_attr, W_rel, b_rel, W_root, W_lin, b_lin, gamma, beta):
    agg = _sc_agg(x, edge_index[0], edge_index[1], edge_attr)
    x3, s, q = _post(agg, x, W_rel.T, W_root.T, b_rel.reshape(1, D),
                     W_lin.T, b_lin.reshape(1, D))
    return _bn(x3, s, q, gamma.reshape(1, D), beta.reshape(1, D))

# --- scband reference (transcript-rebuilt; emitter-appended) ---
"""Pipeline reference for scband-batch-norm-gnnlayer-33492154974255 (READ-ONLY COPY).

The authoritative reference and input builder live on the scoring server;
editing this copy changes nothing except your own understanding.
"""

import jax, jax.numpy as jnp
import numpy as np

N = 10000
E = 320000
D_IN = 128
D_H = 128
NEG_SLOPE = 0.01
EPS = 1e-5


def _leaky(x):
    return jnp.where(x >= 0, x, NEG_SLOPE * x)


def setup_inputs(seed: int = 0) -> dict:
    key = jax.random.key(seed)
    ks = jax.random.split(key, 10)
    x = jax.random.normal(ks[0], (N, D_IN), dtype=jnp.float32)
    edge_index = jax.random.randint(ks[1], (2, E), 0, N, dtype=jnp.int32)
    batch = jnp.zeros((N,), dtype=jnp.int32)
    edge_attr = jax.random.uniform(ks[2], (E,), dtype=jnp.float32)
    # GraphConv params (PyG): lin_rel (with bias) applied to aggregated messages,
    # lin_root (no bias) applied to root features. Xavier-uniform-like init.
    lim_rel = float(np.sqrt(6.0 / (D_IN + D_H)))
    W_rel = jax.random.uniform(ks[3], (D_H, D_IN), dtype=jnp.float32, minval=-lim_rel, maxval=lim_rel)
    b_rel = jnp.zeros((D_H,), dtype=jnp.float32)
    W_root = jax.random.uniform(ks[4], (D_H, D_IN), dtype=jnp.float32, minval=-lim_rel, maxval=lim_rel)
    lim_lin = float(np.sqrt(6.0 / (D_H + D_H)))
    W_lin = jax.random.uniform(ks[5], (D_H, D_H), dtype=jnp.float32, minval=-lim_lin, maxval=lim_lin)
    b_lin = jnp.zeros((D_H,), dtype=jnp.float32)
    gamma = jnp.ones((D_H,), dtype=jnp.float32)
    beta = jnp.zeros((D_H,), dtype=jnp.float32)
    return {"x": x, "edge_index": edge_index, "batch": batch, "edge_attr": edge_attr,
            "W_rel": W_rel, "b_rel": b_rel, "W_root": W_root,
            "W_lin": W_lin, "b_lin": b_lin, "gamma": gamma, "beta": beta}


def reference(x, edge_index, batch, edge_attr, W_rel, b_rel, W_root, W_lin, b_lin, gamma, beta):
    src = edge_index[0]
    dst = edge_index[1]
    # GraphConv with aggr='add': message = x_src * edge_weight, scatter-add to dst
    msg = jnp.take(x, src, axis=0) * edge_attr[:, None]
    agg = jnp.zeros((N, D_IN), dtype=x.dtype).at[dst].add(msg)
    x1 = agg @ W_rel.T + b_rel + x @ W_root.T
    x2 = _leaky(x1)
    x3 = x2 @ W_lin.T + b_lin
    # BatchNorm1d over nodes (training-mode batch statistics, biased variance)
    mean = jnp.mean(x3, axis=0)
    var = jnp.mean((x3 - mean) ** 2, axis=0)
    x4 = (x3 - mean) / jnp.sqrt(var + EPS) * gamma + beta
    x5 = _leaky(x4)
    return x5

if __name__ == "__main__":
    import jax
    _d = setup_inputs()
    print(jax.jit(kernel)(*tuple(_d.values())))

</pallas_src>

<mosaic_0001>
#map = affine_map<(d0, d1) -> (0, 0)>
#map1 = affine_map<(d0, d1) -> (0)>
module attributes {stable_mosaic.version = 14 : i64} {
  func.func @_sc_agg_body(%arg0: i32, %arg1: i32, %arg2: memref<10000x128xf32, #tpu.memory_space<hbm>>, %arg3: memref<320000xi32, #tpu.memory_space<hbm>>, %arg4: memref<320000xi32, #tpu.memory_space<hbm>>, %arg5: memref<320000xf32, #tpu.memory_space<hbm>>, %arg6: memref<10240x128xf32, #tpu.memory_space<hbm>>, %arg7: memref<10000xi32, #tpu.memory_space<vmem>>, %arg8: memref<10000xi32, #tpu.memory_space<vmem>>, %arg9: memref<10000xf32, #tpu.memory_space<vmem>>, %arg10: memref<10000xi32, #tpu.memory_space<vmem>>, %arg11: memref<10000xi32, #tpu.memory_space<vmem>>, %arg12: memref<10000xf32, #tpu.memory_space<vmem>>, %arg13: memref<640xi32, #tpu.memory_space<vmem>>, %arg14: memref<640xi32, #tpu.memory_space<vmem>>, %arg15: memref<640xf32, #tpu.memory_space<vmem>>, %arg16: memref<80x128xf32, #tpu.memory_space<vmem>>, %arg17: memref<320x128xf32, #tpu.memory_space<vmem>>, %arg18: memref<!tpu.dma_semaphore, #tpu.memory_space<semaphore_mem>>, %arg19: memref<!tpu.dma_semaphore, #tpu.memory_space<semaphore_mem>>, %arg20: memref<!tpu.dma_semaphore, #tpu.memory_space<semaphore_mem>>) attributes {dimension_semantics = [#tpu.dimension_semantics<core_parallel>, #tpu.dimension_semantics<subcore_parallel>], iteration_bounds = array<i64: 2, 16>, scalar_prefetch = 0 : i64, scratch_operands = 14 : i64, tpu.core_type = #tpu.core_type<sc_vector_subcore>, window_params = [{transform_indices = #map}, {transform_indices = #map1}, {transform_indices = #map1}, {transform_indices = #map1}, {transform_indices = #map}]} {
    %mul3A = arith.constant 16 : i32
    %mul3A_0 = arith.muli %arg0, %mul3A : i32
    %add3A = arith.addi %mul3A_0, %arg1 : i32
    %broadcast_in_dim3A = vector.broadcast %add3A : i32 to vector<16xi32>
    %iota3A = tpu.iota {dimensions = array<i32: 0>} : vector<16xi32>
    %broadcast_in_dim3A_1 = arith.constant 0.000000e+00 : f32
    %broadcast_in_dim3A_2 = vector.broadcast %broadcast_in_dim3A_1 : f32 to vector<16xf32>
    %broadcast_in_dim3A_3 = arith.constant 0 : i32
    %broadcast_in_dim3A_4 = vector.broadcast %broadcast_in_dim3A_3 : i32 to vector<16xi32>
    %scan3A = arith.constant 0 : i32
    %scan3A_5 = arith.constant 0 : i32
    %scan3A_6 = arith.constant 320 : i32
    %scan3A_7 = arith.addi %scan3A_5, %scan3A_6 : i32
    %scan3A_8 = arith.constant 1 : i32
    scf.for %scan3A_146 = %scan3A_5 to %scan3A_7 step %scan3A_8  : i32 {
      %swap3A_147 = arith.index_cast %scan3A_146 : i32 to index
      %swap3A_148 = arith.constant 0 : index
      %swap3A_149 = tpu.vector_load %arg17[%swap3A_147, %swap3A_148] {strides = array<i32>} : memref<320x128xf32, #tpu.memory_space<vmem>>, vector<16xf32>,
      tpu.vector_store %arg17[%swap3A_147, %swap3A_148], %broadcast_in_dim3A_2 {strides = array<i32>} : memref<320x128xf32, #tpu.memory_space<vmem>>, vector<16xf32>,
      %swap3A_150 = arith.index_cast %scan3A_146 : i32 to index
      %swap3A_151 = arith.constant 16 : index
      %swap3A_152 = tpu.vector_load %arg17[%swap3A_150, %swap3A_151] {strides = array<i32>} : memref<320x128xf32, #tpu.memory_space<vmem>>, vector<16xf32>,
      tpu.vector_store %arg17[%swap3A_150, %swap3A_151], %broadcast_in_dim3A_2 {strides = array<i32>} : memref<320x128xf32, #tpu.memory_space<vmem>>, vector<16xf32>,
      %swap3A_153 = arith.index_cast %scan3A_146 : i32 to index
      %swap3A_154 = arith.constant 32 : index
      %swap3A_155 = tpu.vector_load %arg17[%swap3A_153, %swap3A_154] {strides = array<i32>} : memref<320x128xf32, #tpu.memory_space<vmem>>, vector<16xf32>,
      tpu.vector_store %arg17[%swap3A_153, %swap3A_154], %broadcast_in_dim3A_2 {strides = array<i32>} : memref<320x128xf32, #tpu.memory_space<vmem>>, vector<16xf32>,
      %swap3A_156 = arith.index_cast %scan3A_146 : i32 to index
      %swap3A_157 = arith.constant 48 : index
      %swap3A_158 = tpu.vector_load %arg17[%swap3A_156, %swap3A_157] {strides = array<i32>} : memref<320x128xf32, #tpu.memory_space<vmem>>, vector<16xf32>,
      tpu.vector_store %arg17[%swap3A_156, %swap3A_157], %broadcast_in_dim3A_2 {strides = array<i32>} : memref<320x128xf32, #tpu.memory_space<vmem>>, vector<16xf32>,
      %swap3A_159 = arith.index_cast %scan3A_146 : i32 to index
      %swap3A_160 = arith.constant 64 : index
      %swap3A_161 = tpu.vector_load %arg17[%swap3A_159, %swap3A_160] {strides = array<i32>} : memref<320x128xf32, #tpu.memory_space<vmem>>, vector<16xf32>,
      tpu.vector_store %arg17[%swap3A_159, %swap3A_160], %broadcast_in_dim3A_2 {strides = array<i32>} : memref<320x128xf32, #tpu.memory_space<vmem>>, vector<16xf32>,
      %swap3A_162 = arith.index_cast %scan3A_146 : i32 to index
      %swap3A_163 = arith.constant 80 : index
      %swap3A_164 = tpu.vector_load %arg17[%swap3A_162, %swap3A_163] {strides = array<i32>} : memref<320x128xf32, #tpu.memory_space<vmem>>, vector<16xf32>,
      tpu.vector_store %arg17[%swap3A_162, %swap3A_163], %broadcast_in_dim3A_2 {strides = array<i32>} : memref<320x128xf32, #tpu.memory_space<vmem>>, vector<16xf32>,
      %swap3A_165 = arith.index_cast %scan3A_146 : i32 to index
      %swap3A_166 = arith.constant 96 : index
      %swap3A_167 = tpu.vector_load %arg17[%swap3A_165, %swap3A_166] {strides = array<i32>} : memref<320x128xf32, #tpu.memory_space<vmem>>, vector<16xf32>,
      tpu.vector_store %arg17[%swap3A_165, %swap3A_166], %broadcast_in_dim3A_2 {strides = array<i32>} : memref<320x128xf32, #tpu.memory_space<vmem>>, vector<16xf32>,
      %swap3A_168 = arith.index_cast %scan3A_146 : i32 to index
      %swap3A_169 = arith.constant 112 : index
      %swap3A_170 = tpu.vector_load %arg17[%swap3A_168, %swap3A_169] {strides = array<i32>} : memref<320x128xf32, #tpu.memory_space<vmem>>, vector<16xf32>,
      tpu.vector_store %arg17[%swap3A_168, %swap3A_169], %broadcast_in_dim3A_2 {strides = array<i32>} : memref<320x128xf32, #tpu.memory_space<vmem>>, vector<16xf32>,
    }
    %scan3A_9 = arith.constant 320 : i32
    %dma_start3A = arith.constant 0 : i32
    %dma_start3A_10 = tpu.memref_slice %arg3[%dma_start3A] : memref<320000xi32, #tpu.memory_space<hbm>> -> memref<10000xi32, #tpu.memory_space<hbm>>
    %dma_start3A_11 = arith.constant 0 : i32
    %dma_start3A_12 = tpu.memref_slice %arg3[%dma_start3A_11] : memref<320000xi32, #tpu.memory_space<hbm>> -> memref<10000xi32, #tpu.memory_space<hbm>>
    tpu.enqueue_dma source(%dma_start3A_12 : memref<10000xi32, #tpu.memory_space<hbm>>) target(%arg7 : memref<10000xi32, #tpu.memory_space<vmem>>) target_semaphore(%arg18 : memref<!tpu.dma_semaphore, #tpu.memory_space<semaphore_mem>>)
    %dma_start3A_13 = arith.constant 0 : i32
    %dma_start3A_14 = tpu.memref_slice %arg4[%dma_start3A_13] : memref<320000xi32, #tpu.memory_space<hbm>> -> memref<10000xi32, #tpu.memory_space<hbm>>
    %dma_start3A_15 = arith.constant 0 : i32
    %dma_start3A_16 = tpu.memref_slice %arg4[%dma_start3A_15] : memref<320000xi32, #tpu.memory_space<hbm>> -> memref<10000xi32, #tpu.memory_space<hbm>>
    tpu.enqueue_dma source(%dma_start3A_16 : memref<10000xi32, #tpu.memory_space<hbm>>) target(%arg8 : memref<10000xi32, #tpu.memory_space<vmem>>) target_semaphore(%arg18 : memref<!tpu.dma_semaphore, #tpu.memory_space<semaphore_mem>>)
    %dma_start3A_17 = arith.constant 0 : i32
    %dma_start3A_18 = tpu.memref_slice %arg5[%dma_start3A_17] : memref<320000xf32, #tpu.memory_space<hbm>> -> memref<10000xf32, #tpu.memory_space<hbm>>
    %dma_start3A_19 = arith.constant 0 : i32
    %dma_start3A_20 = tpu.memref_slice %arg5[%dma_start3A_19] : memref<320000xf32, #tpu.memory_space<hbm>> -> memref<10000xf32, #tpu.memory_space<hbm>>
    tpu.enqueue_dma source(%dma_start3A_20 : memref<10000xf32, #tpu.memory_space<hbm>>) target(%arg9 : memref<10000xf32, #tpu.memory_space<vmem>>) target_semaphore(%arg18 : memref<!tpu.dma_semaphore, #tpu.memory_space<semaphore_mem>>)
    %scan3A_21 = arith.constant 0 : i32
    %scan3A_22 = arith.constant 16 : i32
    %scan3A_23 = arith.addi %scan3A_21, %scan3A_22 : i32
    %scan3A_24 = arith.constant 1 : i32
    %scan3A_25 = scf.for %scan3A_146 = %scan3A_21 to %scan3A_23 step %scan3A_24 iter_args(%scan3A_147 = %broadcast_in_dim3A_4) -> (vector<16xi32>)  : i32 {
      %mul3A_148 = arith.constant 2 : i32
      %mul3A_149 = arith.muli %scan3A_146, %mul3A_148 : i32
      %mul3A_150 = arith.constant 10000 : i32
      %mul3A_151 = arith.muli %mul3A_149, %mul3A_150 : i32
      %dma_wait3A = tpu.memref_slice %arg3[%mul3A_151] : memref<320000xi32, #tpu.memory_space<hbm>> -> memref<10000xi32, #tpu.memory_space<hbm>>
      %dma_wait3A_152 = tpu.memref_slice %arg3[%mul3A_151] : memref<320000xi32, #tpu.memory_space<hbm>> -> memref<10000xi32, #tpu.memory_space<hbm>>
      tpu.wait_dma2 semaphore(%arg18 : memref<!tpu.dma_semaphore, #tpu.memory_space<semaphore_mem>>) src(%dma_wait3A_152 : memref<10000xi32, #tpu.memory_space<hbm>>) dst(%arg7 : memref<10000xi32, #tpu.memory_space<vmem>>)
      %dma_wait3A_153 = tpu.memref_slice %arg4[%mul3A_151] : memref<320000xi32, #tpu.memory_space<hbm>> -> memref<10000xi32, #tpu.memory_space<hbm>>
      %dma_wait3A_154 = tpu.memref_slice %arg4[%mul3A_151] : memref<320000xi32, #tpu.memory_space<hbm>> -> memref<10000xi32, #tpu.memory_space<hbm>>
      tpu.wait_dma2 semaphore(%arg18 : memref<!tpu.dma_semaphore, #tpu.memory_space<semaphore_mem>>) src(%dma_wait3A_154 : memref<10000xi32, #tpu.memory_space<hbm>>) dst(%arg8 : memref<10000xi32, #tpu.memory_space<vmem>>)
      %dma_wait3A_155 = tpu.memref_slice %arg5[%mul3A_151] : memref<320000xf32, #tpu.memory_space<hbm>> -> memref<10000xf32, #tpu.memory_space<hbm>>
      %dma_wait3A_156 = tpu.memref_slice %arg5[%mul3A_151] : memref<320000xf32, #tpu.memory_space<hbm>> -> memref<10000xf32, #tpu.memory_space<hbm>>
      tpu.wait_dma2 semaphore(%arg18 : memref<!tpu.dma_semaphore, #tpu.memory_space<semaphore_mem>>) src(%dma_wait3A_156 : memref<10000xf32, #tpu.memory_space<hbm>>) dst(%arg9 : memref<10000xf32, #tpu.memory_space<vmem>>)
      %add3A_157 = arith.constant 1 : i32
      %add3A_158 = arith.addi %mul3A_149, %add3A_157 : i32
      %mul3A_159 = arith.constant 10000 : i32
      %mul3A_160 = arith.muli %add3A_158, %mul3A_159 : i32
      %dma_start3A_161 = tpu.memref_slice %arg3[%mul3A_160] : memref<320000xi32, #tpu.memory_space<hbm>> -> memref<10000xi32, #tpu.memory_space<hbm>>
      %dma_start3A_162 = tpu.memref_slice %arg3[%mul3A_160] : memref<320000xi32, #tpu.memory_space<hbm>> -> memref<10000xi32, #tpu.memory_space<hbm>>
      tpu.enqueue_dma source(%dma_start3A_162 : memref<10000xi32, #tpu.memory_space<hbm>>) target(%arg10 : memref<10000xi32, #tpu.memory_space<vmem>>) target_semaphore(%arg19 : memref<!tpu.dma_semaphore, #tpu.memory_space<semaphore_mem>>)
      %dma_start3A_163 = tpu.memref_slice %arg4[%mul3A_160] : memref<320000xi32, #tpu.memory_space<hbm>> -> memref<10000xi32, #tpu.memory_space<hbm>>
      %dma_start3A_164 = tpu.memref_slice %arg4[%mul3A_160] : memref<320000xi32, #tpu.memory_space<hbm>> -> memref<10000xi32, #tpu.memory_space<hbm>>
      tpu.enqueue_dma source(%dma_start3A_164 : memref<10000xi32, #tpu.memory_space<hbm>>) target(%arg11 : memref<10000xi32, #tpu.memory_space<vmem>>) target_semaphore(%arg19 : memref<!tpu.dma_semaphore, #tpu.memory_space<semaphore_mem>>)
      %dma_start3A_165 = tpu.memref_slice %arg5[%mul3A_160] : memref<320000xf32, #tpu.memory_space<hbm>> -> memref<10000xf32, #tpu.memory_space<hbm>>
      %dma_start3A_166 = tpu.memref_slice %arg5[%mul3A_160] : memref<320000xf32, #tpu.memory_space<hbm>> -> memref<10000xf32, #tpu.memory_space<hbm>>
      tpu.enqueue_dma source(%dma_start3A_166 : memref<10000xf32, #tpu.memory_space<hbm>>) target(%arg12 : memref<10000xf32, #tpu.memory_space<vmem>>) target_semaphore(%arg19 : memref<!tpu.dma_semaphore, #tpu.memory_space<semaphore_mem>>)
      %scan3A_167 = arith.constant 0 : i32
      %scan3A_168 = arith.constant 25 : i32
      %scan3A_169 = arith.addi %scan3A_167, %scan3A_168 : i32
      %scan3A_170 = arith.constant 1 : i32
      %scan3A_171 = scf.for %scan3A_191 = %scan3A_167 to %scan3A_169 step %scan3A_170 iter_args(%scan3A_192 = %scan3A_147) -> (vector<16xi32>)  : i32 {
        %scan3A_193 = arith.constant 0 : i32
        %scan3A_194 = arith.constant 5 : i32
        %scan3A_195 = arith.addi %scan3A_193, %scan3A_194 : i32
        %scan3A_196 = arith.constant 1 : i32
        %scan3A_197 = scf.for %scan3A_323 = %scan3A_193 to %scan3A_195 step %scan3A_196 iter_args(%scan3A_324 = %scan3A_192) -> (vector<16xi32>)  : i32 {
          %mul3A_325 = arith.constant 25 : i32
          %mul3A_326 = arith.muli %scan3A_191, %mul3A_325 : i32
          %mul3A_327 = arith.constant 5 : i32
          %mul3A_328 = arith.muli %scan3A_323, %mul3A_327 : i32
          %add3A_329 = arith.addi %mul3A_326, %mul3A_328 : i32
          %add3A_330 = arith.constant 0 : i32
          %add3A_331 = arith.addi %add3A_329, %add3A_330 : i32
          %mul3A_332 = arith.constant 16 : i32
          %mul3A_333 = arith.muli %add3A_331, %mul3A_332 : i32
          %get3A_334 = arith.index_cast %mul3A_333 : i32 to index
          %get3A_335 = tpu.vector_load %arg8[%get3A_334] {strides = array<i32>} : memref<10000xi32, #tpu.memory_space<vmem>>, vector<16xi32>,
          %get3A_336 = arith.index_cast %mul3A_333 : i32 to index
          %get3A_337 = tpu.vector_load %arg7[%get3A_336] {strides = array<i32>} : memref<10000xi32, #tpu.memory_space<vmem>>, vector<16xi32>,
          %get3A_338 = arith.index_cast %mul3A_333 : i32 to index
          %get3A_339 = tpu.vector_load %arg9[%get3A_338] {strides = array<i32>} : memref<10000xf32, #tpu.memory_space<vmem>>, vector<16xf32>,
          %shift_right_logical3A = arith.constant 6 : i32
          %shift_right_logical3A_340 = vector.broadcast %shift_right_logical3A : i32 to vector<16xi32>
          %shift_right_logical3A_341 = arith.shrui %get3A_335, %shift_right_logical3A_340 : vector<16xi32>
          %mul3A_342 = arith.constant 52429 : i32
          %mul3A_343 = vector.broadcast %mul3A_342 : i32 to vector<16xi32>
          %mul3A_344 = arith.muli %shift_right_logical3A_341, %mul3A_343 : vector<16xi32>
          %shift_right_logical3A_345 = arith.constant 18 : i32
          %shift_right_logical3A_346 = vector.broadcast %shift_right_logical3A_345 : i32 to vector<16xi32>
          %shift_right_logical3A_347 = arith.shrui %mul3A_344, %shift_right_logical3A_346 : vector<16xi32>
          %eq3A = arith.cmpi eq, %shift_right_logical3A_347, %broadcast_in_dim3A : vector<16xi32>
          %jit3A_348 = arith.constant 1 : i32
          %jit3A_349 = arith.constant 0 : i32
          %broadcast_in_dim3A_350 = vector.broadcast %jit3A_348 : i32 to vector<16xi32>
          %broadcast_in_dim3A_351 = vector.broadcast %jit3A_349 : i32 to vector<16xi32>
          %select_n3A_352 = arith.select %eq3A, %broadcast_in_dim3A_350, %broadcast_in_dim3A_351 : vector<16xi1>, vector<16xi32>
          %broadcast_in_dim3A_353 = arith.constant true
          %broadcast_in_dim3A_354 = vector.broadcast %broadcast_in_dim3A_353 : i1 to vector<16xi1>
          %masked_cumsum3A = tpu.scan <sum>, %select_n3A_352 masked %broadcast_in_dim3A_354 : vector<16xi32>, vector<16xi1> -> vector<16xi32>
          %sub3A_355 = arith.subi %masked_cumsum3A, %select_n3A_352 : vector<16xi32>
          %all_reduce_population_count3A = tpu.all_reduce %eq3A {dim = 0 : i64, kind = #tpu.reduction_kind<sum>} : vector<16xi1> -> vector<16xi32>
          %mul3A_356 = arith.constant 320 : i32
          %mul3A_357 = vector.broadcast %mul3A_356 : i32 to vector<16xi32>
          %mul3A_358 = arith.muli %shift_right_logical3A_347, %mul3A_357 : vector<16xi32>
          %sub3A_359 = arith.subi %get3A_335, %mul3A_358 : vector<16xi32>
          %add3A_360 = arith.addi %scan3A_324, %sub3A_355 : vector<16xi32>
          tpu.vector_store_idx %arg13[%add3A_360], %get3A_337 masked %eq3A : memref<640xi32, #tpu.memory_space<vmem>>[vector<16xi32>], vector<16xi32>, vector<16xi1>
          tpu.vector_store_idx %arg15[%add3A_360], %get3A_339 masked %eq3A : memref<640xf32, #tpu.memory_space<vmem>>[vector<16xi32>], vector<16xf32>, vector<16xi1>
          tpu.vector_store_idx %arg14[%add3A_360], %sub3A_359 masked %eq3A : memref<640xi32, #tpu.memory_space<vmem>>[vector<16xi32>], vector<16xi32>, vector<16xi1>
          %add3A_361 = arith.addi %scan3A_324, %all_reduce_population_count3A : vector<16xi32>
          %mul3A_362 = arith.constant 25 : i32
          %mul3A_363 = arith.muli %scan3A_191, %mul3A_362 : i32
          %mul3A_364 = arith.constant 5 : i32
          %mul3A_365 = arith.muli %scan3A_323, %mul3A_364 : i32
          %add3A_366 = arith.addi %mul3A_363, %mul3A_365 : i32
          %add3A_367 = arith.constant 1 : i32
          %add3A_368 = arith.addi %add3A_366, %add3A_367 : i32
          %mul3A_369 = arith.constant 16 : i32
          %mul3A_370 = arith.muli %add3A_368, %mul3A_369 : i32
          %get3A_371 = arith.index_cast %mul3A_370 : i32 to index
          %get3A_372 = tpu.vector_load %arg8[%get3A_371] {strides = array<i32>} : memref<10000xi32, #tpu.memory_space<vmem>>, vector<16xi32>,
          %get3A_373 = arith.index_cast %mul3A_370 : i32 to index
          %get3A_374 = tpu.vector_load %arg7[%get3A_373] {strides = array<i32>} : memref<10000xi32, #tpu.memory_space<vmem>>, vector<16xi32>,
          %get3A_375 = arith.index_cast %mul3A_370 : i32 to index
          %get3A_376 = tpu.vector_load %arg9[%get3A_375] {strides = array<i32>} : memref<10000xf32, #tpu.memory_space<vmem>>, vector<16xf32>,
          %shift_right_logical3A_377 = arith.constant 6 : i32
          %shift_right_logical3A_378 = vector.broadcast %shift_right_logical3A_377 : i32 to vector<16xi32>
          %shift_right_logical3A_379 = arith.shrui %get3A_372, %shift_right_logical3A_378 : vector<16xi32>
          %mul3A_380 = arith.constant 52429 : i32
          %mul3A_381 = vector.broadcast %mul3A_380 : i32 to vector<16xi32>
          %mul3A_382 = arith.muli %shift_right_logical3A_379, %mul3A_381 : vector<16xi32>
          %shift_right_logical3A_383 = arith.constant 18 : i32
          %shift_right_logical3A_384 = vector.broadcast %shift_right_logical3A_383 : i32 to vector<16xi32>
          %shift_right_logical3A_385 = arith.shrui %mul3A_382, %shift_right_logical3A_384 : vector<16xi32>
          %eq3A_386 = arith.cmpi eq, %shift_right_logical3A_385, %broadcast_in_dim3A : vector<16xi32>
          %jit3A_387 = arith.constant 1 : i32
          %jit3A_388 = arith.constant 0 : i32
          %broadcast_in_dim3A_389 = vector.broadcast %jit3A_387 : i32 to vector<16xi32>
          %broadcast_in_dim3A_390 = vector.broadcast %jit3A_388 : i32 to vector<16xi32>
          %select_n3A_391 = arith.select %eq3A_386, %broadcast_in_dim3A_389, %broadcast_in_dim3A_390 : vector<16xi1>, vector<16xi32>
          %broadcast_in_dim3A_392 = arith.constant true
          %broadcast_in_dim3A_393 = vector.broadcast %broadcast_in_dim3A_392 : i1 to vector<16xi1>
          %masked_cumsum3A_394 = tpu.scan <sum>, %select_n3A_391 masked %broadcast_in_dim3A_393 : vector<16xi32>, vector<16xi1> -> vector<16xi32>
          %sub3A_395 = arith.subi %masked_cumsum3A_394, %select_n3A_391 : vector<16xi32>
          %all_reduce_population_count3A_396 = tpu.all_reduce %eq3A_386 {dim = 0 : i64, kind = #tpu.reduction_kind<sum>} : vector<16xi1> -> vector<16xi32>
          %mul3A_397 = arith.constant 320 : i32
          %mul3A_398 = vector.broadcast %mul3A_397 : i32 to vector<16xi32>
          %mul3A_399 = arith.muli %shift_right_logical3A_385, %mul3A_398 : vector<16xi32>
          %sub3A_400 = arith.subi %get3A_372, %mul3A_399 : vector<16xi32>
          %add3A_401 = arith.addi %add3A_361, %sub3A_395 : vector<16xi32>
          tpu.vector_store_idx %arg13[%add3A_401], %get3A_374 masked %eq3A_386 : memref<640xi32, #tpu.memory_space<vmem>>[vector<16xi32>], vector<16xi32>, vector<16xi1>
          tpu.vector_store_idx %arg15[%add3A_401], %get3A_376 masked %eq3A_386 : memref<640xf32, #tpu.memory_space<vmem>>[vector<16xi32>], vector<16xf32>, vector<16xi1>
          tpu.vector_store_idx %arg14[%add3A_401], %sub3A_400 masked %eq3A_386 : memref<640xi32, #tpu.memory_space<vmem>>[vector<16xi32>], vector<16xi32>, vector<16xi1>
          %add3A_402 = arith.addi %add3A_361, %all_reduce_population_count3A_396 : vector<16xi32>
          %mul3A_403 = arith.constant 25 : i32
          %mul3A_404 = arith.muli %scan3A_191, %mul3A_403 : i32
          %mul3A_405 = arith.constant 5 : i32
          %mul3A_406 = arith.muli %scan3A_323, %mul3A_405 : i32
          %add3A_407 = arith.addi %mul3A_404, %mul3A_406 : i32
          %add3A_408 = arith.constant 2 : i32
          %add3A_409 = arith.addi %add3A_407, %add3A_408 : i32
          %mul3A_410 = arith.constant 16 : i32
          %mul3A_411 = arith.muli %add3A_409, %mul3A_410 : i32
          %get3A_412 = arith.index_cast %mul3A_411 : i32 to index
          %get3A_413 = tpu.vector_load %arg8[%get3A_412] {strides = array<i32>} : memref<10000xi32, #tpu.memory_space<vmem>>, vector<16xi32>,
          %get3A_414 = arith.index_cast %mul3A_411 : i32 to index
          %get3A_415 = tpu.vector_load %arg7[%get3A_414] {strides = array<i32>} : memref<10000xi32, #tpu.memory_space<vmem>>, vector<16xi32>,
          %get3A_416 = arith.index_cast %mul3A_411 : i32 to index
          %get3A_417 = tpu.vector_load %arg9[%get3A_416] {strides = array<i32>} : memref<10000xf32, #tpu.memory_space<vmem>>, vector<16xf32>,
          %shift_right_logical3A_418 = arith.constant 6 : i32
          %shift_right_logical3A_419 = vector.broadcast %shift_right_logical3A_418 : i32 to vector<16xi32>
          %shift_right_logical3A_420 = arith.shrui %get3A_413, %shift_right_logical3A_419 : vector<16xi32>
          %mul3A_421 = arith.constant 52429 : i32
          %mul3A_422 = vector.broadcast %mul3A_421 : i32 to vector<16xi32>
          %mul3A_423 = arith.muli %shift_right_logical3A_420, %mul3A_422 : vector<16xi32>
          %shift_right_logical3A_424 = arith.constant 18 : i32
          %shift_right_logical3A_425 = vector.broadcast %shift_right_logical3A_424 : i32 to vector<16xi32>
          %shift_right_logical3A_426 = arith.shrui %mul3A_423, %shift_right_logical3A_425 : vector<16xi32>
          %eq3A_427 = arith.cmpi eq, %shift_right_logical3A_426, %broadcast_in_dim3A : vector<16xi32>
          %jit3A_428 = arith.constant 1 : i32
          %jit3A_429 = arith.constant 0 : i32
          %broadcast_in_dim3A_430 = vector.broadcast %jit3A_428 : i32 to vector<16xi32>
          %broadcast_in_dim3A_431 = vector.broadcast %jit3A_429 : i32 to vector<16xi32>
          %select_n3A_432 = arith.select %eq3A_427, %broadcast_in_dim3A_430, %broadcast_in_dim3A_431 : vector<16xi1>, vector<16xi32>
          %broadcast_in_dim3A_433 = arith.constant true
          %broadcast_in_dim3A_434 = vector.broadcast %broadcast_in_dim3A_433 : i1 to vector<16xi1>
          %masked_cumsum3A_435 = tpu.scan <sum>, %select_n3A_432 masked %broadcast_in_dim3A_434 : vector<16xi32>, vector<16xi1> -> vector<16xi32>
          %sub3A_436 = arith.subi %masked_cumsum3A_435, %select_n3A_432 : vector<16xi32>
          %all_reduce_population_count3A_437 = tpu.all_reduce %eq3A_427 {dim = 0 : i64, kind = #tpu.reduction_kind<sum>} : vector<16xi1> -> vector<16xi32>
          %mul3A_438 = arith.constant 320 : i32
          %mul3A_439 = vector.broadcast %mul3A_438 : i32 to vector<16xi32>
          %mul3A_440 = arith.muli %shift_right_logical3A_426, %mul3A_439 : vector<16xi32>
          %sub3A_441 = arith.subi %get3A_413, %mul3A_440 : vector<16xi32>
          %add3A_442 = arith.addi %add3A_402, %sub3A_436 : vector<16xi32>
          tpu.vector_store_idx %arg13[%add3A_442], %get3A_415 masked %eq3A_427 : memref<640xi32, #tpu.memory_space<vmem>>[vector<16xi32>], vector<16xi32>, vector<16xi1>
          tpu.vector_store_idx %arg15[%add3A_442], %get3A_417 masked %eq3A_427 : memref<640xf32, #tpu.memory_space<vmem>>[vector<16xi32>], vector<16xf32>, vector<16xi1>
          tpu.vector_store_idx %arg14[%add3A_442], %sub3A_441 masked %eq3A_427 : memref<640xi32, #tpu.memory_space<vmem>>[vector<16xi32>], vector<16xi32>, vector<16xi1>
          %add3A_443 = arith.addi %add3A_402, %all_reduce_population_count3A_437 : vector<16xi32>
          %mul3A_444 = arith.constant 25 : i32
          %mul3A_445 = arith.muli %scan3A_191, %mul3A_444 : i32
          %mul3A_446 = arith.constant 5 : i32
          %mul3A_447 = arith.muli %scan3A_323, %mul3A_446 : i32
          %add3A_448 = arith.addi %mul3A_445, %mul3A_447 : i32
          %add3A_449 = arith.constant 3 : i32
          %add3A_450 = arith.addi %add3A_448, %add3A_449 : i32
          %mul3A_451 = arith.constant 16 : i32
          %mul3A_452 = arith.muli %add3A_450, %mul3A_451 : i32
          %get3A_453 = arith.index_cast %mul3A_452 : i32 to index
          %get3A_454 = tpu.vector_load %arg8[%get3A_453] {strides = array<i32>} : memref<10000xi32, #tpu.memory_space<vmem>>, vector<16xi32>,
          %get3A_455 = arith.index_cast %mul3A_452 : i32 to index
          %get3A_456 = tpu.vector_load %arg7[%get3A_455] {strides = array<i32>} : memref<10000xi32, #tpu.memory_space<vmem>>, vector<16xi32>,
          %get3A_457 = arith.index_cast %mul3A_452 : i32 to index
          %get3A_458 = tpu.vector_load %arg9[%get3A_457] {strides = array<i32>} : memref<10000xf32, #tpu.memory_space<vmem>>, vector<16xf32>,
          %shift_right_logical3A_459 = arith.constant 6 : i32
          %shift_right_logical3A_460 = vector.broadcast %shift_right_logical3A_459 : i32 to vector<16xi32>
          %shift_right_logical3A_461 = arith.shrui %get3A_454, %shift_right_logical3A_460 : vector<16xi32>
          %mul3A_462 = arith.constant 52429 : i32
          %mul3A_463 = vector.broadcast %mul3A_462 : i32 to vector<16xi32>
          %mul3A_464 = arith.muli %shift_right_logical3A_461, %mul3A_463 : vector<16xi32>
          %shift_right_logical3A_465 = arith.constant 18 : i32
          %shift_right_logical3A_466 = vector.broadcast %shift_right_logical3A_465 : i32 to vector<16xi32>
          %shift_right_logical3A_467 = arith.shrui %mul3A_464, %shift_right_logical3A_466 : vector<16xi32>
          %eq3A_468 = arith.cmpi eq, %shift_right_logical3A_467, %broadcast_in_dim3A : vector<16xi32>
          %jit3A_469 = arith.constant 1 : i32
          %jit3A_470 = arith.constant 0 : i32
          %broadcast_in_dim3A_471 = vector.broadcast %jit3A_469 : i32 to vector<16xi32>
          %broadcast_in_dim3A_472 = vector.broadcast %jit3A_470 : i32 to vector<16xi32>
          %select_n3A_473 = arith.select %eq3A_468, %broadcast_in_dim3A_471, %broadcast_in_dim3A_472 : vector<16xi1>, vector<16xi32>
          %broadcast_in_dim3A_474 = arith.constant true
          %broadcast_in_dim3A_475 = vector.broadcast %broadcast_in_dim3A_474 : i1 to vector<16xi1>
          %masked_cumsum3A_476 = tpu.scan <sum>, %select_n3A_473 masked %broadcast_in_dim3A_475 : vector<16xi32>, vector<16xi1> -> vector<16xi32>
          %sub3A_477 = arith.subi %masked_cumsum3A_476, %select_n3A_473 : vector<16xi32>
          %all_reduce_population_count3A_478 = tpu.all_reduce %eq3A_468 {dim = 0 : i64, kind = #tpu.reduction_kind<sum>} : vector<16xi1> -> vector<16xi32>
          %mul3A_479 = arith.constant 320 : i32
          %mul3A_480 = vector.broadcast %mul3A_479 : i32 to vector<16xi32>
          %mul3A_481 = arith.muli %shift_right_logical3A_467, %mul3A_480 : vector<16xi32>
          %sub3A_482 = arith.subi %get3A_454, %mul3A_481 : vector<16xi32>
          %add3A_483 = arith.addi %add3A_443, %sub3A_477 : vector<16xi32>
          tpu.vector_store_idx %arg13[%add3A_483], %get3A_456 masked %eq3A_468 : memref<640xi32, #tpu.memory_space<vmem>>[vector<16xi32>], vector<16xi32>, vector<16xi1>
          tpu.vector_store_idx %arg15[%add3A_483], %get3A_458 masked %eq3A_468 : memref<640xf32, #tpu.memory_space<vmem>>[vector<16xi32>], vector<16xf32>, vector<16xi1>
          tpu.vector_store_idx %arg14[%add3A_483], %sub3A_482 masked %eq3A_468 : memref<640xi32, #tpu.memory_space<vmem>>[vector<16xi32>], vector<16xi32>, vector<16xi1>
          %add3A_484 = arith.addi %add3A_443, %all_reduce_population_count3A_478 : vector<16xi32>
          %mul3A_485 = arith.constant 25 : i32
          %mul3A_486 = arith.muli %scan3A_191, %mul3A_485 : i32
          %mul3A_487 = arith.constant 5 : i32
          %mul3A_488 = arith.muli %scan3A_323, %mul3A_487 : i32
          %add3A_489 = arith.addi %mul3A_486, %mul3A_488 : i32
          %add3A_490 = arith.constant 4 : i32
          %add3A_491 = arith.addi %add3A_489, %add3A_490 : i32
          %mul3A_492 = arith.constant 16 : i32
          %mul3A_493 = arith.muli %add3A_491, %mul3A_492 : i32
          %get3A_494 = arith.index_cast %mul3A_493 : i32 to index
          %get3A_495 = tpu.vector_load %arg8[%get3A_494] {strides = array<i32>} : memref<10000xi32, #tpu.memory_space<vmem>>, vector<16xi32>,
          %get3A_496 = arith.index_cast %mul3A_493 : i32 to index
          %get3A_497 = tpu.vector_load %arg7[%get3A_496] {strides = array<i32>} : memref<10000xi32, #tpu.memory_space<vmem>>, vector<16xi32>,
          %get3A_498 = arith.index_cast %mul3A_493 : i32 to index
          %get3A_499 = tpu.vector_load %arg9[%get3A_498] {strides = array<i32>} : memref<10000xf32, #tpu.memory_space<vmem>>, vector<16xf32>,
          %shift_right_logical3A_500 = arith.constant 6 : i32
          %shift_right_logical3A_501 = vector.broadcast %shift_right_logical3A_500 : i32 to vector<16xi32>
          %shift_right_logical3A_502 = arith.shrui %get3A_495, %shift_right_logical3A_501 : vector<16xi32>
          %mul3A_503 = arith.constant 52429 : i32
          %mul3A_504 = vector.broadcast %mul3A_503 : i32 to vector<16xi32>
          %mul3A_505 = arith.muli %shift_right_logical3A_502, %mul3A_504 : vector<16xi32>
          %shift_right_logical3A_506 = arith.constant 18 : i32
          %shift_right_logical3A_507 = vector.broadcast %shift_right_logical3A_506 : i32 to vector<16xi32>
          %shift_right_logical3A_508 = arith.shrui %mul3A_505, %shift_right_logical3A_507 : vector<16xi32>
          %eq3A_509 = arith.cmpi eq, %shift_right_logical3A_508, %broadcast_in_dim3A : vector<16xi32>
          %jit3A_510 = arith.constant 1 : i32
          %jit3A_511 = arith.constant 0 : i32
          %broadcast_in_dim3A_512 = vector.broadcast %jit3A_510 : i32 to vector<16xi32>
          %broadcast_in_dim3A_513 = vector.broadcast %jit3A_511 : i32 to vector<16xi32>
          %select_n3A_514 = arith.select %eq3A_509, %broadcast_in_dim3A_512, %broadcast_in_dim3A_513 : vector<16xi1>, vector<16xi32>
          %broadcast_in_dim3A_515 = arith.constant true
          %broadcast_in_dim3A_516 = vector.broadcast %broadcast_in_dim3A_515 : i1 to vector<16xi1>
          %masked_cumsum3A_517 = tpu.scan <sum>, %select_n3A_514 masked %broadcast_in_dim3A_516 : vector<16xi32>, vector<16xi1> -> vector<16xi32>
          %sub3A_518 = arith.subi %masked_cumsum3A_517, %select_n3A_514 : vector<16xi32>
          %all_reduce_population_count3A_519 = tpu.all_reduce %eq3A_509 {dim = 0 : i64, kind = #tpu.reduction_kind<sum>} : vector<16xi1> -> vector<16xi32>
          %mul3A_520 = arith.constant 320 : i32
          %mul3A_521 = vector.broadcast %mul3A_520 : i32 to vector<16xi32>
          %mul3A_522 = arith.muli %shift_right_logical3A_508, %mul3A_521 : vector<16xi32>
          %sub3A_523 = arith.subi %get3A_495, %mul3A_522 : vector<16xi32>
          %add3A_524 = arith.addi %add3A_484, %sub3A_518 : vector<16xi32>
          tpu.vector_store_idx %arg13[%add3A_524], %get3A_497 masked %eq3A_509 : memref<640xi32, #tpu.memory_space<vmem>>[vector<16xi32>], vector<16xi32>, vector<16xi1>
          tpu.vector_store_idx %arg15[%add3A_524], %get3A_499 masked %eq3A_509 : memref<640xf32, #tpu.memory_space<vmem>>[vector<16xi32>], vector<16xf32>, vector<16xi1>
          tpu.vector_store_idx %arg14[%add3A_524], %sub3A_523 masked %eq3A_509 : memref<640xi32, #tpu.memory_space<vmem>>[vector<16xi32>], vector<16xi32>, vector<16xi1>
          %add3A_525 = arith.addi %add3A_484, %all_reduce_population_count3A_519 : vector<16xi32>
          scf.yield %add3A_525 : vector<16xi32>
        }
        %scan3A_198 = arith.constant 5 : i32
        %reduce_max3A_199 = arith.constant true
        %reduce_max3A_200 = vector.broadcast %reduce_max3A_199 : i1 to vector<16xi1>
        %reduce_max3A_201 = arith.constant -2147483648 : i32
        %reduce_max3A_202 = vector.broadcast %reduce_max3A_201 : i32 to vector<16xi32>
        %reduce_max3A_203 = arith.xori %scan3A_197, %reduce_max3A_202 : vector<16xi32>
        %reduce_max3A_204 = tpu.scan <max>, %reduce_max3A_203 masked %reduce_max3A_200 : vector<16xi32>, vector<16xi1> -> vector<16xi32>
        %reduce_max3A_205 = arith.xori %reduce_max3A_204, %reduce_max3A_202 : vector<16xi32>
        %reduce_max3A_206 = vector.extract %reduce_max3A_205[15] : i32 from vector<16xi32>
        %jit3A_207 = arith.constant 80 : i32
        %div3A_208 = arith.divsi %reduce_max3A_206, %jit3A_207 : i32
        %sign3A_209 = arith.constant 0 : i32
        %sign3A_210 = arith.cmpi sgt, %reduce_max3A_206, %sign3A_209 : i32
        %sign3A_211 = arith.extui %sign3A_210 : i1 to i32
        %sign3A_212 = arith.constant 0 : i32
        %sign3A_213 = arith.cmpi slt, %reduce_max3A_206, %sign3A_212 : i32
        %sign3A_214 = arith.extui %sign3A_213 : i1 to i32
        %sign3A_215 = arith.subi %sign3A_211, %sign3A_214 : i32
        %sign3A_216 = arith.constant 0 : i32
        %sign3A_217 = arith.cmpi sgt, %jit3A_207, %sign3A_216 : i32
        %sign3A_218 = arith.extui %sign3A_217 : i1 to i32
        %sign3A_219 = arith.constant 0 : i32
        %sign3A_220 = arith.cmpi slt, %jit3A_207, %sign3A_219 : i32
        %sign3A_221 = arith.extui %sign3A_220 : i1 to i32
        %sign3A_222 = arith.subi %sign3A_218, %sign3A_221 : i32
        %ne3A_223 = arith.cmpi ne, %sign3A_215, %sign3A_222 : i32
        %rem3A_224 = arith.remsi %reduce_max3A_206, %jit3A_207 : i32
        %ne3A_225 = arith.constant 0 : i32
        %ne3A_226 = arith.cmpi ne, %rem3A_224, %ne3A_225 : i32
        %and3A_227 = arith.andi %ne3A_223, %ne3A_226 : i1
        %sub3A_228 = arith.constant 1 : i32
        %sub3A_229 = arith.subi %div3A_208, %sub3A_228 : i32
        %select_n3A_230 = arith.select %and3A_227, %sub3A_229, %div3A_208 : i32
        %while3A_231 = arith.constant 0 : i32
        %while3A_232 = arith.constant 0 : i32
        %while3A_233 = arith.subi %select_n3A_230, %while3A_232 : i32
        %while3A_234 = arith.addi %while3A_232, %while3A_233 : i32
        %while3A_235 = arith.constant 1 : i32
        %while3A_236 = arith.divsi %while3A_233, %while3A_235 : i32
        %while3A_237 = arith.muli %while3A_236, %while3A_235 : i32
        %while3A_238 = arith.addi %while3A_232, %while3A_237 : i32
        %while3A_239 = arith.constant 1 : i32
        scf.for %while3A_323 = %while3A_232 to %while3A_238 step %while3A_239  : i32 {
          %mul3A_324 = arith.constant 80 : i32
          %mul3A_325 = arith.muli %while3A_323, %mul3A_324 : i32
          %multiple_of3A_326 = tpu.assume_multiple %mul3A_325, 80 : i32
          %dma_start3A_327 = tpu.memref_slice %arg13[%multiple_of3A_326] : memref<640xi32, #tpu.memory_space<vmem>> -> memref<80xi32, #tpu.memory_space<vmem>>
          %dma_start3A_328 = arith.constant 0 : i32
          %dma_start3A_329 = arith.constant 0 : i32
          %dma_start3A_330 = tpu.memref_slice %arg2[%dma_start3A_328, %dma_start3A_329] : memref<10000x128xf32, #tpu.memory_space<hbm>> -> memref<10000x128xf32, #tpu.memory_space<hbm>>
          tpu.enqueue_indirect_dma source(%dma_start3A_330 : memref<10000x128xf32, #tpu.memory_space<hbm>>) target(%arg16 : memref<80x128xf32, #tpu.memory_space<vmem>>) offsets(%dma_start3A_327 : memref<80xi32, #tpu.memory_space<vmem>>) semaphore(%arg20 : memref<!tpu.dma_semaphore, #tpu.memory_space<semaphore_mem>>)
          %dma_wait3A_331 = tpu.memref_slice %arg13[%multiple_of3A_326] : memref<640xi32, #tpu.memory_space<vmem>> -> memref<80xi32, #tpu.memory_space<vmem>>
          %dma_wait3A_332 = arith.constant 0 : i32
          %dma_wait3A_333 = arith.constant 0 : i32
          %dma_wait3A_334 = tpu.memref_slice %arg2[%dma_wait3A_332, %dma_wait3A_333] : memref<10000x128xf32, #tpu.memory_space<hbm>> -> memref<10000x128xf32, #tpu.memory_space<hbm>>
          tpu.wait_indirect_dma semaphore(%arg20 : memref<!tpu.dma_semaphore, #tpu.memory_space<semaphore_mem>>) src(%dma_wait3A_334 : memref<10000x128xf32, #tpu.memory_space<hbm>>) dst(%arg16 : memref<80x128xf32, #tpu.memory_space<vmem>>)
          %scan3A_335 = arith.constant 0 : i32
          %scan3A_336 = arith.constant 0 : i32
          %scan3A_337 = arith.constant 40 : i32
          %scan3A_338 = arith.addi %scan3A_336, %scan3A_337 : i32
          %scan3A_339 = arith.constant 1 : i32
          scf.for %scan3A_341 = %scan3A_336 to %scan3A_338 step %scan3A_339  : i32 {
            %mul3A_342 = arith.constant 2 : i32
            %mul3A_343 = arith.muli %scan3A_341, %mul3A_342 : i32
            %add3A_344 = arith.constant 0 : i32
            %add3A_345 = arith.addi %mul3A_343, %add3A_344 : i32
            %add3A_346 = arith.addi %multiple_of3A_326, %add3A_345 : i32
            %broadcast_in_dim3A_347 = vector.broadcast %add3A_346 : i32 to vector<16xi32>
            %gather3A = tpu.vector_load_idx %arg15[%broadcast_in_dim3A_347] : memref<640xf32, #tpu.memory_space<vmem>>[vector<16xi32>], vector<16xf32>,
            %gather3A_348 = tpu.vector_load_idx %arg14[%broadcast_in_dim3A_347] : memref<640xi32, #tpu.memory_space<vmem>>[vector<16xi32>], vector<16xi32>,
            %get3A_349 = arith.index_cast %add3A_345 : i32 to index
            %get3A_350 = arith.constant 0 : index
            %get3A_351 = tpu.vector_load %arg16[%get3A_349, %get3A_350] {strides = array<i32>} : memref<80x128xf32, #tpu.memory_space<vmem>>, vector<16xf32>,
            %mul3A_352 = arith.mulf %get3A_351, %gather3A : vector<16xf32>
            %add3A_353 = arith.constant 0 : i32
            %add3A_354 = vector.broadcast %add3A_353 : i32 to vector<16xi32>
            %add3A_355 = arith.addi %iota3A, %add3A_354 : vector<16xi32>
            tpu.vector_store_idx %arg17[%gather3A_348, %add3A_355], %mul3A_352 {add = true} : memref<320x128xf32, #tpu.memory_space<vmem>>[vector<16xi32>, vector<16xi32>], vector<16xf32>,
            %get3A_356 = arith.index_cast %add3A_345 : i32 to index
            %get3A_357 = arith.constant 16 : index
            %get3A_358 = tpu.vector_load %arg16[%get3A_356, %get3A_357] {strides = array<i32>} : memref<80x128xf32, #tpu.memory_space<vmem>>, vector<16xf32>,
            %mul3A_359 = arith.mulf %get3A_358, %gather3A : vector<16xf32>
            %add3A_360 = arith.constant 16 : i32
            %add3A_361 = vector.broadcast %add3A_360 : i32 to vector<16xi32>
            %add3A_362 = arith.addi %iota3A, %add3A_361 : vector<16xi32>
            tpu.vector_store_idx %arg17[%gather3A_348, %add3A_362], %mul3A_359 {add = true} : memref<320x128xf32, #tpu.memory_space<vmem>>[vector<16xi32>, vector<16xi32>], vector<16xf32>,
            %get3A_363 = arith.index_cast %add3A_345 : i32 to index
            %get3A_364 = arith.constant 32 : index
            %get3A_365 = tpu.vector_load %arg16[%get3A_363, %get3A_364] {strides = array<i32>} : memref<80x128xf32, #tpu.memory_space<vmem>>, vector<16xf32>,
            %mul3A_366 = arith.mulf %get3A_365, %gather3A : vector<16xf32>
            %add3A_367 = arith.constant 32 : i32
            %add3A_368 = vector.broadcast %add3A_367 : i32 to vector<16xi32>
            %add3A_369 = arith.addi %iota3A, %add3A_368 : vector<16xi32>
            tpu.vector_store_idx %arg17[%gather3A_348, %add3A_369], %mul3A_366 {add = true} : memref<320x128xf32, #tpu.memory_space<vmem>>[vector<16xi32>, vector<16xi32>], vector<16xf32>,
            %get3A_370 = arith.index_cast %add3A_345 : i32 to index
            %get3A_371 = arith.constant 48 : index
            %get3A_372 = tpu.vector_load %arg16[%get3A_370, %get3A_371] {strides = array<i32>} : memref<80x128xf32, #tpu.memory_space<vmem>>, vector<16xf32>,
            %mul3A_373 = arith.mulf %get3A_372, %gather3A : vector<16xf32>
            %add3A_374 = arith.constant 48 : i32
            %add3A_375 = vector.broadcast %add3A_374 : i32 to vector<16xi32>
            %add3A_376 = arith.addi %iota3A, %add3A_375 : vector<16xi32>
            tpu.vector_store_idx %arg17[%gather3A_348, %add3A_376], %mul3A_373 {add = true} : memref<320x128xf32, #tpu.memory_space<vmem>>[vector<16xi32>, vector<16xi32>], vector<16xf32>,
            %get3A_377 = arith.index_cast %add3A_345 : i32 to index
            %get3A_378 = arith.constant 64 : index
            %get3A_379 = tpu.vector_load %arg16[%get3A_377, %get3A_378] {strides = array<i32>} : memref<80x128xf32, #tpu.memory_space<vmem>>, vector<16xf32>,
            %mul3A_380 = arith.mulf %get3A_379, %gather3A : vector<16xf32>
            %add3A_381 = arith.constant 64 : i32
            %add3A_382 = vector.broadcast %add3A_381 : i32 to vector<16xi32>
            %add3A_383 = arith.addi %iota3A, %add3A_382 : vector<16xi32>
            tpu.vector_store_idx %arg17[%gather3A_348, %add3A_383], %mul3A_380 {add = true} : memref<320x128xf32, #tpu.memory_space<vmem>>[vector<16xi32>, vector<16xi32>], vector<16xf32>,
            %get3A_384 = arith.index_cast %add3A_345 : i32 to index
            %get3A_385 = arith.constant 80 : index
            %get3A_386 = tpu.vector_load %arg16[%get3A_384, %get3A_385] {strides = array<i32>} : memref<80x128xf32, #tpu.memory_space<vmem>>, vector<16xf32>,
            %mul3A_387 = arith.mulf %get3A_386, %gather3A : vector<16xf32>
            %add3A_388 = arith.constant 80 : i32
            %add3A_389 = vector.broadcast %add3A_388 : i32 to vector<16xi32>
            %add3A_390 = arith.addi %iota3A, %add3A_389 : vector<16xi32>
            tpu.vector_store_idx %arg17[%gather3A_348, %add3A_390], %mul3A_387 {add = true} : memref<320x128xf32, #tpu.memory_space<vmem>>[vector<16xi32>, vector<16xi32>], vector<16xf32>,
            %get3A_391 = arith.index_cast %add3A_345 : i32 to index
            %get3A_392 = arith.constant 96 : index
            %get3A_393 = tpu.vector_load %arg16[%get3A_391, %get3A_392] {strides = array<i32>} : memref<80x128xf32, #tpu.memory_space<vmem>>, vector<16xf32>,
            %mul3A_394 = arith.mulf %get3A_393, %gather3A : vector<16xf32>
            %add3A_395 = arith.constant 96 : i32
            %add3A_396 = vector.broadcast %add3A_395 : i32 to vector<16xi32>
            %add3A_397 = arith.addi %iota3A, %add3A_396 : vector<16xi32>
            tpu.vector_store_idx %arg17[%gather3A_348, %add3A_397], %mul3A_394 {add = true} : memref<320x128xf32, #tpu.memory_space<vmem>>[vector<16xi32>, vector<16xi32>], vector<16xf32>,
            %get3A_398 = arith.index_cast %add3A_345 : i32 to index
            %get3A_399 = arith.constant 112 : index
            %get3A_400 = tpu.vector_load %arg16[%get3A_398, %get3A_399] {strides = array<i32>} : memref<80x128xf32, #tpu.memory_space<vmem>>, vector<16xf32>,
            %mul3A_401 = arith.mulf %get3A_400, %gather3A : vector<16xf32>
            %add3A_402 = arith.constant 112 : i32
            %add3A_403 = vector.broadcast %add3A_402 : i32 to vector<16xi32>
            %add3A_404 = arith.addi %iota3A, %add3A_403 : vector<16xi32>
            tpu.vector_store_idx %arg17[%gather3A_348, %add3A_404], %mul3A_401 {add = true} : memref<320x128xf32, #tpu.memory_space<vmem>>[vector<16xi32>, vector<16xi32>], vector<16xf32>,
            %mul3A_405 = arith.constant 2 : i32
            %mul3A_406 = arith.muli %scan3A_341, %mul3A_405 : i32
            %add3A_407 = arith.constant 1 : i32
            %add3A_408 = arith.addi %mul3A_406, %add3A_407 : i32
            %add3A_409 = arith.addi %multiple_of3A_326, %add3A_408 : i32
            %broadcast_in_dim3A_410 = vector.broadcast %add3A_409 : i32 to vector<16xi32>
            %gather3A_411 = tpu.vector_load_idx %arg15[%broadcast_in_dim3A_410] : memref<640xf32, #tpu.memory_space<vmem>>[vector<16xi32>], vector<16xf32>,
            %gather3A_412 = tpu.vector_load_idx %arg14[%broadcast_in_dim3A_410] : memref<640xi32, #tpu.memory_space<vmem>>[vector<16xi32>], vector<16xi32>,
            %get3A_413 = arith.index_cast %add3A_408 : i32 to index
            %get3A_414 = arith.constant 0 : index
            %get3A_415 = tpu.vector_load %arg16[%get3A_413, %get3A_414] {strides = array<i32>} : memref<80x128xf32, #tpu.memory_space<vmem>>, vector<16xf32>,
            %mul3A_416 = arith.mulf %get3A_415, %gather3A_411 : vector<16xf32>
            %add3A_417 = arith.constant 0 : i32
            %add3A_418 = vector.broadcast %add3A_417 : i32 to vector<16xi32>
            %add3A_419 = arith.addi %iota3A, %add3A_418 : vector<16xi32>
            tpu.vector_store_idx %arg17[%gather3A_412, %add3A_419], %mul3A_416 {add = true} : memref<320x128xf32, #tpu.memory_space<vmem>>[vector<16xi32>, vector<16xi32>], vector<16xf32>,
            %get3A_420 = arith.index_cast %add3A_408 : i32 to index
            %get3A_421 = arith.constant 16 : index
            %get3A_422 = tpu.vector_load %arg16[%get3A_420, %get3A_421] {strides = array<i32>} : memref<80x128xf32, #tpu.memory_space<vmem>>, vector<16xf32>,
            %mul3A_423 = arith.mulf %get3A_422, %gather3A_411 : vector<16xf32>
            %add3A_424 = arith.constant 16 : i32
            %add3A_425 = vector.broadcast %add3A_424 : i32 to vector<16xi32>
            %add3A_426 = arith.addi %iota3A, %add3A_425 : vector<16xi32>
            tpu.vector_store_idx %arg17[%gather3A_412, %add3A_426], %mul3A_423 {add = true} : memref<320x128xf32, #tpu.memory_space<vmem>>[vector<16xi32>, vector<16xi32>], vector<16xf32>,
            %get3A_427 = arith.index_cast %add3A_408 : i32 to index
            %get3A_428 = arith.constant 32 : index
            %get3A_429 = tpu.vector_load %arg16[%get3A_427, %get3A_428] {strides = array<i32>} : memref<80x128xf32, #tpu.memory_space<vmem>>, vector<16xf32>,
            %mul3A_430 = arith.mulf %get3A_429, %gather3A_411 : vector<16xf32>
            %add3A_431 = arith.constant 32 : i32
            %add3A_432 = vector.broadcast %add3A_431 : i32 to vector<16xi32>
            %add3A_433 = arith.addi %iota3A, %add3A_432 : vector<16xi32>
            tpu.vector_store_idx %arg17[%gather3A_412, %add3A_433], %mul3A_430 {add = true} : memref<320x128xf32, #tpu.memory_space<vmem>>[vector<16xi32>, vector<16xi32>], vector<16xf32>,
            %get3A_434 = arith.index_cast %add3A_408 : i32 to index
            %get3A_435 = arith.constant 48 : index
            %get3A_436 = tpu.vector_load %arg16[%get3A_434, %get3A_435] {strides = array<i32>} : memref<80x128xf32, #tpu.memory_space<vmem>>, vector<16xf32>,
            %mul3A_437 = arith.mulf %get3A_436, %gather3A_411 : vector<16xf32>
            %add3A_438 = arith.constant 48 : i32
            %add3A_439 = vector.broadcast %add3A_438 : i32 to vector<16xi32>
            %add3A_440 = arith.addi %iota3A, %add3A_439 : vector<16xi32>
            tpu.vector_store_idx %arg17[%gather3A_412, %add3A_440], %mul3A_437 {add = true} : memref<320x128xf32, #tpu.memory_space<vmem>>[vector<16xi32>, vector<16xi32>], vector<16xf32>,
            %get3A_441 = arith.index_cast %add3A_408 : i32 to index
            %get3A_442 = arith.constant 64 : index
            %get3A_443 = tpu.vector_load %arg16[%get3A_441, %get3A_442] {strides = array<i32>} : memref<80x128xf32, #tpu.memory_space<vmem>>, vector<16xf32>,
            %mul3A_444 = arith.mulf %get3A_443, %gather3A_411 : vector<16xf32>
            %add3A_445 = arith.constant 64 : i32
            %add3A_446 = vector.broadcast %add3A_445 : i32 to vector<16xi32>
            %add3A_447 = arith.addi %iota3A, %add3A_446 : vector<16xi32>
            tpu.vector_store_idx %arg17[%gather3A_412, %add3A_447], %mul3A_444 {add = true} : memref<320x128xf32, #tpu.memory_space<vmem>>[vector<16xi32>, vector<16xi32>], vector<16xf32>,
            %get3A_448 = arith.index_cast %add3A_408 : i32 to index
            %get3A_449 = arith.constant 80 : index
            %get3A_450 = tpu.vector_load %arg16[%get3A_448, %get3A_449] {strides = array<i32>} : memref<80x128xf32, #tpu.memory_space<vmem>>, vector<16xf32>,
            %mul3A_451 = arith.mulf %get3A_450, %gather3A_411 : vector<16xf32>
            %add3A_452 = arith.constant 80 : i32
            %add3A_453 = vector.broadcast %add3A_452 : i32 to vector<16xi32>
            %add3A_454 = arith.addi %iota3A, %add3A_453 : vector<16xi32>
            tpu.vector_store_idx %arg17[%gather3A_412, %add3A_454], %mul3A_451 {add = true} : memref<320x128xf32, #tpu.memory_space<vmem>>[vector<16xi32>, vector<16xi32>], vector<16xf32>,
            %get3A_455 = arith.index_cast %add3A_408 : i32 to index
            %get3A_456 = arith.constant 96 : index
            %get3A_457 = tpu.vector_load %arg16[%get3A_455, %get3A_456] {strides = array<i32>} : memref<80x128xf32, #tpu.memory_space<vmem>>, vector<16xf32>,
            %mul3A_458 = arith.mulf %get3A_457, %gather3A_411 : vector<16xf32>
            %add3A_459 = arith.constant 96 : i32
            %add3A_460 = vector.broadcast %add3A_459 : i32 to vector<16xi32>
            %add3A_461 = arith.addi %iota3A, %add3A_460 : vector<16xi32>
            tpu.vector_store_idx %arg17[%gather3A_412, %add3A_461], %mul3A_458 {add = true} : memref<320x128xf32, #tpu.memory_space<vmem>>[vector<16xi32>, vector<16xi32>], vector<16xf32>,
            %get3A_462 = arith.index_cast %add3A_408 : i32 to index
            %get3A_463 = arith.constant 112 : index
            %get3A_464 = tpu.vector_load %arg16[%get3A_462, %get3A_463] {strides = array<i32>} : memref<80x128xf32, #tpu.memory_space<vmem>>, vector<16xf32>,
            %mul3A_465 = arith.mulf %get3A_464, %gather3A_411 : vector<16xf32>
            %add3A_466 = arith.constant 112 : i32
            %add3A_467 = vector.broadcast %add3A_466 : i32 to vector<16xi32>
            %add3A_468 = arith.addi %iota3A, %add3A_467 : vector<16xi32>
            tpu.vector_store_idx %arg17[%gather3A_412, %add3A_468], %mul3A_465 {add = true} : memref<320x128xf32, #tpu.memory_space<vmem>>[vector<16xi32>, vector<16xi32>], vector<16xf32>,
          }
          %scan3A_340 = arith.constant 40 : i32
        }
        %while3A_240 = arith.constant 1 : i32
        scf.for %while3A_323 = %while3A_238 to %while3A_234 step %while3A_240  : i32 {
          %mul3A_324 = arith.constant 80 : i32
          %mul3A_325 = arith.muli %while3A_323, %mul3A_324 : i32
          %multiple_of3A_326 = tpu.assume_multiple %mul3A_325, 80 : i32
          %dma_start3A_327 = tpu.memref_slice %arg13[%multiple_of3A_326] : memref<640xi32, #tpu.memory_space<vmem>> -> memref<80xi32, #tpu.memory_space<vmem>>
          %dma_start3A_328 = arith.constant 0 : i32
          %dma_start3A_329 = arith.constant 0 : i32
          %dma_start3A_330 = tpu.memref_slice %arg2[%dma_start3A_328, %dma_start3A_329] : memref<10000x128xf32, #tpu.memory_space<hbm>> -> memref<10000x128xf32, #tpu.memory_space<hbm>>
          tpu.enqueue_indirect_dma source(%dma_start3A_330 : memref<10000x128xf32, #tpu.memory_space<hbm>>) target(%arg16 : memref<80x128xf32, #tpu.memory_space<vmem>>) offsets(%dma_start3A_327 : memref<80xi32, #tpu.memory_space<vmem>>) semaphore(%arg20 : memref<!tpu.dma_semaphore, #tpu.memory_space<semaphore_mem>>)
          %dma_wait3A_331 = tpu.memref_slice %arg13[%multiple_of3A_326] : memref<640xi32, #tpu.memory_space<vmem>> -> memref<80xi32, #tpu.memory_space<vmem>>
          %dma_wait3A_332 = arith.constant 0 : i32
          %dma_wait3A_333 = arith.constant 0 : i32
          %dma_wait3A_334 = tpu.memref_slice %arg2[%dma_wait3A_332, %dma_wait3A_333] : memref<10000x128xf32, #tpu.memory_space<hbm>> -> memref<10000x128xf32, #tpu.memory_space<hbm>>
          tpu.wait_indirect_dma semaphore(%arg20 : memref<!tpu.dma_semaphore, #tpu.memory_space<semaphore_mem>>) src(%dma_wait3A_334 : memref<10000x128xf32, #tpu.memory_space<hbm>>) dst(%arg16 : memref<80x128xf32, #tpu.memory_space<vmem>>)
          %scan3A_335 = arith.constant 0 : i32
          %scan3A_336 = arith.constant 0 : i32
          %scan3A_337 = arith.constant 40 : i32
          %scan3A_338 = arith.addi %scan3A_336, %scan3A_337 : i32
          %scan3A_339 = arith.constant 1 : i32
          scf.for %scan3A_341 = %scan3A_336 to %scan3A_338 step %scan3A_339  : i32 {
            %mul3A_342 = arith.constant 2 : i32
            %mul3A_343 = arith.muli %scan3A_341, %mul3A_342 : i32
            %add3A_344 = arith.constant 0 : i32
            %add3A_345 = arith.addi %mul3A_343, %add3A_344 : i32
            %add3A_346 = arith.addi %multiple_of3A_326, %add3A_345 : i32
            %broadcast_in_dim3A_347 = vector.broadcast %add3A_346 : i32 to vector<16xi32>
            %gather3A = tpu.vector_load_idx %arg15[%broadcast_in_dim3A_347] : memref<640xf32, #tpu.memory_space<vmem>>[vector<16xi32>], vector<16xf32>,
            %gather3A_348 = tpu.vector_load_idx %arg14[%broadcast_in_dim3A_347] : memref<640xi32, #tpu.memory_space<vmem>>[vector<16xi32>], vector<16xi32>,
            %get3A_349 = arith.index_cast %add3A_345 : i32 to index
            %get3A_350 = arith.constant 0 : index
            %get3A_351 = tpu.vector_load %arg16[%get3A_349, %get3A_350] {strides = array<i32>} : memref<80x128xf32, #tpu.memory_space<vmem>>, vector<16xf32>,
            %mul3A_352 = arith.mulf %get3A_351, %gather3A : vector<16xf32>
            %add3A_353 = arith.constant 0 : i32
            %add3A_354 = vector.broadcast %add3A_353 : i32 to vector<16xi32>
            %add3A_355 = arith.addi %iota3A, %add3A_354 : vector<16xi32>
            tpu.vector_store_idx %arg17[%gather3A_348, %add3A_355], %mul3A_352 {add = true} : memref<320x128xf32, #tpu.memory_space<vmem>>[vector<16xi32>, vector<16xi32>], vector<16xf32>,
            %get3A_356 = arith.index_cast %add3A_345 : i32 to index
            %get3A_357 = arith.constant 16 : index
            %get3A_358 = tpu.vector_load %arg16[%get3A_356, %get3A_357] {strides = array<i32>} : memref<80x128xf32, #tpu.memory_space<vmem>>, vector<16xf32>,
            %mul3A_359 = arith.mulf %get3A_358, %gather3A : vector<16xf32>
            %add3A_360 = arith.constant 16 : i32
            %add3A_361 = vector.broadcast %add3A_360 : i32 to vector<16xi32>
            %add3A_362 = arith.addi %iota3A, %add3A_361 : vector<16xi32>
            tpu.vector_store_idx %arg17[%gather3A_348, %add3A_362], %mul3A_359 {add = true} : memref<320x128xf32, #tpu.memory_space<vmem>>[vector<16xi32>, vector<16xi32>], vector<16xf32>,
            %get3A_363 = arith.index_cast %add3A_345 : i32 to index
            %get3A_364 = arith.constant 32 : index
            %get3A_365 = tpu.vector_load %arg16[%get3A_363, %get3A_364] {strides = array<i32>} : memref<80x128xf32, #tpu.memory_space<vmem>>, vector<16xf32>,
            %mul3A_366 = arith.mulf %get3A_365, %gather3A : vector<16xf32>
            %add3A_367 = arith.constant 32 : i32
            %add3A_368 = vector.broadcast %add3A_367 : i32 to vector<16xi32>
            %add3A_369 = arith.addi %iota3A, %add3A_368 : vector<16xi32>
            tpu.vector_store_idx %arg17[%gather3A_348, %add3A_369], %mul3A_366 {add = true} : memref<320x128xf32, #tpu.memory_space<vmem>>[vector<16xi32>, vector<16xi32>], vector<16xf32>,
            %get3A_370 = arith.index_cast %add3A_345 : i32 to index
            %get3A_371 = arith.constant 48 : index
            %get3A_372 = tpu.vector_load %arg16[%get3A_370, %get3A_371] {strides = array<i32>} : memref<80x128xf32, #tpu.memory_space<vmem>>, vector<16xf32>,
            %mul3A_373 = arith.mulf %get3A_372, %gather3A : vector<16xf32>
            %add3A_374 = arith.constant 48 : i32
            %add3A_375 = vector.broadcast %add3A_374 : i32 to vector<16xi32>
            %add3A_376 = arith.addi %iota3A, %add3A_375 : vector<16xi32>
            tpu.vector_store_idx %arg17[%gather3A_348, %add3A_376], %mul3A_373 {add = true} : memref<320x128xf32, #tpu.memory_space<vmem>>[vector<16xi32>, vector<16xi32>], vector<16xf32>,
            %get3A_377 = arith.index_cast %add3A_345 : i32 to index
            %get3A_378 = arith.constant 64 : index
            %get3A_379 = tpu.vector_load %arg16[%get3A_377, %get3A_378] {strides = array<i32>} : memref<80x128xf32, #tpu.memory_space<vmem>>, vector<16xf32>,
            %mul3A_380 = arith.mulf %get3A_379, %gather3A : vector<16xf32>
            %add3A_381 = arith.constant 64 : i32
            %add3A_382 = vector.broadcast %add3A_381 : i32 to vector<16xi32>
            %add3A_383 = arith.addi %iota3A, %add3A_382 : vector<16xi32>
            tpu.vector_store_idx %arg17[%gather3A_348, %add3A_383], %mul3A_380 {add = true} : memref<320x128xf32, #tpu.memory_space<vmem>>[vector<16xi32>, vector<16xi32>], vector<16xf32>,
            %get3A_384 = arith.index_cast %add3A_345 : i32 to index
            %get3A_385 = arith.constant 80 : index
            %get3A_386 = tpu.vector_load %arg16[%get3A_384, %get3A_385] {strides = array<i32>} : memref<80x128xf32, #tpu.memory_space<vmem>>, vector<16xf32>,
            %mul3A_387 = arith.mulf %get3A_386, %gather3A : vector<16xf32>
            %add3A_388 = arith.constant 80 : i32
            %add3A_389 = vector.broadcast %add3A_388 : i32 to vector<16xi32>
            %add3A_390 = arith.addi %iota3A, %add3A_389 : vector<16xi32>
            tpu.vector_store_idx %arg17[%gather3A_348, %add3A_390], %mul3A_387 {add = true} : memref<320x128xf32, #tpu.memory_space<vmem>>[vector<16xi32>, vector<16xi32>], vector<16xf32>,
            %get3A_391 = arith.index_cast %add3A_345 : i32 to index
            %get3A_392 = arith.constant 96 : index
            %get3A_393 = tpu.vector_load %arg16[%get3A_391, %get3A_392] {strides = array<i32>} : memref<80x128xf32, #tpu.memory_space<vmem>>, vector<16xf32>,
            %mul3A_394 = arith.mulf %get3A_393, %gather3A : vector<16xf32>
            %add3A_395 = arith.constant 96 : i32
            %add3A_396 = vector.broadcast %add3A_395 : i32 to vector<16xi32>
            %add3A_397 = arith.addi %iota3A, %add3A_396 : vector<16xi32>
            tpu.vector_store_idx %arg17[%gather3A_348, %add3A_397], %mul3A_394 {add = true} : memref<320x128xf32, #tpu.memory_space<vmem>>[vector<16xi32>, vector<16xi32>], vector<16xf32>,
            %get3A_398 = arith.index_cast %add3A_345 : i32 to index
            %get3A_399 = arith.constant 112 : index
            %get3A_400 = tpu.vector_load %arg16[%get3A_398, %get3A_399] {strides = array<i32>} : memref<80x128xf32, #tpu.memory_space<vmem>>, vector<16xf32>,
            %mul3A_401 = arith.mulf %get3A_400, %gather3A : vector<16xf32>
            %add3A_402 = arith.constant 112 : i32
            %add3A_403 = vector.broadcast %add3A_402 : i32 to vector<16xi32>
            %add3A_404 = arith.addi %iota3A, %add3A_403 : vector<16xi32>
            tpu.vector_store_idx %arg17[%gather3A_348, %add3A_404], %mul3A_401 {add = true} : memref<320x128xf32, #tpu.memory_space<vmem>>[vector<16xi32>, vector<16xi32>], vector<16xf32>,
            %mul3A_405 = arith.constant 2 : i32
            %mul3A_406 = arith.muli %scan3A_341, %mul3A_405 : i32
            %add3A_407 = arith.constant 1 : i32
            %add3A_408 = arith.addi %mul3A_406, %add3A_407 : i32
            %add3A_409 = arith.addi %multiple_of3A_326, %add3A_408 : i32
            %broadcast_in_dim3A_410 = vector.broadcast %add3A_409 : i32 to vector<16xi32>
            %gather3A_411 = tpu.vector_load_idx %arg15[%broadcast_in_dim3A_410] : memref<640xf32, #tpu.memory_space<vmem>>[vector<16xi32>], vector<16xf32>,
            %gather3A_412 = tpu.vector_load_idx %arg14[%broadcast_in_dim3A_410] : memref<640xi32, #tpu.memory_space<vmem>>[vector<16xi32>], vector<16xi32>,
            %get3A_413 = arith.index_cast %add3A_408 : i32 to index
            %get3A_414 = arith.constant 0 : index
            %get3A_415 = tpu.vector_load %arg16[%get3A_413, %get3A_414] {strides = array<i32>} : memref<80x128xf32, #tpu.memory_space<vmem>>, vector<16xf32>,
            %mul3A_416 = arith.mulf %get3A_415, %gather3A_411 : vector<16xf32>
            %add3A_417 = arith.constant 0 : i32
            %add3A_418 = vector.broadcast %add3A_417 : i32 to vector<16xi32>
            %add3A_419 = arith.addi %iota3A, %add3A_418 : vector<16xi32>
            tpu.vector_store_idx %arg17[%gather3A_412, %add3A_419], %mul3A_416 {add = true} : memref<320x128xf32, #tpu.memory_space<vmem>>[vector<16xi32>, vector<16xi32>], vector<16xf32>,
            %get3A_420 = arith.index_cast %add3A_408 : i32 to index
            %get3A_421 = arith.constant 16 : index
            %get3A_422 = tpu.vector_load %arg16[%get3A_420, %get3A_421] {strides = array<i32>} : memref<80x128xf32, #tpu.memory_space<vmem>>, vector<16xf32>,
            %mul3A_423 = arith.mulf %get3A_422, %gather3A_411 : vector<16xf32>
            %add3A_424 = arith.constant 16 : i32
            %add3A_425 = vector.broadcast %add3A_424 : i32 to vector<16xi32>
            %add3A_426 = arith.addi %iota3A, %add3A_425 : vector<16xi32>
            tpu.vector_store_idx %arg17[%gather3A_412, %add3A_426], %mul3A_423 {add = true} : memref<320x128xf32, #tpu.memory_space<vmem>>[vector<16xi32>, vector<16xi32>], vector<16xf32>,
            %get3A_427 = arith.index_cast %add3A_408 : i32 to index
            %get3A_428 = arith.constant 32 : index
            %get3A_429 = tpu.vector_load %arg16[%get3A_427, %get3A_428] {strides = array<i32>} : memref<80x128xf32, #tpu.memory_space<vmem>>, vector<16xf32>,
            %mul3A_430 = arith.mulf %get3A_429, %gather3A_411 : vector<16xf32>
            %add3A_431 = arith.constant 32 : i32
            %add3A_432 = vector.broadcast %add3A_431 : i32 to vector<16xi32>
            %add3A_433 = arith.addi %iota3A, %add3A_432 : vector<16xi32>
            tpu.vector_store_idx %arg17[%gather3A_412, %add3A_433], %mul3A_430 {add = true} : memref<320x128xf32, #tpu.memory_space<vmem>>[vector<16xi32>, vector<16xi32>], vector<16xf32>,
            %get3A_434 = arith.index_cast %add3A_408 : i32 to index
            %get3A_435 = arith.constant 48 : index
            %get3A_436 = tpu.vector_load %arg16[%get3A_434, %get3A_435] {strides = array<i32>} : memref<80x128xf32, #tpu.memory_space<vmem>>, vector<16xf32>,
            %mul3A_437 = arith.mulf %get3A_436, %gather3A_411 : vector<16xf32>
            %add3A_438 = arith.constant 48 : i32
            %add3A_439 = vector.broadcast %add3A_438 : i32 to vector<16xi32>
            %add3A_440 = arith.addi %iota3A, %add3A_439 : vector<16xi32>
            tpu.vector_store_idx %arg17[%gather3A_412, %add3A_440], %mul3A_437 {add = true} : memref<320x128xf32, #tpu.memory_space<vmem>>[vector<16xi32>, vector<16xi32>], vector<16xf32>,
            %get3A_441 = arith.index_cast %add3A_408 : i32 to index
            %get3A_442 = arith.constant 64 : index
            %get3A_443 = tpu.vector_load %arg16[%get3A_441, %get3A_442] {strides = array<i32>} : memref<80x128xf32, #tpu.memory_space<vmem>>, vector<16xf32>,
            %mul3A_444 = arith.mulf %get3A_443, %gather3A_411 : vector<16xf32>
            %add3A_445 = arith.constant 64 : i32
            %add3A_446 = vector.broadcast %add3A_445 : i32 to vector<16xi32>
            %add3A_447 = arith.addi %iota3A, %add3A_446 : vector<16xi32>
            tpu.vector_store_idx %arg17[%gather3A_412, %add3A_447], %mul3A_444 {add = true} : memref<320x128xf32, #tpu.memory_space<vmem>>[vector<16xi32>, vector<16xi32>], vector<16xf32>,
            %get3A_448 = arith.index_cast %add3A_408 : i32 to index
            %get3A_449 = arith.constant 80 : index
            %get3A_450 = tpu.vector_load %arg16[%get3A_448, %get3A_449] {strides = array<i32>} : memref<80x128xf32, #tpu.memory_space<vmem>>, vector<16xf32>,
            %mul3A_451 = arith.mulf %get3A_450, %gather3A_411 : vector<16xf32>
            %add3A_452 = arith.constant 80 : i32
            %add3A_453 = vector.broadcast %add3A_452 : i32 to vector<16xi32>
            %add3A_454 = arith.addi %iota3A, %add3A_453 : vector<16xi32>
            tpu.vector_store_idx %arg17[%gather3A_412, %add3A_454], %mul3A_451 {add = true} : memref<320x128xf32, #tpu.memory_space<vmem>>[vector<16xi32>, vector<16xi32>], vector<16xf32>,
            %get3A_455 = arith.index_cast %add3A_408 : i32 to index
            %get3A_456 = arith.constant 96 : index
            %get3A_457 = tpu.vector_load %arg16[%get3A_455, %get3A_456] {strides = array<i32>} : memref<80x128xf32, #tpu.memory_space<vmem>>, vector<16xf32>,
            %mul3A_458 = arith.mulf %get3A_457, %gather3A_411 : vector<16xf32>
            %add3A_459 = arith.constant 96 : i32
            %add3A_460 = vector.broadcast %add3A_459 : i32 to vector<16xi32>
            %add3A_461 = arith.addi %iota3A, %add3A_460 : vector<16xi32>
            tpu.vector_store_idx %arg17[%gather3A_412, %add3A_461], %mul3A_458 {add = true} : memref<320x128xf32, #tpu.memory_space<vmem>>[vector<16xi32>, vector<16xi32>], vector<16xf32>,
            %get3A_462 = arith.index_cast %add3A_408 : i32 to index
            %get3A_463 = arith.constant 112 : index
            %get3A_464 = tpu.vector_load %arg16[%get3A_462, %get3A_463] {strides = array<i32>} : memref<80x128xf32, #tpu.memory_space<vmem>>, vector<16xf32>,
            %mul3A_465 = arith.mulf %get3A_464, %gather3A_411 : vector<16xf32>
            %add3A_466 = arith.constant 112 : i32
            %add3A_467 = vector.broadcast %add3A_466 : i32 to vector<16xi32>
            %add3A_468 = arith.addi %iota3A, %add3A_467 : vector<16xi32>
            tpu.vector_store_idx %arg17[%gather3A_412, %add3A_468], %mul3A_465 {add = true} : memref<320x128xf32, #tpu.memory_space<vmem>>[vector<16xi32>, vector<16xi32>], vector<16xf32>,
          }
          %scan3A_340 = arith.constant 40 : i32
        }
        %mul3A_241 = arith.constant 80 : i32
        %mul3A_242 = arith.muli %select_n3A_230, %mul3A_241 : i32
        %add3A_243 = arith.constant 0 : i32
        %add3A_244 = arith.addi %mul3A_242, %add3A_243 : i32
        %multiple_of3A_245 = tpu.assume_multiple %add3A_244, 16 : i32
        %get3A_246 = arith.index_cast %multiple_of3A_245 : i32 to index
        %get3A_247 = tpu.vector_load %arg13[%get3A_246] {strides = array<i32>} : memref<640xi32, #tpu.memory_space<vmem>>, vector<16xi32>,
        %swap3A_248 = arith.constant 0 : index
        %swap3A_249 = tpu.vector_load %arg13[%swap3A_248] {strides = array<i32>} : memref<640xi32, #tpu.memory_space<vmem>>, vector<16xi32>,
        tpu.vector_store %arg13[%swap3A_248], %get3A_247 {strides = array<i32>} : memref<640xi32, #tpu.memory_space<vmem>>, vector<16xi32>,
        %get3A_250 = arith.index_cast %multiple_of3A_245 : i32 to index
        %get3A_251 = tpu.vector_load %arg15[%get3A_250] {strides = array<i32>} : memref<640xf32, #tpu.memory_space<vmem>>, vector<16xf32>,
        %swap3A_252 = arith.constant 0 : index
        %swap3A_253 = tpu.vector_load %arg15[%swap3A_252] {strides = array<i32>} : memref<640xf32, #tpu.memory_space<vmem>>, vector<16xf32>,
        tpu.vector_store %arg15[%swap3A_252], %get3A_251 {strides = array<i32>} : memref<640xf32, #tpu.memory_space<vmem>>, vector<16xf32>,
        %get3A_254 = arith.index_cast %multiple_of3A_245 : i32 to index
        %get3A_255 = tpu.vector_load %arg14[%get3A_254] {strides = array<i32>} : memref<640xi32, #tpu.memory_space<vmem>>, vector<16xi32>,
        %swap3A_256 = arith.constant 0 : index
        %swap3A_257 = tpu.vector_load %arg14[%swap3A_256] {strides = array<i32>} : memref<640xi32, #tpu.memory_space<vmem>>, vector<16xi32>,
        tpu.vector_store %arg14[%swap3A_256], %get3A_255 {strides = array<i32>} : memref<640xi32, #tpu.memory_space<vmem>>, vector<16xi32>,
        %add3A_258 = arith.constant 16 : i32
        %add3A_259 = arith.addi %mul3A_242, %add3A_258 : i32
        %multiple_of3A_260 = tpu.assume_multiple %add3A_259, 16 : i32
        %get3A_261 = arith.index_cast %multiple_of3A_260 : i32 to index
        %get3A_262 = tpu.vector_load %arg13[%get3A_261] {strides = array<i32>} : memref<640xi32, #tpu.memory_space<vmem>>, vector<16xi32>,
        %swap3A_263 = arith.constant 16 : index
        %swap3A_264 = tpu.vector_load %arg13[%swap3A_263] {strides = array<i32>} : memref<640xi32, #tpu.memory_space<vmem>>, vector<16xi32>,
        tpu.vector_store %arg13[%swap3A_263], %get3A_262 {strides = array<i32>} : memref<640xi32, #tpu.memory_space<vmem>>, vector<16xi32>,
        %get3A_265 = arith.index_cast %multiple_of3A_260 : i32 to index
        %get3A_266 = tpu.vector_load %arg15[%get3A_265] {strides = array<i32>} : memref<640xf32, #tpu.memory_space<vmem>>, vector<16xf32>,
        %swap3A_267 = arith.constant 16 : index
        %swap3A_268 = tpu.vector_load %arg15[%swap3A_267] {strides = array<i32>} : memref<640xf32, #tpu.memory_space<vmem>>, vector<16xf32>,
        tpu.vector_store %arg15[%swap3A_267], %get3A_266 {strides = array<i32>} : memref<640xf32, #tpu.memory_space<vmem>>, vector<16xf32>,
        %get3A_269 = arith.index_cast %multiple_of3A_260 : i32 to index
        %get3A_270 = tpu.vector_load %arg14[%get3A_269] {strides = array<i32>} : memref<640xi32, #tpu.memory_space<vmem>>, vector<16xi32>,
        %swap3A_271 = arith.constant 16 : index
        %swap3A_272 = tpu.vector_load %arg14[%swap3A_271] {strides = array<i32>} : memref<640xi32, #tpu.memory_space<vmem>>, vector<16xi32>,
        tpu.vector_store %arg14[%swap3A_271], %get3A_270 {strides = array<i32>} : memref<640xi32, #tpu.memory_space<vmem>>, vector<16xi32>,
        %add3A_273 = arith.constant 32 : i32
        %add3A_274 = arith.addi %mul3A_242, %add3A_273 : i32
        %multiple_of3A_275 = tpu.assume_multiple %add3A_274, 16 : i32
        %get3A_276 = arith.index_cast %multiple_of3A_275 : i32 to index
        %get3A_277 = tpu.vector_load %arg13[%get3A_276] {strides = array<i32>} : memref<640xi32, #tpu.memory_space<vmem>>, vector<16xi32>,
        %swap3A_278 = arith.constant 32 : index
        %swap3A_279 = tpu.vector_load %arg13[%swap3A_278] {strides = array<i32>} : memref<640xi32, #tpu.memory_space<vmem>>, vector<16xi32>,
        tpu.vector_store %arg13[%swap3A_278], %get3A_277 {strides = array<i32>} : memref<640xi32, #tpu.memory_space<vmem>>, vector<16xi32>,
        %get3A_280 = arith.index_cast %multiple_of3A_275 : i32 to index
        %get3A_281 = tpu.vector_load %arg15[%get3A_280] {strides = array<i32>} : memref<640xf32, #tpu.memory_space<vmem>>, vector<16xf32>,
        %swap3A_282 = arith.constant 32 : index
        %swap3A_283 = tpu.vector_load %arg15[%swap3A_282] {strides = array<i32>} : memref<640xf32, #tpu.memory_space<vmem>>, vector<16xf32>,
        tpu.vector_store %arg15[%swap3A_282], %get3A_281 {strides = array<i32>} : memref<640xf32, #tpu.memory_space<vmem>>, vector<16xf32>,
        %get3A_284 = arith.index_cast %multiple_of3A_275 : i32 to index
        %get3A_285 = tpu.vector_load %arg14[%get3A_284] {strides = array<i32>} : memref<640xi32, #tpu.memory_space<vmem>>, vector<16xi32>,
        %swap3A_286 = arith.constant 32 : index
        %swap3A_287 = tpu.vector_load %arg14[%swap3A_286] {strides = array<i32>} : memref<640xi32, #tpu.memory_space<vmem>>, vector<16xi32>,
        tpu.vector_store %arg14[%swap3A_286], %get3A_285 {strides = array<i32>} : memref<640xi32, #tpu.memory_space<vmem>>, vector<16xi32>,
        %add3A_288 = arith.constant 48 : i32
        %add3A_289 = arith.addi %mul3A_242, %add3A_288 : i32
        %multiple_of3A_290 = tpu.assume_multiple %add3A_289, 16 : i32
        %get3A_291 = arith.index_cast %multiple_of3A_290 : i32 to index
        %get3A_292 = tpu.vector_load %arg13[%get3A_291] {strides = array<i32>} : memref<640xi32, #tpu.memory_space<vmem>>, vector<16xi32>,
        %swap3A_293 = arith.constant 48 : index
        %swap3A_294 = tpu.vector_load %arg13[%swap3A_293] {strides = array<i32>} : memref<640xi32, #tpu.memory_space<vmem>>, vector<16xi32>,
        tpu.vector_store %arg13[%swap3A_293], %get3A_292 {strides = array<i32>} : memref<640xi32, #tpu.memory_space<vmem>>, vector<16xi32>,
        %get3A_295 = arith.index_cast %multiple_of3A_290 : i32 to index
        %get3A_296 = tpu.vector_load %arg15[%get3A_295] {strides = array<i32>} : memref<640xf32, #tpu.memory_space<vmem>>, vector<16xf32>,
        %swap3A_297 = arith.constant 48 : index
        %swap3A_298 = tpu.vector_load %arg15[%swap3A_297] {strides = array<i32>} : memref<640xf32, #tpu.memory_space<vmem>>, vector<16xf32>,
        tpu.vector_store %arg15[%swap3A_297], %get3A_296 {strides = array<i32>} : memref<640xf32, #tpu.memory_space<vmem>>, vector<16xf32>,
        %get3A_299 = arith.index_cast %multiple_of3A_290 : i32 to index
        %get3A_300 = tpu.vector_load %arg14[%get3A_299] {strides = array<i32>} : memref<640xi32, #tpu.memory_space<vmem>>, vector<16xi32>,
        %swap3A_301 = arith.constant 48 : index
        %swap3A_302 = tpu.vector_load %arg14[%swap3A_301] {strides = array<i32>} : memref<640xi32, #tpu.memory_space<vmem>>, vector<16xi32>,
        tpu.vector_store %arg14[%swap3A_301], %get3A_300 {strides = array<i32>} : memref<640xi32, #tpu.memory_space<vmem>>, vector<16xi32>,
        %add3A_303 = arith.constant 64 : i32
        %add3A_304 = arith.addi %mul3A_242, %add3A_303 : i32
        %multiple_of3A_305 = tpu.assume_multiple %add3A_304, 16 : i32
        %get3A_306 = arith.index_cast %multiple_of3A_305 : i32 to index
        %get3A_307 = tpu.vector_load %arg13[%get3A_306] {strides = array<i32>} : memref<640xi32, #tpu.memory_space<vmem>>, vector<16xi32>,
        %swap3A_308 = arith.constant 64 : index
        %swap3A_309 = tpu.vector_load %arg13[%swap3A_308] {strides = array<i32>} : memref<640xi32, #tpu.memory_space<vmem>>, vector<16xi32>,
        tpu.vector_store %arg13[%swap3A_308], %get3A_307 {strides = array<i32>} : memref<640xi32, #tpu.memory_space<vmem>>, vector<16xi32>,
        %get3A_310 = arith.index_cast %multiple_of3A_305 : i32 to index
        %get3A_311 = tpu.vector_load %arg15[%get3A_310] {strides = array<i32>} : memref<640xf32, #tpu.memory_space<vmem>>, vector<16xf32>,
        %swap3A_312 = arith.constant 64 : index
        %swap3A_313 = tpu.vector_load %arg15[%swap3A_312] {strides = array<i32>} : memref<640xf32, #tpu.memory_space<vmem>>, vector<16xf32>,
        tpu.vector_store %arg15[%swap3A_312], %get3A_311 {strides = array<i32>} : memref<640xf32, #tpu.memory_space<vmem>>, vector<16xf32>,
        %get3A_314 = arith.index_cast %multiple_of3A_305 : i32 to index
        %get3A_315 = tpu.vector_load %arg14[%get3A_314] {strides = array<i32>} : memref<640xi32, #tpu.memory_space<vmem>>, vector<16xi32>,
        %swap3A_316 = arith.constant 64 : index
        %swap3A_317 = tpu.vector_load %arg14[%swap3A_316] {strides = array<i32>} : memref<640xi32, #tpu.memory_space<vmem>>, vector<16xi32>,
        tpu.vector_store %arg14[%swap3A_316], %get3A_315 {strides = array<i32>} : memref<640xi32, #tpu.memory_space<vmem>>, vector<16xi32>,
        %sub3A_318 = arith.subi %reduce_max3A_206, %mul3A_242 : i32
        %broadcast_in_dim3A_319 = arith.constant 1 : i32
        %broadcast_in_dim3A_320 = vector.broadcast %broadcast_in_dim3A_319 : i32 to vector<16xi32>
        %mul3A_321 = vector.broadcast %sub3A_318 : i32 to vector<16xi32>
        %mul3A_322 = arith.muli %broadcast_in_dim3A_320, %mul3A_321 : vector<16xi32>
        scf.yield %mul3A_322 : vector<16xi32>
      }
      %scan3A_172 = arith.constant 25 : i32
      %add3A_173 = arith.constant 1 : i32
      %add3A_174 = arith.addi %mul3A_149, %add3A_173 : i32
      %mul3A_175 = arith.constant 10000 : i32
      %mul3A_176 = arith.muli %add3A_174, %mul3A_175 : i32
      %dma_wait3A_177 = tpu.memref_slice %arg3[%mul3A_176] : memref<320000xi32, #tpu.memory_space<hbm>> -> memref<10000xi32, #tpu.memory_space<hbm>>
      %dma_wait3A_178 = tpu.memref_slice %arg3[%mul3A_176] : memref<320000xi32, #tpu.memory_space<hbm>> -> memref<10000xi32, #tpu.memory_space<hbm>>
      tpu.wait_dma2 semaphore(%arg19 : memref<!tpu.dma_semaphore, #tpu.memory_space<semaphore_mem>>) src(%dma_wait3A_178 : memref<10000xi32, #tpu.memory_space<hbm>>) dst(%arg10 : memref<10000xi32, #tpu.memory_space<vmem>>)
      %dma_wait3A_179 = tpu.memref_slice %arg4[%mul3A_176] : memref<320000xi32, #tpu.memory_space<hbm>> -> memref<10000xi32, #tpu.memory_space<hbm>>
      %dma_wait3A_180 = tpu.memref_slice %arg4[%mul3A_176] : memref<320000xi32, #tpu.memory_space<hbm>> -> memref<10000xi32, #tpu.memory_space<hbm>>
      tpu.wait_dma2 semaphore(%arg19 : memref<!tpu.dma_semaphore, #tpu.memory_space<semaphore_mem>>) src(%dma_wait3A_180 : memref<10000xi32, #tpu.memory_space<hbm>>) dst(%arg11 : memref<10000xi32, #tpu.memory_space<vmem>>)
      %dma_wait3A_181 = tpu.memref_slice %arg5[%mul3A_176] : memref<320000xf32, #tpu.memory_space<hbm>> -> memref<10000xf32, #tpu.memory_space<hbm>>
      %dma_wait3A_182 = tpu.memref_slice %arg5[%mul3A_176] : memref<320000xf32, #tpu.memory_space<hbm>> -> memref<10000xf32, #tpu.memory_space<hbm>>
      tpu.wait_dma2 semaphore(%arg19 : memref<!tpu.dma_semaphore, #tpu.memory_space<semaphore_mem>>) src(%dma_wait3A_182 : memref<10000xf32, #tpu.memory_space<hbm>>) dst(%arg12 : memref<10000xf32, #tpu.memory_space<vmem>>)
      %lt3A = arith.constant 15 : i32
      %lt3A_183 = arith.cmpi slt, %scan3A_146, %lt3A : i32
      %convert_element_type3A = arith.extui %lt3A_183 : i1 to i32
      %cond3A = arith.constant 0 : i32
      %cond3A_184 = arith.cmpi ne, %convert_element_type3A, %cond3A : i32
      scf.if %cond3A_184 {
        %add3A_191 = arith.constant 2 : i32
        %add3A_192 = arith.addi %mul3A_149, %add3A_191 : i32
        %mul3A_193 = arith.constant 10000 : i32
        %mul3A_194 = arith.muli %add3A_192, %mul3A_193 : i32
        %dma_start3A_195 = tpu.memref_slice %arg3[%mul3A_194] : memref<320000xi32, #tpu.memory_space<hbm>> -> memref<10000xi32, #tpu.memory_space<hbm>>
        %dma_start3A_196 = tpu.memref_slice %arg3[%mul3A_194] : memref<320000xi32, #tpu.memory_space<hbm>> -> memref<10000xi32, #tpu.memory_space<hbm>>
        tpu.enqueue_dma source(%dma_start3A_196 : memref<10000xi32, #tpu.memory_space<hbm>>) target(%arg7 : memref<10000xi32, #tpu.memory_space<vmem>>) target_semaphore(%arg18 : memref<!tpu.dma_semaphore, #tpu.memory_space<semaphore_mem>>)
        %dma_start3A_197 = tpu.memref_slice %arg4[%mul3A_194] : memref<320000xi32, #tpu.memory_space<hbm>> -> memref<10000xi32, #tpu.memory_space<hbm>>
        %dma_start3A_198 = tpu.memref_slice %arg4[%mul3A_194] : memref<320000xi32, #tpu.memory_space<hbm>> -> memref<10000xi32, #tpu.memory_space<hbm>>
        tpu.enqueue_dma source(%dma_start3A_198 : memref<10000xi32, #tpu.memory_space<hbm>>) target(%arg8 : memref<10000xi32, #tpu.memory_space<vmem>>) target_semaphore(%arg18 : memref<!tpu.dma_semaphore, #tpu.memory_space<semaphore_mem>>)
        %dma_start3A_199 = tpu.memref_slice %arg5[%mul3A_194] : memref<320000xf32, #tpu.memory_space<hbm>> -> memref<10000xf32, #tpu.memory_space<hbm>>
        %dma_start3A_200 = tpu.memref_slice %arg5[%mul3A_194] : memref<320000xf32, #tpu.memory_space<hbm>> -> memref<10000xf32, #tpu.memory_space<hbm>>
        tpu.enqueue_dma source(%dma_start3A_200 : memref<10000xf32, #tpu.memory_space<hbm>>) target(%arg9 : memref<10000xf32, #tpu.memory_space<vmem>>) target_semaphore(%arg18 : memref<!tpu.dma_semaphore, #tpu.memory_space<semaphore_mem>>)
      } else {
      }
      %scan3A_185 = arith.constant 0 : i32
      %scan3A_186 = arith.constant 25 : i32
      %scan3A_187 = arith.addi %scan3A_185, %scan3A_186 : i32
      %scan3A_188 = arith.constant 1 : i32
      %scan3A_189 = scf.for %scan3A_191 = %scan3A_185 to %scan3A_187 step %scan3A_188 iter_args(%scan3A_192 = %scan3A_171) -> (vector<16xi32>)  : i32 {
        %scan3A_193 = arith.constant 0 : i32
        %scan3A_194 = arith.constant 5 : i32
        %scan3A_195 = arith.addi %scan3A_193, %scan3A_194 : i32
        %scan3A_196 = arith.constant 1 : i32
        %scan3A_197 = scf.for %scan3A_323 = %scan3A_193 to %scan3A_195 step %scan3A_196 iter_args(%scan3A_324 = %scan3A_192) -> (vector<16xi32>)  : i32 {
          %mul3A_325 = arith.constant 25 : i32
          %mul3A_326 = arith.muli %scan3A_191, %mul3A_325 : i32
          %mul3A_327 = arith.constant 5 : i32
          %mul3A_328 = arith.muli %scan3A_323, %mul3A_327 : i32
          %add3A_329 = arith.addi %mul3A_326, %mul3A_328 : i32
          %add3A_330 = arith.constant 0 : i32
          %add3A_331 = arith.addi %add3A_329, %add3A_330 : i32
          %mul3A_332 = arith.constant 16 : i32
          %mul3A_333 = arith.muli %add3A_331, %mul3A_332 : i32
          %get3A_334 = arith.index_cast %mul3A_333 : i32 to index
          %get3A_335 = tpu.vector_load %arg11[%get3A_334] {strides = array<i32>} : memref<10000xi32, #tpu.memory_space<vmem>>, vector<16xi32>,
          %get3A_336 = arith.index_cast %mul3A_333 : i32 to index
          %get3A_337 = tpu.vector_load %arg10[%get3A_336] {strides = array<i32>} : memref<10000xi32, #tpu.memory_space<vmem>>, vector<16xi32>,
          %get3A_338 = arith.index_cast %mul3A_333 : i32 to index
          %get3A_339 = tpu.vector_load %arg12[%get3A_338] {strides = array<i32>} : memref<10000xf32, #tpu.memory_space<vmem>>, vector<16xf32>,
          %shift_right_logical3A = arith.constant 6 : i32
          %shift_right_logical3A_340 = vector.broadcast %shift_right_logical3A : i32 to vector<16xi32>
          %shift_right_logical3A_341 = arith.shrui %get3A_335, %shift_right_logical3A_340 : vector<16xi32>
          %mul3A_342 = arith.constant 52429 : i32
          %mul3A_343 = vector.broadcast %mul3A_342 : i32 to vector<16xi32>
          %mul3A_344 = arith.muli %shift_right_logical3A_341, %mul3A_343 : vector<16xi32>
          %shift_right_logical3A_345 = arith.constant 18 : i32
          %shift_right_logical3A_346 = vector.broadcast %shift_right_logical3A_345 : i32 to vector<16xi32>
          %shift_right_logical3A_347 = arith.shrui %mul3A_344, %shift_right_logical3A_346 : vector<16xi32>
          %eq3A = arith.cmpi eq, %shift_right_logical3A_347, %broadcast_in_dim3A : vector<16xi32>
          %jit3A_348 = arith.constant 1 : i32
          %jit3A_349 = arith.constant 0 : i32
          %broadcast_in_dim3A_350 = vector.broadcast %jit3A_348 : i32 to vector<16xi32>
          %broadcast_in_dim3A_351 = vector.broadcast %jit3A_349 : i32 to vector<16xi32>
          %select_n3A_352 = arith.select %eq3A, %broadcast_in_dim3A_350, %broadcast_in_dim3A_351 : vector<16xi1>, vector<16xi32>
          %broadcast_in_dim3A_353 = arith.constant true
          %broadcast_in_dim3A_354 = vector.broadcast %broadcast_in_dim3A_353 : i1 to vector<16xi1>
          %masked_cumsum3A = tpu.scan <sum>, %select_n3A_352 masked %broadcast_in_dim3A_354 : vector<16xi32>, vector<16xi1> -> vector<16xi32>
          %sub3A_355 = arith.subi %masked_cumsum3A, %select_n3A_352 : vector<16xi32>
          %all_reduce_population_count3A = tpu.all_reduce %eq3A {dim = 0 : i64, kind = #tpu.reduction_kind<sum>} : vector<16xi1> -> vector<16xi32>
          %mul3A_356 = arith.constant 320 : i32
          %mul3A_357 = vector.broadcast %mul3A_356 : i32 to vector<16xi32>
          %mul3A_358 = arith.muli %shift_right_logical3A_347, %mul3A_357 : vector<16xi32>
          %sub3A_359 = arith.subi %get3A_335, %mul3A_358 : vector<16xi32>
          %add3A_360 = arith.addi %scan3A_324, %sub3A_355 : vector<16xi32>
          tpu.vector_store_idx %arg13[%add3A_360], %get3A_337 masked %eq3A : memref<640xi32, #tpu.memory_space<vmem>>[vector<16xi32>], vector<16xi32>, vector<16xi1>
          tpu.vector_store_idx %arg15[%add3A_360], %get3A_339 masked %eq3A : memref<640xf32, #tpu.memory_space<vmem>>[vector<16xi32>], vector<16xf32>, vector<16xi1>
          tpu.vector_store_idx %arg14[%add3A_360], %sub3A_359 masked %eq3A : memref<640xi32, #tpu.memory_space<vmem>>[vector<16xi32>], vector<16xi32>, vector<16xi1>
          %add3A_361 = arith.addi %scan3A_324, %all_reduce_population_count3A : vector<16xi32>
          %mul3A_362 = arith.constant 25 : i32
          %mul3A_363 = arith.muli %scan3A_191, %mul3A_362 : i32
          %mul3A_364 = arith.constant 5 : i32
          %mul3A_365 = arith.muli %scan3A_323, %mul3A_364 : i32
          %add3A_366 = arith.addi %mul3A_363, %mul3A_365 : i32
          %add3A_367 = arith.constant 1 : i32
          %add3A_368 = arith.addi %add3A_366, %add3A_367 : i32
          %mul3A_369 = arith.constant 16 : i32
          %mul3A_370 = arith.muli %add3A_368, %mul3A_369 : i32
          %get3A_371 = arith.index_cast %mul3A_370 : i32 to index
          %get3A_372 = tpu.vector_load %arg11[%get3A_371] {strides = array<i32>} : memref<10000xi32, #tpu.memory_space<vmem>>, vector<16xi32>,
          %get3A_373 = arith.index_cast %mul3A_370 : i32 to index
          %get3A_374 = tpu.vector_load %arg10[%get3A_373] {strides = array<i32>} : memref<10000xi32, #tpu.memory_space<vmem>>, vector<16xi32>,
          %get3A_375 = arith.index_cast %mul3A_370 : i32 to index
          %get3A_376 = tpu.vector_load %arg12[%get3A_375] {strides = array<i32>} : memref<10000xf32, #tpu.memory_space<vmem>>, vector<16xf32>,
          %shift_right_logical3A_377 = arith.constant 6 : i32
          %shift_right_logical3A_378 = vector.broadcast %shift_right_logical3A_377 : i32 to vector<16xi32>
          %shift_right_logical3A_379 = arith.shrui %get3A_372, %shift_right_logical3A_378 : vector<16xi32>
          %mul3A_380 = arith.constant 52429 : i32
          %mul3A_381 = vector.broadcast %mul3A_380 : i32 to vector<16xi32>
          %mul3A_382 = arith.muli %shift_right_logical3A_379, %mul3A_381 : vector<16xi32>
          %shift_right_logical3A_383 = arith.constant 18 : i32
          %shift_right_logical3A_384 = vector.broadcast %shift_right_logical3A_383 : i32 to vector<16xi32>
          %shift_right_logical3A_385 = arith.shrui %mul3A_382, %shift_right_logical3A_384 : vector<16xi32>
          %eq3A_386 = arith.cmpi eq, %shift_right_logical3A_385, %broadcast_in_dim3A : vector<16xi32>
          %jit3A_387 = arith.constant 1 : i32
          %jit3A_388 = arith.constant 0 : i32
          %broadcast_in_dim3A_389 = vector.broadcast %jit3A_387 : i32 to vector<16xi32>
          %broadcast_in_dim3A_390 = vector.broadcast %jit3A_388 : i32 to vector<16xi32>
          %select_n3A_391 = arith.select %eq3A_386, %broadcast_in_dim3A_389, %broadcast_in_dim3A_390 : vector<16xi1>, vector<16xi32>
          %broadcast_in_dim3A_392 = arith.constant true
          %broadcast_in_dim3A_393 = vector.broadcast %broadcast_in_dim3A_392 : i1 to vector<16xi1>
          %masked_cumsum3A_394 = tpu.scan <sum>, %select_n3A_391 masked %broadcast_in_dim3A_393 : vector<16xi32>, vector<16xi1> -> vector<16xi32>
          %sub3A_395 = arith.subi %masked_cumsum3A_394, %select_n3A_391 : vector<16xi32>
          %all_reduce_population_count3A_396 = tpu.all_reduce %eq3A_386 {dim = 0 : i64, kind = #tpu.reduction_kind<sum>} : vector<16xi1> -> vector<16xi32>
          %mul3A_397 = arith.constant 320 : i32
          %mul3A_398 = vector.broadcast %mul3A_397 : i32 to vector<16xi32>
          %mul3A_399 = arith.muli %shift_right_logical3A_385, %mul3A_398 : vector<16xi32>
          %sub3A_400 = arith.subi %get3A_372, %mul3A_399 : vector<16xi32>
          %add3A_401 = arith.addi %add3A_361, %sub3A_395 : vector<16xi32>
          tpu.vector_store_idx %arg13[%add3A_401], %get3A_374 masked %eq3A_386 : memref<640xi32, #tpu.memory_space<vmem>>[vector<16xi32>], vector<16xi32>, vector<16xi1>
          tpu.vector_store_idx %arg15[%add3A_401], %get3A_376 masked %eq3A_386 : memref<640xf32, #tpu.memory_space<vmem>>[vector<16xi32>], vector<16xf32>, vector<16xi1>
          tpu.vector_store_idx %arg14[%add3A_401], %sub3A_400 masked %eq3A_386 : memref<640xi32, #tpu.memory_space<vmem>>[vector<16xi32>], vector<16xi32>, vector<16xi1>
          %add3A_402 = arith.addi %add3A_361, %all_reduce_population_count3A_396 : vector<16xi32>
          %mul3A_403 = arith.constant 25 : i32
          %mul3A_404 = arith.muli %scan3A_191, %mul3A_403 : i32
          %mul3A_405 = arith.constant 5 : i32
          %mul3A_406 = arith.muli %scan3A_323, %mul3A_405 : i32
          %add3A_407 = arith.addi %mul3A_404, %mul3A_406 : i32
          %add3A_408 = arith.constant 2 : i32
          %add3A_409 = arith.addi %add3A_407, %add3A_408 : i32
          %mul3A_410 = arith.constant 16 : i32
          %mul3A_411 = arith.muli %add3A_409, %mul3A_410 : i32
          %get3A_412 = arith.index_cast %mul3A_411 : i32 to index
          %get3A_413 = tpu.vector_load %arg11[%get3A_412] {strides = array<i32>} : memref<10000xi32, #tpu.memory_space<vmem>>, vector<16xi32>,
          %get3A_414 = arith.index_cast %mul3A_411 : i32 to index
          %get3A_415 = tpu.vector_load %arg10[%get3A_414] {strides = array<i32>} : memref<10000xi32, #tpu.memory_space<vmem>>, vector<16xi32>,
          %get3A_416 = arith.index_cast %mul3A_411 : i32 to index
          %get3A_417 = tpu.vector_load %arg12[%get3A_416] {strides = array<i32>} : memref<10000xf32, #tpu.memory_space<vmem>>, vector<16xf32>,
          %shift_right_logical3A_418 = arith.constant 6 : i32
          %shift_right_logical3A_419 = vector.broadcast %shift_right_logical3A_418 : i32 to vector<16xi32>
          %shift_right_logical3A_420 = arith.shrui %get3A_413, %shift_right_logical3A_419 : vector<16xi32>
          %mul3A_421 = arith.constant 52429 : i32
          %mul3A_422 = vector.broadcast %mul3A_421 : i32 to vector<16xi32>
          %mul3A_423 = arith.muli %shift_right_logical3A_420, %mul3A_422 : vector<16xi32>
          %shift_right_logical3A_424 = arith.constant 18 : i32
          %shift_right_logical3A_425 = vector.broadcast %shift_right_logical3A_424 : i32 to vector<16xi32>
          %shift_right_logical3A_426 = arith.shrui %mul3A_423, %shift_right_logical3A_425 : vector<16xi32>
          %eq3A_427 = arith.cmpi eq, %shift_right_logical3A_426, %broadcast_in_dim3A : vector<16xi32>
          %jit3A_428 = arith.constant 1 : i32
          %jit3A_429 = arith.constant 0 : i32
          %broadcast_in_dim3A_430 = vector.broadcast %jit3A_428 : i32 to vector<16xi32>
          %broadcast_in_dim3A_431 = vector.broadcast %jit3A_429 : i32 to vector<16xi32>
          %select_n3A_432 = arith.select %eq3A_427, %broadcast_in_dim3A_430, %broadcast_in_dim3A_431 : vector<16xi1>, vector<16xi32>
          %broadcast_in_dim3A_433 = arith.constant true
          %broadcast_in_dim3A_434 = vector.broadcast %broadcast_in_dim3A_433 : i1 to vector<16xi1>
          %masked_cumsum3A_435 = tpu.scan <sum>, %select_n3A_432 masked %broadcast_in_dim3A_434 : vector<16xi32>, vector<16xi1> -> vector<16xi32>
          %sub3A_436 = arith.subi %masked_cumsum3A_435, %select_n3A_432 : vector<16xi32>
          %all_reduce_population_count3A_437 = tpu.all_reduce %eq3A_427 {dim = 0 : i64, kind = #tpu.reduction_kind<sum>} : vector<16xi1> -> vector<16xi32>
          %mul3A_438 = arith.constant 320 : i32
          %mul3A_439 = vector.broadcast %mul3A_438 : i32 to vector<16xi32>
          %mul3A_440 = arith.muli %shift_right_logical3A_426, %mul3A_439 : vector<16xi32>
          %sub3A_441 = arith.subi %get3A_413, %mul3A_440 : vector<16xi32>
          %add3A_442 = arith.addi %add3A_402, %sub3A_436 : vector<16xi32>
          tpu.vector_store_idx %arg13[%add3A_442], %get3A_415 masked %eq3A_427 : memref<640xi32, #tpu.memory_space<vmem>>[vector<16xi32>], vector<16xi32>, vector<16xi1>
          tpu.vector_store_idx %arg15[%add3A_442], %get3A_417 masked %eq3A_427 : memref<640xf32, #tpu.memory_space<vmem>>[vector<16xi32>], vector<16xf32>, vector<16xi1>
          tpu.vector_store_idx %arg14[%add3A_442], %sub3A_441 masked %eq3A_427 : memref<640xi32, #tpu.memory_space<vmem>>[vector<16xi32>], vector<16xi32>, vector<16xi1>
          %add3A_443 = arith.addi %add3A_402, %all_reduce_population_count3A_437 : vector<16xi32>
          %mul3A_444 = arith.constant 25 : i32
          %mul3A_445 = arith.muli %scan3A_191, %mul3A_444 : i32
          %mul3A_446 = arith.constant 5 : i32
          %mul3A_447 = arith.muli %scan3A_323, %mul3A_446 : i32
          %add3A_448 = arith.addi %mul3A_445, %mul3A_447 : i32
          %add3A_449 = arith.constant 3 : i32
          %add3A_450 = arith.addi %add3A_448, %add3A_449 : i32
          %mul3A_451 = arith.constant 16 : i32
          %mul3A_452 = arith.muli %add3A_450, %mul3A_451 : i32
          %get3A_453 = arith.index_cast %mul3A_452 : i32 to index
          %get3A_454 = tpu.vector_load %arg11[%get3A_453] {strides = array<i32>} : memref<10000xi32, #tpu.memory_space<vmem>>, vector<16xi32>,
          %get3A_455 = arith.index_cast %mul3A_452 : i32 to index
          %get3A_456 = tpu.vector_load %arg10[%get3A_455] {strides = array<i32>} : memref<10000xi32, #tpu.memory_space<vmem>>, vector<16xi32>,
          %get3A_457 = arith.index_cast %mul3A_452 : i32 to index
          %get3A_458 = tpu.vector_load %arg12[%get3A_457] {strides = array<i32>} : memref<10000xf32, #tpu.memory_space<vmem>>, vector<16xf32>,
          %shift_right_logical3A_459 = arith.constant 6 : i32
          %shift_right_logical3A_460 = vector.broadcast %shift_right_logical3A_459 : i32 to vector<16xi32>
          %shift_right_logical3A_461 = arith.shrui %get3A_454, %shift_right_logical3A_460 : vector<16xi32>
          %mul3A_462 = arith.constant 52429 : i32
          %mul3A_463 = vector.broadcast %mul3A_462 : i32 to vector<16xi32>
          %mul3A_464 = arith.muli %shift_right_logical3A_461, %mul3A_463 : vector<16xi32>
          %shift_right_logical3A_465 = arith.constant 18 : i32
          %shift_right_logical3A_466 = vector.broadcast %shift_right_logical3A_465 : i32 to vector<16xi32>
          %shift_right_logical3A_467 = arith.shrui %mul3A_464, %shift_right_logical3A_466 : vector<16xi32>
          %eq3A_468 = arith.cmpi eq, %shift_right_logical3A_467, %broadcast_in_dim3A : vector<16xi32>
          %jit3A_469 = arith.constant 1 : i32
          %jit3A_470 = arith.constant 0 : i32
          %broadcast_in_dim3A_471 = vector.broadcast %jit3A_469 : i32 to vector<16xi32>
          %broadcast_in_dim3A_472 = vector.broadcast %jit3A_470 : i32 to vector<16xi32>
          %select_n3A_473 = arith.select %eq3A_468, %broadcast_in_dim3A_471, %broadcast_in_dim3A_472 : vector<16xi1>, vector<16xi32>
          %broadcast_in_dim3A_474 = arith.constant true
          %broadcast_in_dim3A_475 = vector.broadcast %broadcast_in_dim3A_474 : i1 to vector<16xi1>
          %masked_cumsum3A_476 = tpu.scan <sum>, %select_n3A_473 masked %broadcast_in_dim3A_475 : vector<16xi32>, vector<16xi1> -> vector<16xi32>
          %sub3A_477 = arith.subi %masked_cumsum3A_476, %select_n3A_473 : vector<16xi32>
          %all_reduce_population_count3A_478 = tpu.all_reduce %eq3A_468 {dim = 0 : i64, kind = #tpu.reduction_kind<sum>} : vector<16xi1> -> vector<16xi32>
          %mul3A_479 = arith.constant 320 : i32
          %mul3A_480 = vector.broadcast %mul3A_479 : i32 to vector<16xi32>
          %mul3A_481 = arith.muli %shift_right_logical3A_467, %mul3A_480 : vector<16xi32>
          %sub3A_482 = arith.subi %get3A_454, %mul3A_481 : vector<16xi32>
          %add3A_483 = arith.addi %add3A_443, %sub3A_477 : vector<16xi32>
          tpu.vector_store_idx %arg13[%add3A_483], %get3A_456 masked %eq3A_468 : memref<640xi32, #tpu.memory_space<vmem>>[vector<16xi32>], vector<16xi32>, vector<16xi1>
          tpu.vector_store_idx %arg15[%add3A_483], %get3A_458 masked %eq3A_468 : memref<640xf32, #tpu.memory_space<vmem>>[vector<16xi32>], vector<16xf32>, vector<16xi1>
          tpu.vector_store_idx %arg14[%add3A_483], %sub3A_482 masked %eq3A_468 : memref<640xi32, #tpu.memory_space<vmem>>[vector<16xi32>], vector<16xi32>, vector<16xi1>
          %add3A_484 = arith.addi %add3A_443, %all_reduce_population_count3A_478 : vector<16xi32>
          %mul3A_485 = arith.constant 25 : i32
          %mul3A_486 = arith.muli %scan3A_191, %mul3A_485 : i32
          %mul3A_487 = arith.constant 5 : i32
          %mul3A_488 = arith.muli %scan3A_323, %mul3A_487 : i32
          %add3A_489 = arith.addi %mul3A_486, %mul3A_488 : i32
          %add3A_490 = arith.constant 4 : i32
          %add3A_491 = arith.addi %add3A_489, %add3A_490 : i32
          %mul3A_492 = arith.constant 16 : i32
          %mul3A_493 = arith.muli %add3A_491, %mul3A_492 : i32
          %get3A_494 = arith.index_cast %mul3A_493 : i32 to index
          %get3A_495 = tpu.vector_load %arg11[%get3A_494] {strides = array<i32>} : memref<10000xi32, #tpu.memory_space<vmem>>, vector<16xi32>,
          %get3A_496 = arith.index_cast %mul3A_493 : i32 to index
          %get3A_497 = tpu.vector_load %arg10[%get3A_496] {strides = array<i32>} : memref<10000xi32, #tpu.memory_space<vmem>>, vector<16xi32>,
          %get3A_498 = arith.index_cast %mul3A_493 : i32 to index
          %get3A_499 = tpu.vector_load %arg12[%get3A_498] {strides = array<i32>} : memref<10000xf32, #tpu.memory_space<vmem>>, vector<16xf32>,
          %shift_right_logical3A_500 = arith.constant 6 : i32
          %shift_right_logical3A_501 = vector.broadcast %shift_right_logical3A_500 : i32 to vector<16xi32>
          %shift_right_logical3A_502 = arith.shrui %get3A_495, %shift_right_logical3A_501 : vector<16xi32>
          %mul3A_503 = arith.constant 52429 : i32
          %mul3A_504 = vector.broadcast %mul3A_503 : i32 to vector<16xi32>
          %mul3A_505 = arith.muli %shift_right_logical3A_502, %mul3A_504 : vector<16xi32>
          %shift_right_logical3A_506 = arith.constant 18 : i32
          %shift_right_logical3A_507 = vector.broadcast %shift_right_logical3A_506 : i32 to vector<16xi32>
          %shift_right_logical3A_508 = arith.shrui %mul3A_505, %shift_right_logical3A_507 : vector<16xi32>
          %eq3A_509 = arith.cmpi eq, %shift_right_logical3A_508, %broadcast_in_dim3A : vector<16xi32>
          %jit3A_510 = arith.constant 1 : i32
          %jit3A_511 = arith.constant 0 : i32
          %broadcast_in_dim3A_512 = vector.broadcast %jit3A_510 : i32 to vector<16xi32>
          %broadcast_in_dim3A_513 = vector.broadcast %jit3A_511 : i32 to vector<16xi32>
          %select_n3A_514 = arith.select %eq3A_509, %broadcast_in_dim3A_512, %broadcast_in_dim3A_513 : vector<16xi1>, vector<16xi32>
          %broadcast_in_dim3A_515 = arith.constant true
          %broadcast_in_dim3A_516 = vector.broadcast %broadcast_in_dim3A_515 : i1 to vector<16xi1>
          %masked_cumsum3A_517 = tpu.scan <sum>, %select_n3A_514 masked %broadcast_in_dim3A_516 : vector<16xi32>, vector<16xi1> -> vector<16xi32>
          %sub3A_518 = arith.subi %masked_cumsum3A_517, %select_n3A_514 : vector<16xi32>
          %all_reduce_population_count3A_519 = tpu.all_reduce %eq3A_509 {dim = 0 : i64, kind = #tpu.reduction_kind<sum>} : vector<16xi1> -> vector<16xi32>
          %mul3A_520 = arith.constant 320 : i32
          %mul3A_521 = vector.broadcast %mul3A_520 : i32 to vector<16xi32>
          %mul3A_522 = arith.muli %shift_right_logical3A_508, %mul3A_521 : vector<16xi32>
          %sub3A_523 = arith.subi %get3A_495, %mul3A_522 : vector<16xi32>
          %add3A_524 = arith.addi %add3A_484, %sub3A_518 : vector<16xi32>
          tpu.vector_store_idx %arg13[%add3A_524], %get3A_497 masked %eq3A_509 : memref<640xi32, #tpu.memory_space<vmem>>[vector<16xi32>], vector<16xi32>, vector<16xi1>
          tpu.vector_store_idx %arg15[%add3A_524], %get3A_499 masked %eq3A_509 : memref<640xf32, #tpu.memory_space<vmem>>[vector<16xi32>], vector<16xf32>, vector<16xi1>
          tpu.vector_store_idx %arg14[%add3A_524], %sub3A_523 masked %eq3A_509 : memref<640xi32, #tpu.memory_space<vmem>>[vector<16xi32>], vector<16xi32>, vector<16xi1>
          %add3A_525 = arith.addi %add3A_484, %all_reduce_population_count3A_519 : vector<16xi32>
          scf.yield %add3A_525 : vector<16xi32>
        }
        %scan3A_198 = arith.constant 5 : i32
        %reduce_max3A_199 = arith.constant true
        %reduce_max3A_200 = vector.broadcast %reduce_max3A_199 : i1 to vector<16xi1>
        %reduce_max3A_201 = arith.constant -2147483648 : i32
        %reduce_max3A_202 = vector.broadcast %reduce_max3A_201 : i32 to vector<16xi32>
        %reduce_max3A_203 = arith.xori %scan3A_197, %reduce_max3A_202 : vector<16xi32>
        %reduce_max3A_204 = tpu.scan <max>, %reduce_max3A_203 masked %reduce_max3A_200 : vector<16xi32>, vector<16xi1> -> vector<16xi32>
        %reduce_max3A_205 = arith.xori %reduce_max3A_204, %reduce_max3A_202 : vector<16xi32>
        %reduce_max3A_206 = vector.extract %reduce_max3A_205[15] : i32 from vector<16xi32>
        %jit3A_207 = arith.constant 80 : i32
        %div3A_208 = arith.divsi %reduce_max3A_206, %jit3A_207 : i32
        %sign3A_209 = arith.constant 0 : i32
        %sign3A_210 = arith.cmpi sgt, %reduce_max3A_206, %sign3A_209 : i32
        %sign3A_211 = arith.extui %sign3A_210 : i1 to i32
        %sign3A_212 = arith.constant 0 : i32
        %sign3A_213 = arith.cmpi slt, %reduce_max3A_206, %sign3A_212 : i32
        %sign3A_214 = arith.extui %sign3A_213 : i1 to i32
        %sign3A_215 = arith.subi %sign3A_211, %sign3A_214 : i32
        %sign3A_216 = arith.constant 0 : i32
        %sign3A_217 = arith.cmpi sgt, %jit3A_207, %sign3A_216 : i32
        %sign3A_218 = arith.extui %sign3A_217 : i1 to i32
        %sign3A_219 = arith.constant 0 : i32
        %sign3A_220 = arith.cmpi slt, %jit3A_207, %sign3A_219 : i32
        %sign3A_221 = arith.extui %sign3A_220 : i1 to i32
        %sign3A_222 = arith.subi %sign3A_218, %sign3A_221 : i32
        %ne3A_223 = arith.cmpi ne, %sign3A_215, %sign3A_222 : i32
        %rem3A_224 = arith.remsi %reduce_max3A_206, %jit3A_207 : i32
        %ne3A_225 = arith.constant 0 : i32
        %ne3A_226 = arith.cmpi ne, %rem3A_224, %ne3A_225 : i32
        %and3A_227 = arith.andi %ne3A_223, %ne3A_226 : i1
        %sub3A_228 = arith.constant 1 : i32
        %sub3A_229 = arith.subi %div3A_208, %sub3A_228 : i32
        %select_n3A_230 = arith.select %and3A_227, %sub3A_229, %div3A_208 : i32
        %while3A_231 = arith.constant 0 : i32
        %while3A_232 = arith.constant 0 : i32
        %while3A_233 = arith.subi %select_n3A_230, %while3A_232 : i32
        %while3A_234 = arith.addi %while3A_232, %while3A_233 : i32
        %while3A_235 = arith.constant 1 : i32
        %while3A_236 = arith.divsi %while3A_233, %while3A_235 : i32
        %while3A_237 = arith.muli %while3A_236, %while3A_235 : i32
        %while3A_238 = arith.addi %while3A_232, %while3A_237 : i32
        %while3A_239 = arith.constant 1 : i32
        scf.for %while3A_323 = %while3A_232 to %while3A_238 step %while3A_239  : i32 {
          %mul3A_324 = arith.constant 80 : i32
          %mul3A_325 = arith.muli %while3A_323, %mul3A_324 : i32
          %multiple_of3A_326 = tpu.assume_multiple %mul3A_325, 80 : i32
          %dma_start3A_327 = tpu.memref_slice %arg13[%multiple_of3A_326] : memref<640xi32, #tpu.memory_space<vmem>> -> memref<80xi32, #tpu.memory_space<vmem>>
          %dma_start3A_328 = arith.constant 0 : i32
          %dma_start3A_329 = arith.constant 0 : i32
          %dma_start3A_330 = tpu.memref_slice %arg2[%dma_start3A_328, %dma_start3A_329] : memref<10000x128xf32, #tpu.memory_space<hbm>> -> memref<10000x128xf32, #tpu.memory_space<hbm>>
          tpu.enqueue_indirect_dma source(%dma_start3A_330 : memref<10000x128xf32, #tpu.memory_space<hbm>>) target(%arg16 : memref<80x128xf32, #tpu.memory_space<vmem>>) offsets(%dma_start3A_327 : memref<80xi32, #tpu.memory_space<vmem>>) semaphore(%arg20 : memref<!tpu.dma_semaphore, #tpu.memory_space<semaphore_mem>>)
          %dma_wait3A_331 = tpu.memref_slice %arg13[%multiple_of3A_326] : memref<640xi32, #tpu.memory_space<vmem>> -> memref<80xi32, #tpu.memory_space<vmem>>
          %dma_wait3A_332 = arith.constant 0 : i32
          %dma_wait3A_333 = arith.constant 0 : i32
          %dma_wait3A_334 = tpu.memref_slice %arg2[%dma_wait3A_332, %dma_wait3A_333] : memref<10000x128xf32, #tpu.memory_space<hbm>> -> memref<10000x128xf32, #tpu.memory_space<hbm>>
          tpu.wait_indirect_dma semaphore(%arg20 : memref<!tpu.dma_semaphore, #tpu.memory_space<semaphore_mem>>) src(%dma_wait3A_334 : memref<10000x128xf32, #tpu.memory_space<hbm>>) dst(%arg16 : memref<80x128xf32, #tpu.memory_space<vmem>>)
          %scan3A_335 = arith.constant 0 : i32
          %scan3A_336 = arith.constant 0 : i32
          %scan3A_337 = arith.constant 40 : i32
          %scan3A_338 = arith.addi %scan3A_336, %scan3A_337 : i32
          %scan3A_339 = arith.constant 1 : i32
          scf.for %scan3A_341 = %scan3A_336 to %scan3A_338 step %scan3A_339  : i32 {
            %mul3A_342 = arith.constant 2 : i32
            %mul3A_343 = arith.muli %scan3A_341, %mul3A_342 : i32
            %add3A_344 = arith.constant 0 : i32
            %add3A_345 = arith.addi %mul3A_343, %add3A_344 : i32
            %add3A_346 = arith.addi %multiple_of3A_326, %add3A_345 : i32
            %broadcast_in_dim3A_347 = vector.broadcast %add3A_346 : i32 to vector<16xi32>
            %gather3A = tpu.vector_load_idx %arg15[%broadcast_in_dim3A_347] : memref<640xf32, #tpu.memory_space<vmem>>[vector<16xi32>], vector<16xf32>,
            %gather3A_348 = tpu.vector_load_idx %arg14[%broadcast_in_dim3A_347] : memref<640xi32, #tpu.memory_space<vmem>>[vector<16xi32>], vector<16xi32>,
            %get3A_349 = arith.index_cast %add3A_345 : i32 to index
            %get3A_350 = arith.constant 0 : index
            %get3A_351 = tpu.vector_load %arg16[%get3A_349, %get3A_350] {strides = array<i32>} : memref<80x128xf32, #tpu.memory_space<vmem>>, vector<16xf32>,
            %mul3A_352 = arith.mulf %get3A_351, %gather3A : vector<16xf32>
            %add3A_353 = arith.constant 0 : i32
            %add3A_354 = vector.broadcast %add3A_353 : i32 to vector<16xi32>
            %add3A_355 = arith.addi %iota3A, %add3A_354 : vector<16xi32>
            tpu.vector_store_idx %arg17[%gather3A_348, %add3A_355], %mul3A_352 {add = true} : memref<320x128xf32, #tpu.memory_space<vmem>>[vector<16xi32>, vector<16xi32>], vector<16xf32>,
            %get3A_356 = arith.index_cast %add3A_345 : i32 to index
            %get3A_357 = arith.constant 16 : index
            %get3A_358 = tpu.vector_load %arg16[%get3A_356, %get3A_357] {strides = array<i32>} : memref<80x128xf32, #tpu.memory_space<vmem>>, vector<16xf32>,
            %mul3A_359 = arith.mulf %get3A_358, %gather3A : vector<16xf32>
            %add3A_360 = arith.constant 16 : i32
            %add3A_361 = vector.broadcast %add3A_360 : i32 to vector<16xi32>
            %add3A_362 = arith.addi %iota3A, %add3A_361 : vector<16xi32>
            tpu.vector_store_idx %arg17[%gather3A_348, %add3A_362], %mul3A_359 {add = true} : memref<320x128xf32, #tpu.memory_space<vmem>>[vector<16xi32>, vector<16xi32>], vector<16xf32>,
            %get3A_363 = arith.index_cast %add3A_345 : i32 to index
            %get3A_364 = arith.constant 32 : index
            %get3A_365 = tpu.vector_load %arg16[%get3A_363, %get3A_364] {strides = array<i32>} : memref<80x128xf32, #tpu.memory_space<vmem>>, vector<16xf32>,
            %mul3A_366 = arith.mulf %get3A_365, %gather3A : vector<16xf32>
            %add3A_367 = arith.constant 32 : i32
            %add3A_368 = vector.broadcast %add3A_367 : i32 to vector<16xi32>
            %add3A_369 = arith.addi %iota3A, %add3A_368 : vector<16xi32>
            tpu.vector_store_idx %arg17[%gather3A_348, %add3A_369], %mul3A_366 {add = true} : memref<320x128xf32, #tpu.memory_space<vmem>>[vector<16xi32>, vector<16xi32>], vector<16xf32>,
            %get3A_370 = arith.index_cast %add3A_345 : i32 to index
            %get3A_371 = arith.constant 48 : index
            %get3A_372 = tpu.vector_load %arg16[%get3A_370, %get3A_371] {strides = array<i32>} : memref<80x128xf32, #tpu.memory_space<vmem>>, vector<16xf32>,
            %mul3A_373 = arith.mulf %get3A_372, %gather3A : vector<16xf32>
            %add3A_374 = arith.constant 48 : i32
            %add3A_375 = vector.broadcast %add3A_374 : i32 to vector<16xi32>
            %add3A_376 = arith.addi %iota3A, %add3A_375 : vector<16xi32>
            tpu.vector_store_idx %arg17[%gather3A_348, %add3A_376], %mul3A_373 {add = true} : memref<320x128xf32, #tpu.memory_space<vmem>>[vector<16xi32>, vector<16xi32>], vector<16xf32>,
            %get3A_377 = arith.index_cast %add3A_345 : i32 to index
            %get3A_378 = arith.constant 64 : index
            %get3A_379 = tpu.vector_load %arg16[%get3A_377, %get3A_378] {strides = array<i32>} : memref<80x128xf32, #tpu.memory_space<vmem>>, vector<16xf32>,
            %mul3A_380 = arith.mulf %get3A_379, %gather3A : vector<16xf32>
            %add3A_381 = arith.constant 64 : i32
            %add3A_382 = vector.broadcast %add3A_381 : i32 to vector<16xi32>
            %add3A_383 = arith.addi %iota3A, %add3A_382 : vector<16xi32>
            tpu.vector_store_idx %arg17[%gather3A_348, %add3A_383], %mul3A_380 {add = true} : memref<320x128xf32, #tpu.memory_space<vmem>>[vector<16xi32>, vector<16xi32>], vector<16xf32>,
            %get3A_384 = arith.index_cast %add3A_345 : i32 to index
            %get3A_385 = arith.constant 80 : index
            %get3A_386 = tpu.vector_load %arg16[%get3A_384, %get3A_385] {strides = array<i32>} : memref<80x128xf32, #tpu.memory_space<vmem>>, vector<16xf32>,
            %mul3A_387 = arith.mulf %get3A_386, %gather3A : vector<16xf32>
            %add3A_388 = arith.constant 80 : i32
            %add3A_389 = vector.broadcast %add3A_388 : i32 to vector<16xi32>
            %add3A_390 = arith.addi %iota3A, %add3A_389 : vector<16xi32>
            tpu.vector_store_idx %arg17[%gather3A_348, %add3A_390], %mul3A_387 {add = true} : memref<320x128xf32, #tpu.memory_space<vmem>>[vector<16xi32>, vector<16xi32>], vector<16xf32>,
            %get3A_391 = arith.index_cast %add3A_345 : i32 to index
            %get3A_392 = arith.constant 96 : index
            %get3A_393 = tpu.vector_load %arg16[%get3A_391, %get3A_392] {strides = array<i32>} : memref<80x128xf32, #tpu.memory_space<vmem>>, vector<16xf32>,
            %mul3A_394 = arith.mulf %get3A_393, %gather3A : vector<16xf32>
            %add3A_395 = arith.constant 96 : i32
            %add3A_396 = vector.broadcast %add3A_395 : i32 to vector<16xi32>
            %add3A_397 = arith.addi %iota3A, %add3A_396 : vector<16xi32>
            tpu.vector_store_idx %arg17[%gather3A_348, %add3A_397], %mul3A_394 {add = true} : memref<320x128xf32, #tpu.memory_space<vmem>>[vector<16xi32>, vector<16xi32>], vector<16xf32>,
            %get3A_398 = arith.index_cast %add3A_345 : i32 to index
            %get3A_399 = arith.constant 112 : index
            %get3A_400 = tpu.vector_load %arg16[%get3A_398, %get3A_399] {strides = array<i32>} : memref<80x128xf32, #tpu.memory_space<vmem>>, vector<16xf32>,
            %mul3A_401 = arith.mulf %get3A_400, %gather3A : vector<16xf32>
            %add3A_402 = arith.constant 112 : i32
            %add3A_403 = vector.broadcast %add3A_402 : i32 to vector<16xi32>
            %add3A_404 = arith.addi %iota3A, %add3A_403 : vector<16xi32>
            tpu.vector_store_idx %arg17[%gather3A_348, %add3A_404], %mul3A_401 {add = true} : memref<320x128xf32, #tpu.memory_space<vmem>>[vector<16xi32>, vector<16xi32>], vector<16xf32>,
            %mul3A_405 = arith.constant 2 : i32
            %mul3A_406 = arith.muli %scan3A_341, %mul3A_405 : i32
            %add3A_407 = arith.constant 1 : i32
            %add3A_408 = arith.addi %mul3A_406, %add3A_407 : i32
            %add3A_409 = arith.addi %multiple_of3A_326, %add3A_408 : i32
            %broadcast_in_dim3A_410 = vector.broadcast %add3A_409 : i32 to vector<16xi32>
            %gather3A_411 = tpu.vector_load_idx %arg15[%broadcast_in_dim3A_410] : memref<640xf32, #tpu.memory_space<vmem>>[vector<16xi32>], vector<16xf32>,
            %gather3A_412 = tpu.vector_load_idx %arg14[%broadcast_in_dim3A_410] : memref<640xi32, #tpu.memory_space<vmem>>[vector<16xi32>], vector<16xi32>,
            %get3A_413 = arith.index_cast %add3A_408 : i32 to index
            %get3A_414 = arith.constant 0 : index
            %get3A_415 = tpu.vector_load %arg16[%get3A_413, %get3A_414] {strides = array<i32>} : memref<80x128xf32, #tpu.memory_space<vmem>>, vector<16xf32>,
            %mul3A_416 = arith.mulf %get3A_415, %gather3A_411 : vector<16xf32>
            %add3A_417 = arith.constant 0 : i32
            %add3A_418 = vector.broadcast %add3A_417 : i32 to vector<16xi32>
            %add3A_419 = arith.addi %iota3A, %add3A_418 : vector<16xi32>
            tpu.vector_store_idx %arg17[%gather3A_412, %add3A_419], %mul3A_416 {add = true} : memref<320x128xf32, #tpu.memory_space<vmem>>[vector<16xi32>, vector<16xi32>], vector<16xf32>,
            %get3A_420 = arith.index_cast %add3A_408 : i32 to index
            %get3A_421 = arith.constant 16 : index
            %get3A_422 = tpu.vector_load %arg16[%get3A_420, %get3A_421] {strides = array<i32>} : memref<80x128xf32, #tpu.memory_space<vmem>>, vector<16xf32>,
            %mul3A_423 = arith.mulf %get3A_422, %gather3A_411 : vector<16xf32>
            %add3A_424 = arith.constant 16 : i32
            %add3A_425 = vector.broadcast %add3A_424 : i32 to vector<16xi32>
            %add3A_426 = arith.addi %iota3A, %add3A_425 : vector<16xi32>
            tpu.vector_store_idx %arg17[%gather3A_412, %add3A_426], %mul3A_423 {add = true} : memref<320x128xf32, #tpu.memory_space<vmem>>[vector<16xi32>, vector<16xi32>], vector<16xf32>,
            %get3A_427 = arith.index_cast %add3A_408 : i32 to index
            %get3A_428 = arith.constant 32 : index
            %get3A_429 = tpu.vector_load %arg16[%get3A_427, %get3A_428] {strides = array<i32>} : memref<80x128xf32, #tpu.memory_space<vmem>>, vector<16xf32>,
            %mul3A_430 = arith.mulf %get3A_429, %gather3A_411 : vector<16xf32>
            %add3A_431 = arith.constant 32 : i32
            %add3A_432 = vector.broadcast %add3A_431 : i32 to vector<16xi32>
            %add3A_433 = arith.addi %iota3A, %add3A_432 : vector<16xi32>
            tpu.vector_store_idx %arg17[%gather3A_412, %add3A_433], %mul3A_430 {add = true} : memref<320x128xf32, #tpu.memory_space<vmem>>[vector<16xi32>, vector<16xi32>], vector<16xf32>,
            %get3A_434 = arith.index_cast %add3A_408 : i32 to index
            %get3A_435 = arith.constant 48 : index
            %get3A_436 = tpu.vector_load %arg16[%get3A_434, %get3A_435] {strides = array<i32>} : memref<80x128xf32, #tpu.memory_space<vmem>>, vector<16xf32>,
            %mul3A_437 = arith.mulf %get3A_436, %gather3A_411 : vector<16xf32>
            %add3A_438 = arith.constant 48 : i32
            %add3A_439 = vector.broadcast %add3A_438 : i32 to vector<16xi32>
            %add3A_440 = arith.addi %iota3A, %add3A_439 : vector<16xi32>
            tpu.vector_store_idx %arg17[%gather3A_412, %add3A_440], %mul3A_437 {add = true} : memref<320x128xf32, #tpu.memory_space<vmem>>[vector<16xi32>, vector<16xi32>], vector<16xf32>,
            %get3A_441 = arith.index_cast %add3A_408 : i32 to index
            %get3A_442 = arith.constant 64 : index
            %get3A_443 = tpu.vector_load %arg16[%get3A_441, %get3A_442] {strides = array<i32>} : memref<80x128xf32, #tpu.memory_space<vmem>>, vector<16xf32>,
            %mul3A_444 = arith.mulf %get3A_443, %gather3A_411 : vector<16xf32>
            %add3A_445 = arith.constant 64 : i32
            %add3A_446 = vector.broadcast %add3A_445 : i32 to vector<16xi32>
            %add3A_447 = arith.addi %iota3A, %add3A_446 : vector<16xi32>
            tpu.vector_store_idx %arg17[%gather3A_412, %add3A_447], %mul3A_444 {add = true} : memref<320x128xf32, #tpu.memory_space<vmem>>[vector<16xi32>, vector<16xi32>], vector<16xf32>,
            %get3A_448 = arith.index_cast %add3A_408 : i32 to index
            %get3A_449 = arith.constant 80 : index
            %get3A_450 = tpu.vector_load %arg16[%get3A_448, %get3A_449] {strides = array<i32>} : memref<80x128xf32, #tpu.memory_space<vmem>>, vector<16xf32>,
            %mul3A_451 = arith.mulf %get3A_450, %gather3A_411 : vector<16xf32>
            %add3A_452 = arith.constant 80 : i32
            %add3A_453 = vector.broadcast %add3A_452 : i32 to vector<16xi32>
            %add3A_454 = arith.addi %iota3A, %add3A_453 : vector<16xi32>
            tpu.vector_store_idx %arg17[%gather3A_412, %add3A_454], %mul3A_451 {add = true} : memref<320x128xf32, #tpu.memory_space<vmem>>[vector<16xi32>, vector<16xi32>], vector<16xf32>,
            %get3A_455 = arith.index_cast %add3A_408 : i32 to index
            %get3A_456 = arith.constant 96 : index
            %get3A_457 = tpu.vector_load %arg16[%get3A_455, %get3A_456] {strides = array<i32>} : memref<80x128xf32, #tpu.memory_space<vmem>>, vector<16xf32>,
            %mul3A_458 = arith.mulf %get3A_457, %gather3A_411 : vector<16xf32>
            %add3A_459 = arith.constant 96 : i32
            %add3A_460 = vector.broadcast %add3A_459 : i32 to vector<16xi32>
            %add3A_461 = arith.addi %iota3A, %add3A_460 : vector<16xi32>
            tpu.vector_store_idx %arg17[%gather3A_412, %add3A_461], %mul3A_458 {add = true} : memref<320x128xf32, #tpu.memory_space<vmem>>[vector<16xi32>, vector<16xi32>], vector<16xf32>,
            %get3A_462 = arith.index_cast %add3A_408 : i32 to index
            %get3A_463 = arith.constant 112 : index
            %get3A_464 = tpu.vector_load %arg16[%get3A_462, %get3A_463] {strides = array<i32>} : memref<80x128xf32, #tpu.memory_space<vmem>>, vector<16xf32>,
            %mul3A_465 = arith.mulf %get3A_464, %gather3A_411 : vector<16xf32>
            %add3A_466 = arith.constant 112 : i32
            %add3A_467 = vector.broadcast %add3A_466 : i32 to vector<16xi32>
            %add3A_468 = arith.addi %iota3A, %add3A_467 : vector<16xi32>
            tpu.vector_store_idx %arg17[%gather3A_412, %add3A_468], %mul3A_465 {add = true} : memref<320x128xf32, #tpu.memory_space<vmem>>[vector<16xi32>, vector<16xi32>], vector<16xf32>,
          }
          %scan3A_340 = arith.constant 40 : i32
        }
        %while3A_240 = arith.constant 1 : i32
        scf.for %while3A_323 = %while3A_238 to %while3A_234 step %while3A_240  : i32 {
          %mul3A_324 = arith.constant 80 : i32
          %mul3A_325 = arith.muli %while3A_323, %mul3A_324 : i32
          %multiple_of3A_326 = tpu.assume_multiple %mul3A_325, 80 : i32
          %dma_start3A_327 = tpu.memref_slice %arg13[%multiple_of3A_326] : memref<640xi32, #tpu.memory_space<vmem>> -> memref<80xi32, #tpu.memory_space<vmem>>
          %dma_start3A_328 = arith.constant 0 : i32
          %dma_start3A_329 = arith.constant 0 : i32
          %dma_start3A_330 = tpu.memref_slice %arg2[%dma_start3A_328, %dma_start3A_329] : memref<10000x128xf32, #tpu.memory_space<hbm>> -> memref<10000x128xf32, #tpu.memory_space<hbm>>
          tpu.enqueue_indirect_dma source(%dma_start3A_330 : memref<10000x128xf32, #tpu.memory_space<hbm>>) target(%arg16 : memref<80x128xf32, #tpu.memory_space<vmem>>) offsets(%dma_start3A_327 : memref<80xi32, #tpu.memory_space<vmem>>) semaphore(%arg20 : memref<!tpu.dma_semaphore, #tpu.memory_space<semaphore_mem>>)
          %dma_wait3A_331 = tpu.memref_slice %arg13[%multiple_of3A_326] : memref<640xi32, #tpu.memory_space<vmem>> -> memref<80xi32, #tpu.memory_space<vmem>>
          %dma_wait3A_332 = arith.constant 0 : i32
          %dma_wait3A_333 = arith.constant 0 : i32
          %dma_wait3A_334 = tpu.memref_slice %arg2[%dma_wait3A_332, %dma_wait3A_333] : memref<10000x128xf32, #tpu.memory_space<hbm>> -> memref<10000x128xf32, #tpu.memory_space<hbm>>
          tpu.wait_indirect_dma semaphore(%arg20 : memref<!tpu.dma_semaphore, #tpu.memory_space<semaphore_mem>>) src(%dma_wait3A_334 : memref<10000x128xf32, #tpu.memory_space<hbm>>) dst(%arg16 : memref<80x128xf32, #tpu.memory_space<vmem>>)
          %scan3A_335 = arith.constant 0 : i32
          %scan3A_336 = arith.constant 0 : i32
          %scan3A_337 = arith.constant 40 : i32
          %scan3A_338 = arith.addi %scan3A_336, %scan3A_337 : i32
          %scan3A_339 = arith.constant 1 : i32
          scf.for %scan3A_341 = %scan3A_336 to %scan3A_338 step %scan3A_339  : i32 {
            %mul3A_342 = arith.constant 2 : i32
            %mul3A_343 = arith.muli %scan3A_341, %mul3A_342 : i32
            %add3A_344 = arith.constant 0 : i32
            %add3A_345 = arith.addi %mul3A_343, %add3A_344 : i32
            %add3A_346 = arith.addi %multiple_of3A_326, %add3A_345 : i32
            %broadcast_in_dim3A_347 = vector.broadcast %add3A_346 : i32 to vector<16xi32>
            %gather3A = tpu.vector_load_idx %arg15[%broadcast_in_dim3A_347] : memref<640xf32, #tpu.memory_space<vmem>>[vector<16xi32>], vector<16xf32>,
            %gather3A_348 = tpu.vector_load_idx %arg14[%broadcast_in_dim3A_347] : memref<640xi32, #tpu.memory_space<vmem>>[vector<16xi32>], vector<16xi32>,
            %get3A_349 = arith.index_cast %add3A_345 : i32 to index
            %get3A_350 = arith.constant 0 : index
            %get3A_351 = tpu.vector_load %arg16[%get3A_349, %get3A_350] {strides = array<i32>} : memref<80x128xf32, #tpu.memory_space<vmem>>, vector<16xf32>,
            %mul3A_352 = arith.mulf %get3A_351, %gather3A : vector<16xf32>
            %add3A_353 = arith.constant 0 : i32
            %add3A_354 = vector.broadcast %add3A_353 : i32 to vector<16xi32>
            %add3A_355 = arith.addi %iota3A, %add3A_354 : vector<16xi32>
            tpu.vector_store_idx %arg17[%gather3A_348, %add3A_355], %mul3A_352 {add = true} : memref<320x128xf32, #tpu.memory_space<vmem>>[vector<16xi32>, vector<16xi32>], vector<16xf32>,
            %get3A_356 = arith.index_cast %add3A_345 : i32 to index
            %get3A_357 = arith.constant 16 : index
            %get3A_358 = tpu.vector_load %arg16[%get3A_356, %get3A_357] {strides = array<i32>} : memref<80x128xf32, #tpu.memory_space<vmem>>, vector<16xf32>,
            %mul3A_359 = arith.mulf %get3A_358, %gather3A : vector<16xf32>
            %add3A_360 = arith.constant 16 : i32
            %add3A_361 = vector.broadcast %add3A_360 : i32 to vector<16xi32>
            %add3A_362 = arith.addi %iota3A, %add3A_361 : vector<16xi32>
            tpu.vector_store_idx %arg17[%gather3A_348, %add3A_362], %mul3A_359 {add = true} : memref<320x128xf32, #tpu.memory_space<vmem>>[vector<16xi32>, vector<16xi32>], vector<16xf32>,
            %get3A_363 = arith.index_cast %add3A_345 : i32 to index
            %get3A_364 = arith.constant 32 : index
            %get3A_365 = tpu.vector_load %arg16[%get3A_363, %get3A_364] {strides = array<i32>} : memref<80x128xf32, #tpu.memory_space<vmem>>, vector<16xf32>,
            %mul3A_366 = arith.mulf %get3A_365, %gather3A : vector<16xf32>
            %add3A_367 = arith.constant 32 : i32
            %add3A_368 = vector.broadcast %add3A_367 : i32 to vector<16xi32>
            %add3A_369 = arith.addi %iota3A, %add3A_368 : vector<16xi32>
            tpu.vector_store_idx %arg17[%gather3A_348, %add3A_369], %mul3A_366 {add = true} : memref<320x128xf32, #tpu.memory_space<vmem>>[vector<16xi32>, vector<16xi32>], vector<16xf32>,
            %get3A_370 = arith.index_cast %add3A_345 : i32 to index
            %get3A_371 = arith.constant 48 : index
            %get3A_372 = tpu.vector_load %arg16[%get3A_370, %get3A_371] {strides = array<i32>} : memref<80x128xf32, #tpu.memory_space<vmem>>, vector<16xf32>,
            %mul3A_373 = arith.mulf %get3A_372, %gather3A : vector<16xf32>
            %add3A_374 = arith.constant 48 : i32
            %add3A_375 = vector.broadcast %add3A_374 : i32 to vector<16xi32>
            %add3A_376 = arith.addi %iota3A, %add3A_375 : vector<16xi32>
            tpu.vector_store_idx %arg17[%gather3A_348, %add3A_376], %mul3A_373 {add = true} : memref<320x128xf32, #tpu.memory_space<vmem>>[vector<16xi32>, vector<16xi32>], vector<16xf32>,
            %get3A_377 = arith.index_cast %add3A_345 : i32 to index
            %get3A_378 = arith.constant 64 : index
            %get3A_379 = tpu.vector_load %arg16[%get3A_377, %get3A_378] {strides = array<i32>} : memref<80x128xf32, #tpu.memory_space<vmem>>, vector<16xf32>,
            %mul3A_380 = arith.mulf %get3A_379, %gather3A : vector<16xf32>
            %add3A_381 = arith.constant 64 : i32
            %add3A_382 = vector.broadcast %add3A_381 : i32 to vector<16xi32>
            %add3A_383 = arith.addi %iota3A, %add3A_382 : vector<16xi32>
            tpu.vector_store_idx %arg17[%gather3A_348, %add3A_383], %mul3A_380 {add = true} : memref<320x128xf32, #tpu.memory_space<vmem>>[vector<16xi32>, vector<16xi32>], vector<16xf32>,
            %get3A_384 = arith.index_cast %add3A_345 : i32 to index
            %get3A_385 = arith.constant 80 : index
            %get3A_386 = tpu.vector_load %arg16[%get3A_384, %get3A_385] {strides = array<i32>} : memref<80x128xf32, #tpu.memory_space<vmem>>, vector<16xf32>,
            %mul3A_387 = arith.mulf %get3A_386, %gather3A : vector<16xf32>
            %add3A_388 = arith.constant 80 : i32
            %add3A_389 = vector.broadcast %add3A_388 : i32 to vector<16xi32>
            %add3A_390 = arith.addi %iota3A, %add3A_389 : vector<16xi32>
            tpu.vector_store_idx %arg17[%gather3A_348, %add3A_390], %mul3A_387 {add = true} : memref<320x128xf32, #tpu.memory_space<vmem>>[vector<16xi32>, vector<16xi32>], vector<16xf32>,
            %get3A_391 = arith.index_cast %add3A_345 : i32 to index
            %get3A_392 = arith.constant 96 : index
            %get3A_393 = tpu.vector_load %arg16[%get3A_391, %get3A_392] {strides = array<i32>} : memref<80x128xf32, #tpu.memory_space<vmem>>, vector<16xf32>,
            %mul3A_394 = arith.mulf %get3A_393, %gather3A : vector<16xf32>
            %add3A_395 = arith.constant 96 : i32
            %add3A_396 = vector.broadcast %add3A_395 : i32 to vector<16xi32>
            %add3A_397 = arith.addi %iota3A, %add3A_396 : vector<16xi32>
            tpu.vector_store_idx %arg17[%gather3A_348, %add3A_397], %mul3A_394 {add = true} : memref<320x128xf32, #tpu.memory_space<vmem>>[vector<16xi32>, vector<16xi32>], vector<16xf32>,
            %get3A_398 = arith.index_cast %add3A_345 : i32 to index
            %get3A_399 = arith.constant 112 : index
            %get3A_400 = tpu.vector_load %arg16[%get3A_398, %get3A_399] {strides = array<i32>} : memref<80x128xf32, #tpu.memory_space<vmem>>, vector<16xf32>,
            %mul3A_401 = arith.mulf %get3A_400, %gather3A : vector<16xf32>
            %add3A_402 = arith.constant 112 : i32
            %add3A_403 = vector.broadcast %add3A_402 : i32 to vector<16xi32>
            %add3A_404 = arith.addi %iota3A, %add3A_403 : vector<16xi32>
            tpu.vector_store_idx %arg17[%gather3A_348, %add3A_404], %mul3A_401 {add = true} : memref<320x128xf32, #tpu.memory_space<vmem>>[vector<16xi32>, vector<16xi32>], vector<16xf32>,
            %mul3A_405 = arith.constant 2 : i32
            %mul3A_406 = arith.muli %scan3A_341, %mul3A_405 : i32
            %add3A_407 = arith.constant 1 : i32
            %add3A_408 = arith.addi %mul3A_406, %add3A_407 : i32
            %add3A_409 = arith.addi %multiple_of3A_326, %add3A_408 : i32
            %broadcast_in_dim3A_410 = vector.broadcast %add3A_409 : i32 to vector<16xi32>
            %gather3A_411 = tpu.vector_load_idx %arg15[%broadcast_in_dim3A_410] : memref<640xf32, #tpu.memory_space<vmem>>[vector<16xi32>], vector<16xf32>,
            %gather3A_412 = tpu.vector_load_idx %arg14[%broadcast_in_dim3A_410] : memref<640xi32, #tpu.memory_space<vmem>>[vector<16xi32>], vector<16xi32>,
            %get3A_413 = arith.index_cast %add3A_408 : i32 to index
            %get3A_414 = arith.constant 0 : index
            %get3A_415 = tpu.vector_load %arg16[%get3A_413, %get3A_414] {strides = array<i32>} : memref<80x128xf32, #tpu.memory_space<vmem>>, vector<16xf32>,
            %mul3A_416 = arith.mulf %get3A_415, %gather3A_411 : vector<16xf32>
            %add3A_417 = arith.constant 0 : i32
            %add3A_418 = vector.broadcast %add3A_417 : i32 to vector<16xi32>
            %add3A_419 = arith.addi %iota3A, %add3A_418 : vector<16xi32>
            tpu.vector_store_idx %arg17[%gather3A_412, %add3A_419], %mul3A_416 {add = true} : memref<320x128xf32, #tpu.memory_space<vmem>>[vector<16xi32>, vector<16xi32>], vector<16xf32>,
            %get3A_420 = arith.index_cast %add3A_408 : i32 to index
            %get3A_421 = arith.constant 16 : index
            %get3A_422 = tpu.vector_load %arg16[%get3A_420, %get3A_421] {strides = array<i32>} : memref<80x128xf32, #tpu.memory_space<vmem>>, vector<16xf32>,
            %mul3A_423 = arith.mulf %get3A_422, %gather3A_411 : vector<16xf32>
            %add3A_424 = arith.constant 16 : i32
            %add3A_425 = vector.broadcast %add3A_424 : i32 to vector<16xi32>
            %add3A_426 = arith.addi %iota3A, %add3A_425 : vector<16xi32>
            tpu.vector_store_idx %arg17[%gather3A_412, %add3A_426], %mul3A_423 {add = true} : memref<320x128xf32, #tpu.memory_space<vmem>>[vector<16xi32>, vector<16xi32>], vector<16xf32>,
            %get3A_427 = arith.index_cast %add3A_408 : i32 to index
            %get3A_428 = arith.constant 32 : index
            %get3A_429 = tpu.vector_load %arg16[%get3A_427, %get3A_428] {strides = array<i32>} : memref<80x128xf32, #tpu.memory_space<vmem>>, vector<16xf32>,
            %mul3A_430 = arith.mulf %get3A_429, %gather3A_411 : vector<16xf32>
            %add3A_431 = arith.constant 32 : i32
            %add3A_432 = vector.broadcast %add3A_431 : i32 to vector<16xi32>
            %add3A_433 = arith.addi %iota3A, %add3A_432 : vector<16xi32>
            tpu.vector_store_idx %arg17[%gather3A_412, %add3A_433], %mul3A_430 {add = true} : memref<320x128xf32, #tpu.memory_space<vmem>>[vector<16xi32>, vector<16xi32>], vector<16xf32>,
            %get3A_434 = arith.index_cast %add3A_408 : i32 to index
            %get3A_435 = arith.constant 48 : index
            %get3A_436 = tpu.vector_load %arg16[%get3A_434, %get3A_435] {strides = array<i32>} : memref<80x128xf32, #tpu.memory_space<vmem>>, vector<16xf32>,
            %mul3A_437 = arith.mulf %get3A_436, %gather3A_411 : vector<16xf32>
            %add3A_438 = arith.constant 48 : i32
            %add3A_439 = vector.broadcast %add3A_438 : i32 to vector<16xi32>
            %add3A_440 = arith.addi %iota3A, %add3A_439 : vector<16xi32>
            tpu.vector_store_idx %arg17[%gather3A_412, %add3A_440], %mul3A_437 {add = true} : memref<320x128xf32, #tpu.memory_space<vmem>>[vector<16xi32>, vector<16xi32>], vector<16xf32>,
            %get3A_441 = arith.index_cast %add3A_408 : i32 to index
            %get3A_442 = arith.constant 64 : index
            %get3A_443 = tpu.vector_load %arg16[%get3A_441, %get3A_442] {strides = array<i32>} : memref<80x128xf32, #tpu.memory_space<vmem>>, vector<16xf32>,
            %mul3A_444 = arith.mulf %get3A_443, %gather3A_411 : vector<16xf32>
            %add3A_445 = arith.constant 64 : i32
            %add3A_446 = vector.broadcast %add3A_445 : i32 to vector<16xi32>
            %add3A_447 = arith.addi %iota3A, %add3A_446 : vector<16xi32>
            tpu.vector_store_idx %arg17[%gather3A_412, %add3A_447], %mul3A_444 {add = true} : memref<320x128xf32, #tpu.memory_space<vmem>>[vector<16xi32>, vector<16xi32>], vector<16xf32>,
            %get3A_448 = arith.index_cast %add3A_408 : i32 to index
            %get3A_449 = arith.constant 80 : index
            %get3A_450 = tpu.vector_load %arg16[%get3A_448, %get3A_449] {strides = array<i32>} : memref<80x128xf32, #tpu.memory_space<vmem>>, vector<16xf32>,
            %mul3A_451 = arith.mulf %get3A_450, %gather3A_411 : vector<16xf32>
            %add3A_452 = arith.constant 80 : i32
            %add3A_453 = vector.broadcast %add3A_452 : i32 to vector<16xi32>
            %add3A_454 = arith.addi %iota3A, %add3A_453 : vector<16xi32>
            tpu.vector_store_idx %arg17[%gather3A_412, %add3A_454], %mul3A_451 {add = true} : memref<320x128xf32, #tpu.memory_space<vmem>>[vector<16xi32>, vector<16xi32>], vector<16xf32>,
            %get3A_455 = arith.index_cast %add3A_408 : i32 to index
            %get3A_456 = arith.constant 96 : index
            %get3A_457 = tpu.vector_load %arg16[%get3A_455, %get3A_456] {strides = array<i32>} : memref<80x128xf32, #tpu.memory_space<vmem>>, vector<16xf32>,
            %mul3A_458 = arith.mulf %get3A_457, %gather3A_411 : vector<16xf32>
            %add3A_459 = arith.constant 96 : i32
            %add3A_460 = vector.broadcast %add3A_459 : i32 to vector<16xi32>
            %add3A_461 = arith.addi %iota3A, %add3A_460 : vector<16xi32>
            tpu.vector_store_idx %arg17[%gather3A_412, %add3A_461], %mul3A_458 {add = true} : memref<320x128xf32, #tpu.memory_space<vmem>>[vector<16xi32>, vector<16xi32>], vector<16xf32>,
            %get3A_462 = arith.index_cast %add3A_408 : i32 to index
            %get3A_463 = arith.constant 112 : index
            %get3A_464 = tpu.vector_load %arg16[%get3A_462, %get3A_463] {strides = array<i32>} : memref<80x128xf32, #tpu.memory_space<vmem>>, vector<16xf32>,
            %mul3A_465 = arith.mulf %get3A_464, %gather3A_411 : vector<16xf32>
            %add3A_466 = arith.constant 112 : i32
            %add3A_467 = vector.broadcast %add3A_466 : i32 to vector<16xi32>
            %add3A_468 = arith.addi %iota3A, %add3A_467 : vector<16xi32>
            tpu.vector_store_idx %arg17[%gather3A_412, %add3A_468], %mul3A_465 {add = true} : memref<320x128xf32, #tpu.memory_space<vmem>>[vector<16xi32>, vector<16xi32>], vector<16xf32>,
          }
          %scan3A_340 = arith.constant 40 : i32
        }
        %mul3A_241 = arith.constant 80 : i32
        %mul3A_242 = arith.muli %select_n3A_230, %mul3A_241 : i32
        %add3A_243 = arith.constant 0 : i32
        %add3A_244 = arith.addi %mul3A_242, %add3A_243 : i32
        %multiple_of3A_245 = tpu.assume_multiple %add3A_244, 16 : i32
        %get3A_246 = arith.index_cast %multiple_of3A_245 : i32 to index
        %get3A_247 = tpu.vector_load %arg13[%get3A_246] {strides = array<i32>} : memref<640xi32, #tpu.memory_space<vmem>>, vector<16xi32>,
        %swap3A_248 = arith.constant 0 : index
        %swap3A_249 = tpu.vector_load %arg13[%swap3A_248] {strides = array<i32>} : memref<640xi32, #tpu.memory_space<vmem>>, vector<16xi32>,
        tpu.vector_store %arg13[%swap3A_248], %get3A_247 {strides = array<i32>} : memref<640xi32, #tpu.memory_space<vmem>>, vector<16xi32>,
        %get3A_250 = arith.index_cast %multiple_of3A_245 : i32 to index
        %get3A_251 = tpu.vector_load %arg15[%get3A_250] {strides = array<i32>} : memref<640xf32, #tpu.memory_space<vmem>>, vector<16xf32>,
        %swap3A_252 = arith.constant 0 : index
        %swap3A_253 = tpu.vector_load %arg15[%swap3A_252] {strides = array<i32>} : memref<640xf32, #tpu.memory_space<vmem>>, vector<16xf32>,
        tpu.vector_store %arg15[%swap3A_252], %get3A_251 {strides = array<i32>} : memref<640xf32, #tpu.memory_space<vmem>>, vector<16xf32>,
        %get3A_254 = arith.index_cast %multiple_of3A_245 : i32 to index
        %get3A_255 = tpu.vector_load %arg14[%get3A_254] {strides = array<i32>} : memref<640xi32, #tpu.memory_space<vmem>>, vector<16xi32>,
        %swap3A_256 = arith.constant 0 : index
        %swap3A_257 = tpu.vector_load %arg14[%swap3A_256] {strides = array<i32>} : memref<640xi32, #tpu.memory_space<vmem>>, vector<16xi32>,
        tpu.vector_store %arg14[%swap3A_256], %get3A_255 {strides = array<i32>} : memref<640xi32, #tpu.memory_space<vmem>>, vector<16xi32>,
        %add3A_258 = arith.constant 16 : i32
        %add3A_259 = arith.addi %mul3A_242, %add3A_258 : i32
        %multiple_of3A_260 = tpu.assume_multiple %add3A_259, 16 : i32
        %get3A_261 = arith.index_cast %multiple_of3A_260 : i32 to index
        %get3A_262 = tpu.vector_load %arg13[%get3A_261] {strides = array<i32>} : memref<640xi32, #tpu.memory_space<vmem>>, vector<16xi32>,
        %swap3A_263 = arith.constant 16 : index
        %swap3A_264 = tpu.vector_load %arg13[%swap3A_263] {strides = array<i32>} : memref<640xi32, #tpu.memory_space<vmem>>, vector<16xi32>,
        tpu.vector_store %arg13[%swap3A_263], %get3A_262 {strides = array<i32>} : memref<640xi32, #tpu.memory_space<vmem>>, vector<16xi32>,
        %get3A_265 = arith.index_cast %multiple_of3A_260 : i32 to index
        %get3A_266 = tpu.vector_load %arg15[%get3A_265] {strides = array<i32>} : memref<640xf32, #tpu.memory_space<vmem>>, vector<16xf32>,
        %swap3A_267 = arith.constant 16 : index
        %swap3A_268 = tpu.vector_load %arg15[%swap3A_267] {strides = array<i32>} : memref<640xf32, #tpu.memory_space<vmem>>, vector<16xf32>,
        tpu.vector_store %arg15[%swap3A_267], %get3A_266 {strides = array<i32>} : memref<640xf32, #tpu.memory_space<vmem>>, vector<16xf32>,
        %get3A_269 = arith.index_cast %multiple_of3A_260 : i32 to index
        %get3A_270 = tpu.vector_load %arg14[%get3A_269] {strides = array<i32>} : memref<640xi32, #tpu.memory_space<vmem>>, vector<16xi32>,
        %swap3A_271 = arith.constant 16 : index
        %swap3A_272 = tpu.vector_load %arg14[%swap3A_271] {strides = array<i32>} : memref<640xi32, #tpu.memory_space<vmem>>, vector<16xi32>,
        tpu.vector_store %arg14[%swap3A_271], %get3A_270 {strides = array<i32>} : memref<640xi32, #tpu.memory_space<vmem>>, vector<16xi32>,
        %add3A_273 = arith.constant 32 : i32
        %add3A_274 = arith.addi %mul3A_242, %add3A_273 : i32
        %multiple_of3A_275 = tpu.assume_multiple %add3A_274, 16 : i32
        %get3A_276 = arith.index_cast %multiple_of3A_275 : i32 to index
        %get3A_277 = tpu.vector_load %arg13[%get3A_276] {strides = array<i32>} : memref<640xi32, #tpu.memory_space<vmem>>, vector<16xi32>,
        %swap3A_278 = arith.constant 32 : index
        %swap3A_279 = tpu.vector_load %arg13[%swap3A_278] {strides = array<i32>} : memref<640xi32, #tpu.memory_space<vmem>>, vector<16xi32>,
        tpu.vector_store %arg13[%swap3A_278], %get3A_277 {strides = array<i32>} : memref<640xi32, #tpu.memory_space<vmem>>, vector<16xi32>,
        %get3A_280 = arith.index_cast %multiple_of3A_275 : i32 to index
        %get3A_281 = tpu.vector_load %arg15[%get3A_280] {strides = array<i32>} : memref<640xf32, #tpu.memory_space<vmem>>, vector<16xf32>,
        %swap3A_282 = arith.constant 32 : index
        %swap3A_283 = tpu.vector_load %arg15[%swap3A_282] {strides = array<i32>} : memref<640xf32, #tpu.memory_space<vmem>>, vector<16xf32>,
        tpu.vector_store %arg15[%swap3A_282], %get3A_281 {strides = array<i32>} : memref<640xf32, #tpu.memory_space<vmem>>, vector<16xf32>,
        %get3A_284 = arith.index_cast %multiple_of3A_275 : i32 to index
        %get3A_285 = tpu.vector_load %arg14[%get3A_284] {strides = array<i32>} : memref<640xi32, #tpu.memory_space<vmem>>, vector<16xi32>,
        %swap3A_286 = arith.constant 32 : index
        %swap3A_287 = tpu.vector_load %arg14[%swap3A_286] {strides = array<i32>} : memref<640xi32, #tpu.memory_space<vmem>>, vector<16xi32>,
        tpu.vector_store %arg14[%swap3A_286], %get3A_285 {strides = array<i32>} : memref<640xi32, #tpu.memory_space<vmem>>, vector<16xi32>,
        %add3A_288 = arith.constant 48 : i32
        %add3A_289 = arith.addi %mul3A_242, %add3A_288 : i32
        %multiple_of3A_290 = tpu.assume_multiple %add3A_289, 16 : i32
        %get3A_291 = arith.index_cast %multiple_of3A_290 : i32 to index
        %get3A_292 = tpu.vector_load %arg13[%get3A_291] {strides = array<i32>} : memref<640xi32, #tpu.memory_space<vmem>>, vector<16xi32>,
        %swap3A_293 = arith.constant 48 : index
        %swap3A_294 = tpu.vector_load %arg13[%swap3A_293] {strides = array<i32>} : memref<640xi32, #tpu.memory_space<vmem>>, vector<16xi32>,
        tpu.vector_store %arg13[%swap3A_293], %get3A_292 {strides = array<i32>} : memref<640xi32, #tpu.memory_space<vmem>>, vector<16xi32>,
        %get3A_295 = arith.index_cast %multiple_of3A_290 : i32 to index
        %get3A_296 = tpu.vector_load %arg15[%get3A_295] {strides = array<i32>} : memref<640xf32, #tpu.memory_space<vmem>>, vector<16xf32>,
        %swap3A_297 = arith.constant 48 : index
        %swap3A_298 = tpu.vector_load %arg15[%swap3A_297] {strides = array<i32>} : memref<640xf32, #tpu.memory_space<vmem>>, vector<16xf32>,
        tpu.vector_store %arg15[%swap3A_297], %get3A_296 {strides = array<i32>} : memref<640xf32, #tpu.memory_space<vmem>>, vector<16xf32>,
        %get3A_299 = arith.index_cast %multiple_of3A_290 : i32 to index
        %get3A_300 = tpu.vector_load %arg14[%get3A_299] {strides = array<i32>} : memref<640xi32, #tpu.memory_space<vmem>>, vector<16xi32>,
        %swap3A_301 = arith.constant 48 : index
        %swap3A_302 = tpu.vector_load %arg14[%swap3A_301] {strides = array<i32>} : memref<640xi32, #tpu.memory_space<vmem>>, vector<16xi32>,
        tpu.vector_store %arg14[%swap3A_301], %get3A_300 {strides = array<i32>} : memref<640xi32, #tpu.memory_space<vmem>>, vector<16xi32>,
        %add3A_303 = arith.constant 64 : i32
        %add3A_304 = arith.addi %mul3A_242, %add3A_303 : i32
        %multiple_of3A_305 = tpu.assume_multiple %add3A_304, 16 : i32
        %get3A_306 = arith.index_cast %multiple_of3A_305 : i32 to index
        %get3A_307 = tpu.vector_load %arg13[%get3A_306] {strides = array<i32>} : memref<640xi32, #tpu.memory_space<vmem>>, vector<16xi32>,
        %swap3A_308 = arith.constant 64 : index
        %swap3A_309 = tpu.vector_load %arg13[%swap3A_308] {strides = array<i32>} : memref<640xi32, #tpu.memory_space<vmem>>, vector<16xi32>,
        tpu.vector_store %arg13[%swap3A_308], %get3A_307 {strides = array<i32>} : memref<640xi32, #tpu.memory_space<vmem>>, vector<16xi32>,
        %get3A_310 = arith.index_cast %multiple_of3A_305 : i32 to index
        %get3A_311 = tpu.vector_load %arg15[%get3A_310] {strides = array<i32>} : memref<640xf32, #tpu.memory_space<vmem>>, vector<16xf32>,
        %swap3A_312 = arith.constant 64 : index
        %swap3A_313 = tpu.vector_load %arg15[%swap3A_312] {strides = array<i32>} : memref<640xf32, #tpu.memory_space<vmem>>, vector<16xf32>,
        tpu.vector_store %arg15[%swap3A_312], %get3A_311 {strides = array<i32>} : memref<640xf32, #tpu.memory_space<vmem>>, vector<16xf32>,
        %get3A_314 = arith.index_cast %multiple_of3A_305 : i32 to index
        %get3A_315 = tpu.vector_load %arg14[%get3A_314] {strides = array<i32>} : memref<640xi32, #tpu.memory_space<vmem>>, vector<16xi32>,
        %swap3A_316 = arith.constant 64 : index
        %swap3A_317 = tpu.vector_load %arg14[%swap3A_316] {strides = array<i32>} : memref<640xi32, #tpu.memory_space<vmem>>, vector<16xi32>,
        tpu.vector_store %arg14[%swap3A_316], %get3A_315 {strides = array<i32>} : memref<640xi32, #tpu.memory_space<vmem>>, vector<16xi32>,
        %sub3A_318 = arith.subi %reduce_max3A_206, %mul3A_242 : i32
        %broadcast_in_dim3A_319 = arith.constant 1 : i32
        %broadcast_in_dim3A_320 = vector.broadcast %broadcast_in_dim3A_319 : i32 to vector<16xi32>
        %mul3A_321 = vector.broadcast %sub3A_318 : i32 to vector<16xi32>
        %mul3A_322 = arith.muli %broadcast_in_dim3A_320, %mul3A_321 : vector<16xi32>
        scf.yield %mul3A_322 : vector<16xi32>
      }
      %scan3A_190 = arith.constant 25 : i32
      scf.yield %scan3A_189 : vector<16xi32>
    }
    %scan3A_26 = arith.constant 16 : i32
    %scan3A_27 = arith.constant 0 : i32
    %scan3A_28 = arith.constant 5 : i32
    %scan3A_29 = arith.addi %scan3A_27, %scan3A_28 : i32
    %scan3A_30 = arith.constant 1 : i32
    %scan3A_31 = scf.for %scan3A_146 = %scan3A_27 to %scan3A_29 step %scan3A_30 iter_args(%scan3A_147 = %scan3A_25) -> (vector<16xi32>)  : i32 {
      %mul3A_148 = arith.constant 16 : i32
      %mul3A_149 = arith.muli %scan3A_146, %mul3A_148 : i32
      %swap3A_150 = arith.index_cast %mul3A_149 : i32 to index
      %swap3A_151 = tpu.vector_load %arg7[%swap3A_150] {strides = array<i32>} : memref<10000xi32, #tpu.memory_space<vmem>>, vector<16xi32>,
      tpu.vector_store %arg7[%swap3A_150], %broadcast_in_dim3A_4 {strides = array<i32>} : memref<10000xi32, #tpu.memory_space<vmem>>, vector<16xi32>,
      %mul3A_152 = arith.constant 320 : i32
      %mul3A_153 = vector.broadcast %mul3A_152 : i32 to vector<16xi32>
      %mul3A_154 = arith.muli %broadcast_in_dim3A, %mul3A_153 : vector<16xi32>
      %mul3A_155 = arith.constant 16 : i32
      %mul3A_156 = arith.muli %scan3A_146, %mul3A_155 : i32
      %swap3A_157 = arith.index_cast %mul3A_156 : i32 to index
      %swap3A_158 = tpu.vector_load %arg8[%swap3A_157] {strides = array<i32>} : memref<10000xi32, #tpu.memory_space<vmem>>, vector<16xi32>,
      tpu.vector_store %arg8[%swap3A_157], %mul3A_154 {strides = array<i32>} : memref<10000xi32, #tpu.memory_space<vmem>>, vector<16xi32>,
      %mul3A_159 = arith.constant 16 : i32
      %mul3A_160 = arith.muli %scan3A_146, %mul3A_159 : i32
      %swap3A_161 = arith.index_cast %mul3A_160 : i32 to index
      %swap3A_162 = tpu.vector_load %arg9[%swap3A_161] {strides = array<i32>} : memref<10000xf32, #tpu.memory_space<vmem>>, vector<16xf32>,
      tpu.vector_store %arg9[%swap3A_161], %broadcast_in_dim3A_2 {strides = array<i32>} : memref<10000xf32, #tpu.memory_space<vmem>>, vector<16xf32>,
      %mul3A_163 = arith.constant 16 : i32
      %mul3A_164 = arith.muli %scan3A_146, %mul3A_163 : i32
      %get3A_165 = arith.index_cast %mul3A_164 : i32 to index
      %get3A_166 = tpu.vector_load %arg8[%get3A_165] {strides = array<i32>} : memref<10000xi32, #tpu.memory_space<vmem>>, vector<16xi32>,
      %get3A_167 = arith.index_cast %mul3A_164 : i32 to index
      %get3A_168 = tpu.vector_load %arg7[%get3A_167] {strides = array<i32>} : memref<10000xi32, #tpu.memory_space<vmem>>, vector<16xi32>,
      %get3A_169 = arith.index_cast %mul3A_164 : i32 to index
      %get3A_170 = tpu.vector_load %arg9[%get3A_169] {strides = array<i32>} : memref<10000xf32, #tpu.memory_space<vmem>>, vector<16xf32>,
      %shift_right_logical3A = arith.constant 6 : i32
      %shift_right_logical3A_171 = vector.broadcast %shift_right_logical3A : i32 to vector<16xi32>
      %shift_right_logical3A_172 = arith.shrui %get3A_166, %shift_right_logical3A_171 : vector<16xi32>
      %mul3A_173 = arith.constant 52429 : i32
      %mul3A_174 = vector.broadcast %mul3A_173 : i32 to vector<16xi32>
      %mul3A_175 = arith.muli %shift_right_logical3A_172, %mul3A_174 : vector<16xi32>
      %shift_right_logical3A_176 = arith.constant 18 : i32
      %shift_right_logical3A_177 = vector.broadcast %shift_right_logical3A_176 : i32 to vector<16xi32>
      %shift_right_logical3A_178 = arith.shrui %mul3A_175, %shift_right_logical3A_177 : vector<16xi32>
      %broadcast_in_dim3A_179 = arith.constant true
      %broadcast_in_dim3A_180 = vector.broadcast %broadcast_in_dim3A_179 : i1 to vector<16xi1>
      %broadcast_in_dim3A_181 = arith.constant 16 : i32
      %broadcast_in_dim3A_182 = vector.broadcast %broadcast_in_dim3A_181 : i32 to vector<16xi32>
      %mul3A_183 = arith.constant 320 : i32
      %mul3A_184 = vector.broadcast %mul3A_183 : i32 to vector<16xi32>
      %mul3A_185 = arith.muli %shift_right_logical3A_178, %mul3A_184 : vector<16xi32>
      %sub3A_186 = arith.subi %get3A_166, %mul3A_185 : vector<16xi32>
      %add3A_187 = arith.addi %scan3A_147, %iota3A : vector<16xi32>
      tpu.vector_store_idx %arg13[%add3A_187], %get3A_168 masked %broadcast_in_dim3A_180 : memref<640xi32, #tpu.memory_space<vmem>>[vector<16xi32>], vector<16xi32>, vector<16xi1>
      tpu.vector_store_idx %arg15[%add3A_187], %get3A_170 masked %broadcast_in_dim3A_180 : memref<640xf32, #tpu.memory_space<vmem>>[vector<16xi32>], vector<16xf32>, vector<16xi1>
      tpu.vector_store_idx %arg14[%add3A_187], %sub3A_186 masked %broadcast_in_dim3A_180 : memref<640xi32, #tpu.memory_space<vmem>>[vector<16xi32>], vector<16xi32>, vector<16xi1>
      %add3A_188 = arith.addi %scan3A_147, %broadcast_in_dim3A_182 : vector<16xi32>
      scf.yield %add3A_188 : vector<16xi32>
    }
    %scan3A_32 = arith.constant 5 : i32
    %reduce_max3A = arith.constant true
    %reduce_max3A_33 = vector.broadcast %reduce_max3A : i1 to vector<16xi1>
    %reduce_max3A_34 = arith.constant -2147483648 : i32
    %reduce_max3A_35 = vector.broadcast %reduce_max3A_34 : i32 to vector<16xi32>
    %reduce_max3A_36 = arith.xori %scan3A_31, %reduce_max3A_35 : vector<16xi32>
    %reduce_max3A_37 = tpu.scan <max>, %reduce_max3A_36 masked %reduce_max3A_33 : vector<16xi32>, vector<16xi1> -> vector<16xi32>
    %reduce_max3A_38 = arith.xori %reduce_max3A_37, %reduce_max3A_35 : vector<16xi32>
    %reduce_max3A_39 = vector.extract %reduce_max3A_38[15] : i32 from vector<16xi32>
    %jit3A = arith.constant 80 : i32
    %div3A = arith.divsi %reduce_max3A_39, %jit3A : i32
    %sign3A = arith.constant 0 : i32
    %sign3A_40 = arith.cmpi sgt, %reduce_max3A_39, %sign3A : i32
    %sign3A_41 = arith.extui %sign3A_40 : i1 to i32
    %sign3A_42 = arith.constant 0 : i32
    %sign3A_43 = arith.cmpi slt, %reduce_max3A_39, %sign3A_42 : i32
    %sign3A_44 = arith.extui %sign3A_43 : i1 to i32
    %sign3A_45 = arith.subi %sign3A_41, %sign3A_44 : i32
    %sign3A_46 = arith.constant 0 : i32
    %sign3A_47 = arith.cmpi sgt, %jit3A, %sign3A_46 : i32
    %sign3A_48 = arith.extui %sign3A_47 : i1 to i32
    %sign3A_49 = arith.constant 0 : i32
    %sign3A_50 = arith.cmpi slt, %jit3A, %sign3A_49 : i32
    %sign3A_51 = arith.extui %sign3A_50 : i1 to i32
    %sign3A_52 = arith.subi %sign3A_48, %sign3A_51 : i32
    %ne3A = arith.cmpi ne, %sign3A_45, %sign3A_52 : i32
    %rem3A = arith.remsi %reduce_max3A_39, %jit3A : i32
    %ne3A_53 = arith.constant 0 : i32
    %ne3A_54 = arith.cmpi ne, %rem3A, %ne3A_53 : i32
    %and3A = arith.andi %ne3A, %ne3A_54 : i1
    %sub3A = arith.constant 1 : i32
    %sub3A_55 = arith.subi %div3A, %sub3A : i32
    %select_n3A = arith.select %and3A, %sub3A_55, %div3A : i32
    %while3A = arith.constant 0 : i32
    %while3A_56 = arith.constant 0 : i32
    %while3A_57 = arith.subi %select_n3A, %while3A_56 : i32
    %while3A_58 = arith.addi %while3A_56, %while3A_57 : i32
    %while3A_59 = arith.constant 1 : i32
    %while3A_60 = arith.divsi %while3A_57, %while3A_59 : i32
    %while3A_61 = arith.muli %while3A_60, %while3A_59 : i32
    %while3A_62 = arith.addi %while3A_56, %while3A_61 : i32
    %while3A_63 = arith.constant 1 : i32
    scf.for %while3A_146 = %while3A_56 to %while3A_62 step %while3A_63  : i32 {
      %mul3A_147 = arith.constant 80 : i32
      %mul3A_148 = arith.muli %while3A_146, %mul3A_147 : i32
      %multiple_of3A_149 = tpu.assume_multiple %mul3A_148, 80 : i32
      %dma_start3A_150 = tpu.memref_slice %arg13[%multiple_of3A_149] : memref<640xi32, #tpu.memory_space<vmem>> -> memref<80xi32, #tpu.memory_space<vmem>>
      %dma_start3A_151 = arith.constant 0 : i32
      %dma_start3A_152 = arith.constant 0 : i32
      %dma_start3A_153 = tpu.memref_slice %arg2[%dma_start3A_151, %dma_start3A_152] : memref<10000x128xf32, #tpu.memory_space<hbm>> -> memref<10000x128xf32, #tpu.memory_space<hbm>>
      tpu.enqueue_indirect_dma source(%dma_start3A_153 : memref<10000x128xf32, #tpu.memory_space<hbm>>) target(%arg16 : memref<80x128xf32, #tpu.memory_space<vmem>>) offsets(%dma_start3A_150 : memref<80xi32, #tpu.memory_space<vmem>>) semaphore(%arg20 : memref<!tpu.dma_semaphore, #tpu.memory_space<semaphore_mem>>)
      %dma_wait3A = tpu.memref_slice %arg13[%multiple_of3A_149] : memref<640xi32, #tpu.memory_space<vmem>> -> memref<80xi32, #tpu.memory_space<vmem>>
      %dma_wait3A_154 = arith.constant 0 : i32
      %dma_wait3A_155 = arith.constant 0 : i32
      %dma_wait3A_156 = tpu.memref_slice %arg2[%dma_wait3A_154, %dma_wait3A_155] : memref<10000x128xf32, #tpu.memory_space<hbm>> -> memref<10000x128xf32, #tpu.memory_space<hbm>>
      tpu.wait_indirect_dma semaphore(%arg20 : memref<!tpu.dma_semaphore, #tpu.memory_space<semaphore_mem>>) src(%dma_wait3A_156 : memref<10000x128xf32, #tpu.memory_space<hbm>>) dst(%arg16 : memref<80x128xf32, #tpu.memory_space<vmem>>)
      %scan3A_157 = arith.constant 0 : i32
      %scan3A_158 = arith.constant 0 : i32
      %scan3A_159 = arith.constant 40 : i32
      %scan3A_160 = arith.addi %scan3A_158, %scan3A_159 : i32
      %scan3A_161 = arith.constant 1 : i32
      scf.for %scan3A_163 = %scan3A_158 to %scan3A_160 step %scan3A_161  : i32 {
        %mul3A_164 = arith.constant 2 : i32
        %mul3A_165 = arith.muli %scan3A_163, %mul3A_164 : i32
        %add3A_166 = arith.constant 0 : i32
        %add3A_167 = arith.addi %mul3A_165, %add3A_166 : i32
        %add3A_168 = arith.addi %multiple_of3A_149, %add3A_167 : i32
        %broadcast_in_dim3A_169 = vector.broadcast %add3A_168 : i32 to vector<16xi32>
        %gather3A = tpu.vector_load_idx %arg15[%broadcast_in_dim3A_169] : memref<640xf32, #tpu.memory_space<vmem>>[vector<16xi32>], vector<16xf32>,
        %gather3A_170 = tpu.vector_load_idx %arg14[%broadcast_in_dim3A_169] : memref<640xi32, #tpu.memory_space<vmem>>[vector<16xi32>], vector<16xi32>,
        %get3A_171 = arith.index_cast %add3A_167 : i32 to index
        %get3A_172 = arith.constant 0 : index
        %get3A_173 = tpu.vector_load %arg16[%get3A_171, %get3A_172] {strides = array<i32>} : memref<80x128xf32, #tpu.memory_space<vmem>>, vector<16xf32>,
        %mul3A_174 = arith.mulf %get3A_173, %gather3A : vector<16xf32>
        %add3A_175 = arith.constant 0 : i32
        %add3A_176 = vector.broadcast %add3A_175 : i32 to vector<16xi32>
        %add3A_177 = arith.addi %iota3A, %add3A_176 : vector<16xi32>
        tpu.vector_store_idx %arg17[%gather3A_170, %add3A_177], %mul3A_174 {add = true} : memref<320x128xf32, #tpu.memory_space<vmem>>[vector<16xi32>, vector<16xi32>], vector<16xf32>,
        %get3A_178 = arith.index_cast %add3A_167 : i32 to index
        %get3A_179 = arith.constant 16 : index
        %get3A_180 = tpu.vector_load %arg16[%get3A_178, %get3A_179] {strides = array<i32>} : memref<80x128xf32, #tpu.memory_space<vmem>>, vector<16xf32>,
        %mul3A_181 = arith.mulf %get3A_180, %gather3A : vector<16xf32>
        %add3A_182 = arith.constant 16 : i32
        %add3A_183 = vector.broadcast %add3A_182 : i32 to vector<16xi32>
        %add3A_184 = arith.addi %iota3A, %add3A_183 : vector<16xi32>
        tpu.vector_store_idx %arg17[%gather3A_170, %add3A_184], %mul3A_181 {add = true} : memref<320x128xf32, #tpu.memory_space<vmem>>[vector<16xi32>, vector<16xi32>], vector<16xf32>,
        %get3A_185 = arith.index_cast %add3A_167 : i32 to index
        %get3A_186 = arith.constant 32 : index
        %get3A_187 = tpu.vector_load %arg16[%get3A_185, %get3A_186] {strides = array<i32>} : memref<80x128xf32, #tpu.memory_space<vmem>>, vector<16xf32>,
        %mul3A_188 = arith.mulf %get3A_187, %gather3A : vector<16xf32>
        %add3A_189 = arith.constant 32 : i32
        %add3A_190 = vector.broadcast %add3A_189 : i32 to vector<16xi32>
        %add3A_191 = arith.addi %iota3A, %add3A_190 : vector<16xi32>
        tpu.vector_store_idx %arg17[%gather3A_170, %add3A_191], %mul3A_188 {add = true} : memref<320x128xf32, #tpu.memory_space<vmem>>[vector<16xi32>, vector<16xi32>], vector<16xf32>,
        %get3A_192 = arith.index_cast %add3A_167 : i32 to index
        %get3A_193 = arith.constant 48 : index
        %get3A_194 = tpu.vector_load %arg16[%get3A_192, %get3A_193] {strides = array<i32>} : memref<80x128xf32, #tpu.memory_space<vmem>>, vector<16xf32>,
        %mul3A_195 = arith.mulf %get3A_194, %gather3A : vector<16xf32>
        %add3A_196 = arith.constant 48 : i32
        %add3A_197 = vector.broadcast %add3A_196 : i32 to vector<16xi32>
        %add3A_198 = arith.addi %iota3A, %add3A_197 : vector<16xi32>
        tpu.vector_store_idx %arg17[%gather3A_170, %add3A_198], %mul3A_195 {add = true} : memref<320x128xf32, #tpu.memory_space<vmem>>[vector<16xi32>, vector<16xi32>], vector<16xf32>,
        %get3A_199 = arith.index_cast %add3A_167 : i32 to index
        %get3A_200 = arith.constant 64 : index
        %get3A_201 = tpu.vector_load %arg16[%get3A_199, %get3A_200] {strides = array<i32>} : memref<80x128xf32, #tpu.memory_space<vmem>>, vector<16xf32>,
        %mul3A_202 = arith.mulf %get3A_201, %gather3A : vector<16xf32>
        %add3A_203 = arith.constant 64 : i32
        %add3A_204 = vector.broadcast %add3A_203 : i32 to vector<16xi32>
        %add3A_205 = arith.addi %iota3A, %add3A_204 : vector<16xi32>
        tpu.vector_store_idx %arg17[%gather3A_170, %add3A_205], %mul3A_202 {add = true} : memref<320x128xf32, #tpu.memory_space<vmem>>[vector<16xi32>, vector<16xi32>], vector<16xf32>,
        %get3A_206 = arith.index_cast %add3A_167 : i32 to index
        %get3A_207 = arith.constant 80 : index
        %get3A_208 = tpu.vector_load %arg16[%get3A_206, %get3A_207] {strides = array<i32>} : memref<80x128xf32, #tpu.memory_space<vmem>>, vector<16xf32>,
        %mul3A_209 = arith.mulf %get3A_208, %gather3A : vector<16xf32>
        %add3A_210 = arith.constant 80 : i32
        %add3A_211 = vector.broadcast %add3A_210 : i32 to vector<16xi32>
        %add3A_212 = arith.addi %iota3A, %add3A_211 : vector<16xi32>
        tpu.vector_store_idx %arg17[%gather3A_170, %add3A_212], %mul3A_209 {add = true} : memref<320x128xf32, #tpu.memory_space<vmem>>[vector<16xi32>, vector<16xi32>], vector<16xf32>,
        %get3A_213 = arith.index_cast %add3A_167 : i32 to index
        %get3A_214 = arith.constant 96 : index
        %get3A_215 = tpu.vector_load %arg16[%get3A_213, %get3A_214] {strides = array<i32>} : memref<80x128xf32, #tpu.memory_space<vmem>>, vector<16xf32>,
        %mul3A_216 = arith.mulf %get3A_215, %gather3A : vector<16xf32>
        %add3A_217 = arith.constant 96 : i32
        %add3A_218 = vector.broadcast %add3A_217 : i32 to vector<16xi32>
        %add3A_219 = arith.addi %iota3A, %add3A_218 : vector<16xi32>
        tpu.vector_store_idx %arg17[%gather3A_170, %add3A_219], %mul3A_216 {add = true} : memref<320x128xf32, #tpu.memory_space<vmem>>[vector<16xi32>, vector<16xi32>], vector<16xf32>,
        %get3A_220 = arith.index_cast %add3A_167 : i32 to index
        %get3A_221 = arith.constant 112 : index
        %get3A_222 = tpu.vector_load %arg16[%get3A_220, %get3A_221] {strides = array<i32>} : memref<80x128xf32, #tpu.memory_space<vmem>>, vector<16xf32>,
        %mul3A_223 = arith.mulf %get3A_222, %gather3A : vector<16xf32>
        %add3A_224 = arith.constant 112 : i32
        %add3A_225 = vector.broadcast %add3A_224 : i32 to vector<16xi32>
        %add3A_226 = arith.addi %iota3A, %add3A_225 : vector<16xi32>
        tpu.vector_store_idx %arg17[%gather3A_170, %add3A_226], %mul3A_223 {add = true} : memref<320x128xf32, #tpu.memory_space<vmem>>[vector<16xi32>, vector<16xi32>], vector<16xf32>,
        %mul3A_227 = arith.constant 2 : i32
        %mul3A_228 = arith.muli %scan3A_163, %mul3A_227 : i32
        %add3A_229 = arith.constant 1 : i32
        %add3A_230 = arith.addi %mul3A_228, %add3A_229 : i32
        %add3A_231 = arith.addi %multiple_of3A_149, %add3A_230 : i32
        %broadcast_in_dim3A_232 = vector.broadcast %add3A_231 : i32 to vector<16xi32>
        %gather3A_233 = tpu.vector_load_idx %arg15[%broadcast_in_dim3A_232] : memref<640xf32, #tpu.memory_space<vmem>>[vector<16xi32>], vector<16xf32>,
        %gather3A_234 = tpu.vector_load_idx %arg14[%broadcast_in_dim3A_232] : memref<640xi32, #tpu.memory_space<vmem>>[vector<16xi32>], vector<16xi32>,
        %get3A_235 = arith.index_cast %add3A_230 : i32 to index
        %get3A_236 = arith.constant 0 : index
        %get3A_237 = tpu.vector_load %arg16[%get3A_235, %get3A_236] {strides = array<i32>} : memref<80x128xf32, #tpu.memory_space<vmem>>, vector<16xf32>,
        %mul3A_238 = arith.mulf %get3A_237, %gather3A_233 : vector<16xf32>
        %add3A_239 = arith.constant 0 : i32
        %add3A_240 = vector.broadcast %add3A_239 : i32 to vector<16xi32>
        %add3A_241 = arith.addi %iota3A, %add3A_240 : vector<16xi32>
        tpu.vector_store_idx %arg17[%gather3A_234, %add3A_241], %mul3A_238 {add = true} : memref<320x128xf32, #tpu.memory_space<vmem>>[vector<16xi32>, vector<16xi32>], vector<16xf32>,
        %get3A_242 = arith.index_cast %add3A_230 : i32 to index
        %get3A_243 = arith.constant 16 : index
        %get3A_244 = tpu.vector_load %arg16[%get3A_242, %get3A_243] {strides = array<i32>} : memref<80x128xf32, #tpu.memory_space<vmem>>, vector<16xf32>,
        %mul3A_245 = arith.mulf %get3A_244, %gather3A_233 : vector<16xf32>
        %add3A_246 = arith.constant 16 : i32
        %add3A_247 = vector.broadcast %add3A_246 : i32 to vector<16xi32>
        %add3A_248 = arith.addi %iota3A, %add3A_247 : vector<16xi32>
        tpu.vector_store_idx %arg17[%gather3A_234, %add3A_248], %mul3A_245 {add = true} : memref<320x128xf32, #tpu.memory_space<vmem>>[vector<16xi32>, vector<16xi32>], vector<16xf32>,
        %get3A_249 = arith.index_cast %add3A_230 : i32 to index
        %get3A_250 = arith.constant 32 : index
        %get3A_251 = tpu.vector_load %arg16[%get3A_249, %get3A_250] {strides = array<i32>} : memref<80x128xf32, #tpu.memory_space<vmem>>, vector<16xf32>,
        %mul3A_252 = arith.mulf %get3A_251, %gather3A_233 : vector<16xf32>
        %add3A_253 = arith.constant 32 : i32
        %add3A_254 = vector.broadcast %add3A_253 : i32 to vector<16xi32>
        %add3A_255 = arith.addi %iota3A, %add3A_254 : vector<16xi32>
        tpu.vector_store_idx %arg17[%gather3A_234, %add3A_255], %mul3A_252 {add = true} : memref<320x128xf32, #tpu.memory_space<vmem>>[vector<16xi32>, vector<16xi32>], vector<16xf32>,
        %get3A_256 = arith.index_cast %add3A_230 : i32 to index
        %get3A_257 = arith.constant 48 : index
        %get3A_258 = tpu.vector_load %arg16[%get3A_256, %get3A_257] {strides = array<i32>} : memref<80x128xf32, #tpu.memory_space<vmem>>, vector<16xf32>,
        %mul3A_259 = arith.mulf %get3A_258, %gather3A_233 : vector<16xf32>
        %add3A_260 = arith.constant 48 : i32
        %add3A_261 = vector.broadcast %add3A_260 : i32 to vector<16xi32>
        %add3A_262 = arith.addi %iota3A, %add3A_261 : vector<16xi32>
        tpu.vector_store_idx %arg17[%gather3A_234, %add3A_262], %mul3A_259 {add = true} : memref<320x128xf32, #tpu.memory_space<vmem>>[vector<16xi32>, vector<16xi32>], vector<16xf32>,
        %get3A_263 = arith.index_cast %add3A_230 : i32 to index
        %get3A_264 = arith.constant 64 : index
        %get3A_265 = tpu.vector_load %arg16[%get3A_263, %get3A_264] {strides = array<i32>} : memref<80x128xf32, #tpu.memory_space<vmem>>, vector<16xf32>,
        %mul3A_266 = arith.mulf %get3A_265, %gather3A_233 : vector<16xf32>
        %add3A_267 = arith.constant 64 : i32
        %add3A_268 = vector.broadcast %add3A_267 : i32 to vector<16xi32>
        %add3A_269 = arith.addi %iota3A, %add3A_268 : vector<16xi32>
        tpu.vector_store_idx %arg17[%gather3A_234, %add3A_269], %mul3A_266 {add = true} : memref<320x128xf32, #tpu.memory_space<vmem>>[vector<16xi32>, vector<16xi32>], vector<16xf32>,
        %get3A_270 = arith.index_cast %add3A_230 : i32 to index
        %get3A_271 = arith.constant 80 : index
        %get3A_272 = tpu.vector_load %arg16[%get3A_270, %get3A_271] {strides = array<i32>} : memref<80x128xf32, #tpu.memory_space<vmem>>, vector<16xf32>,
        %mul3A_273 = arith.mulf %get3A_272, %gather3A_233 : vector<16xf32>
        %add3A_274 = arith.constant 80 : i32
        %add3A_275 = vector.broadcast %add3A_274 : i32 to vector<16xi32>
        %add3A_276 = arith.addi %iota3A, %add3A_275 : vector<16xi32>
        tpu.vector_store_idx %arg17[%gather3A_234, %add3A_276], %mul3A_273 {add = true} : memref<320x128xf32, #tpu.memory_space<vmem>>[vector<16xi32>, vector<16xi32>], vector<16xf32>,
        %get3A_277 = arith.index_cast %add3A_230 : i32 to index
        %get3A_278 = arith.constant 96 : index
        %get3A_279 = tpu.vector_load %arg16[%get3A_277, %get3A_278] {strides = array<i32>} : memref<80x128xf32, #tpu.memory_space<vmem>>, vector<16xf32>,
        %mul3A_280 = arith.mulf %get3A_279, %gather3A_233 : vector<16xf32>
        %add3A_281 = arith.constant 96 : i32
        %add3A_282 = vector.broadcast %add3A_281 : i32 to vector<16xi32>
        %add3A_283 = arith.addi %iota3A, %add3A_282 : vector<16xi32>
        tpu.vector_store_idx %arg17[%gather3A_234, %add3A_283], %mul3A_280 {add = true} : memref<320x128xf32, #tpu.memory_space<vmem>>[vector<16xi32>, vector<16xi32>], vector<16xf32>,
        %get3A_284 = arith.index_cast %add3A_230 : i32 to index
        %get3A_285 = arith.constant 112 : index
        %get3A_286 = tpu.vector_load %arg16[%get3A_284, %get3A_285] {strides = array<i32>} : memref<80x128xf32, #tpu.memory_space<vmem>>, vector<16xf32>,
        %mul3A_287 = arith.mulf %get3A_286, %gather3A_233 : vector<16xf32>
        %add3A_288 = arith.constant 112 : i32
        %add3A_289 = vector.broadcast %add3A_288 : i32 to vector<16xi32>
        %add3A_290 = arith.addi %iota3A, %add3A_289 : vector<16xi32>
        tpu.vector_store_idx %arg17[%gather3A_234, %add3A_290], %mul3A_287 {add = true} : memref<320x128xf32, #tpu.memory_space<vmem>>[vector<16xi32>, vector<16xi32>], vector<16xf32>,
      }
      %scan3A_162 = arith.constant 40 : i32
    }
    %while3A_64 = arith.constant 1 : i32
    scf.for %while3A_146 = %while3A_62 to %while3A_58 step %while3A_64  : i32 {
      %mul3A_147 = arith.constant 80 : i32
      %mul3A_148 = arith.muli %while3A_146, %mul3A_147 : i32
      %multiple_of3A_149 = tpu.assume_multiple %mul3A_148, 80 : i32
      %dma_start3A_150 = tpu.memref_slice %arg13[%multiple_of3A_149] : memref<640xi32, #tpu.memory_space<vmem>> -> memref<80xi32, #tpu.memory_space<vmem>>
      %dma_start3A_151 = arith.constant 0 : i32
      %dma_start3A_152 = arith.constant 0 : i32
      %dma_start3A_153 = tpu.memref_slice %arg2[%dma_start3A_151, %dma_start3A_152] : memref<10000x128xf32, #tpu.memory_space<hbm>> -> memref<10000x128xf32, #tpu.memory_space<hbm>>
      tpu.enqueue_indirect_dma source(%dma_start3A_153 : memref<10000x128xf32, #tpu.memory_space<hbm>>) target(%arg16 : memref<80x128xf32, #tpu.memory_space<vmem>>) offsets(%dma_start3A_150 : memref<80xi32, #tpu.memory_space<vmem>>) semaphore(%arg20 : memref<!tpu.dma_semaphore, #tpu.memory_space<semaphore_mem>>)
      %dma_wait3A = tpu.memref_slice %arg13[%multiple_of3A_149] : memref<640xi32, #tpu.memory_space<vmem>> -> memref<80xi32, #tpu.memory_space<vmem>>
      %dma_wait3A_154 = arith.constant 0 : i32
      %dma_wait3A_155 = arith.constant 0 : i32
      %dma_wait3A_156 = tpu.memref_slice %arg2[%dma_wait3A_154, %dma_wait3A_155] : memref<10000x128xf32, #tpu.memory_space<hbm>> -> memref<10000x128xf32, #tpu.memory_space<hbm>>
      tpu.wait_indirect_dma semaphore(%arg20 : memref<!tpu.dma_semaphore, #tpu.memory_space<semaphore_mem>>) src(%dma_wait3A_156 : memref<10000x128xf32, #tpu.memory_space<hbm>>) dst(%arg16 : memref<80x128xf32, #tpu.memory_space<vmem>>)
      %scan3A_157 = arith.constant 0 : i32
      %scan3A_158 = arith.constant 0 : i32
      %scan3A_159 = arith.constant 40 : i32
      %scan3A_160 = arith.addi %scan3A_158, %scan3A_159 : i32
      %scan3A_161 = arith.constant 1 : i32
      scf.for %scan3A_163 = %scan3A_158 to %scan3A_160 step %scan3A_161  : i32 {
        %mul3A_164 = arith.constant 2 : i32
        %mul3A_165 = arith.muli %scan3A_163, %mul3A_164 : i32
        %add3A_166 = arith.constant 0 : i32
        %add3A_167 = arith.addi %mul3A_165, %add3A_166 : i32
        %add3A_168 = arith.addi %multiple_of3A_149, %add3A_167 : i32
        %broadcast_in_dim3A_169 = vector.broadcast %add3A_168 : i32 to vector<16xi32>
        %gather3A = tpu.vector_load_idx %arg15[%broadcast_in_dim3A_169] : memref<640xf32, #tpu.memory_space<vmem>>[vector<16xi32>], vector<16xf32>,
        %gather3A_170 = tpu.vector_load_idx %arg14[%broadcast_in_dim3A_169] : memref<640xi32, #tpu.memory_space<vmem>>[vector<16xi32>], vector<16xi32>,
        %get3A_171 = arith.index_cast %add3A_167 : i32 to index
        %get3A_172 = arith.constant 0 : index
        %get3A_173 = tpu.vector_load %arg16[%get3A_171, %get3A_172] {strides = array<i32>} : memref<80x128xf32, #tpu.memory_space<vmem>>, vector<16xf32>,
        %mul3A_174 = arith.mulf %get3A_173, %gather3A : vector<16xf32>
        %add3A_175 = arith.constant 0 : i32
        %add3A_176 = vector.broadcast %add3A_175 : i32 to vector<16xi32>
        %add3A_177 = arith.addi %iota3A, %add3A_176 : vector<16xi32>
        tpu.vector_store_idx %arg17[%gather3A_170, %add3A_177], %mul3A_174 {add = true} : memref<320x128xf32, #tpu.memory_space<vmem>>[vector<16xi32>, vector<16xi32>], vector<16xf32>,
        %get3A_178 = arith.index_cast %add3A_167 : i32 to index
        %get3A_179 = arith.constant 16 : index
        %get3A_180 = tpu.vector_load %arg16[%get3A_178, %get3A_179] {strides = array<i32>} : memref<80x128xf32, #tpu.memory_space<vmem>>, vector<16xf32>,
        %mul3A_181 = arith.mulf %get3A_180, %gather3A : vector<16xf32>
        %add3A_182 = arith.constant 16 : i32
        %add3A_183 = vector.broadcast %add3A_182 : i32 to vector<16xi32>
        %add3A_184 = arith.addi %iota3A, %add3A_183 : vector<16xi32>
        tpu.vector_store_idx %arg17[%gather3A_170, %add3A_184], %mul3A_181 {add = true} : memref<320x128xf32, #tpu.memory_space<vmem>>[vector<16xi32>, vector<16xi32>], vector<16xf32>,
        %get3A_185 = arith.index_cast %add3A_167 : i32 to index
        %get3A_186 = arith.constant 32 : index
        %get3A_187 = tpu.vector_load %arg16[%get3A_185, %get3A_186] {strides = array<i32>} : memref<80x128xf32, #tpu.memory_space<vmem>>, vector<16xf32>,
        %mul3A_188 = arith.mulf %get3A_187, %gather3A : vector<16xf32>
        %add3A_189 = arith.constant 32 : i32
        %add3A_190 = vector.broadcast %add3A_189 : i32 to vector<16xi32>
        %add3A_191 = arith.addi %iota3A, %add3A_190 : vector<16xi32>
        tpu.vector_store_idx %arg17[%gather3A_170, %add3A_191], %mul3A_188 {add = true} : memref<320x128xf32, #tpu.memory_space<vmem>>[vector<16xi32>, vector<16xi32>], vector<16xf32>,
        %get3A_192 = arith.index_cast %add3A_167 : i32 to index
        %get3A_193 = arith.constant 48 : index
        %get3A_194 = tpu.vector_load %arg16[%get3A_192, %get3A_193] {strides = array<i32>} : memref<80x128xf32, #tpu.memory_space<vmem>>, vector<16xf32>,
        %mul3A_195 = arith.mulf %get3A_194, %gather3A : vector<16xf32>
        %add3A_196 = arith.constant 48 : i32
        %add3A_197 = vector.broadcast %add3A_196 : i32 to vector<16xi32>
        %add3A_198 = arith.addi %iota3A, %add3A_197 : vector<16xi32>
        tpu.vector_store_idx %arg17[%gather3A_170, %add3A_198], %mul3A_195 {add = true} : memref<320x128xf32, #tpu.memory_space<vmem>>[vector<16xi32>, vector<16xi32>], vector<16xf32>,
        %get3A_199 = arith.index_cast %add3A_167 : i32 to index
        %get3A_200 = arith.constant 64 : index
        %get3A_201 = tpu.vector_load %arg16[%get3A_199, %get3A_200] {strides = array<i32>} : memref<80x128xf32, #tpu.memory_space<vmem>>, vector<16xf32>,
        %mul3A_202 = arith.mulf %get3A_201, %gather3A : vector<16xf32>
        %add3A_203 = arith.constant 64 : i32
        %add3A_204 = vector.broadcast %add3A_203 : i32 to vector<16xi32>
        %add3A_205 = arith.addi %iota3A, %add3A_204 : vector<16xi32>
        tpu.vector_store_idx %arg17[%gather3A_170, %add3A_205], %mul3A_202 {add = true} : memref<320x128xf32, #tpu.memory_space<vmem>>[vector<16xi32>, vector<16xi32>], vector<16xf32>,
        %get3A_206 = arith.index_cast %add3A_167 : i32 to index
        %get3A_207 = arith.constant 80 : index
        %get3A_208 = tpu.vector_load %arg16[%get3A_206, %get3A_207] {strides = array<i32>} : memref<80x128xf32, #tpu.memory_space<vmem>>, vector<16xf32>,
        %mul3A_209 = arith.mulf %get3A_208, %gather3A : vector<16xf32>
        %add3A_210 = arith.constant 80 : i32
        %add3A_211 = vector.broadcast %add3A_210 : i32 to vector<16xi32>
        %add3A_212 = arith.addi %iota3A, %add3A_211 : vector<16xi32>
        tpu.vector_store_idx %arg17[%gather3A_170, %add3A_212], %mul3A_209 {add = true} : memref<320x128xf32, #tpu.memory_space<vmem>>[vector<16xi32>, vector<16xi32>], vector<16xf32>,
        %get3A_213 = arith.index_cast %add3A_167 : i32 to index
        %get3A_214 = arith.constant 96 : index
        %get3A_215 = tpu.vector_load %arg16[%get3A_213, %get3A_214] {strides = array<i32>} : memref<80x128xf32, #tpu.memory_space<vmem>>, vector<16xf32>,
        %mul3A_216 = arith.mulf %get3A_215, %gather3A : vector<16xf32>
        %add3A_217 = arith.constant 96 : i32
        %add3A_218 = vector.broadcast %add3A_217 : i32 to vector<16xi32>
        %add3A_219 = arith.addi %iota3A, %add3A_218 : vector<16xi32>
        tpu.vector_store_idx %arg17[%gather3A_170, %add3A_219], %mul3A_216 {add = true} : memref<320x128xf32, #tpu.memory_space<vmem>>[vector<16xi32>, vector<16xi32>], vector<16xf32>,
        %get3A_220 = arith.index_cast %add3A_167 : i32 to index
        %get3A_221 = arith.constant 112 : index
        %get3A_222 = tpu.vector_load %arg16[%get3A_220, %get3A_221] {strides = array<i32>} : memref<80x128xf32, #tpu.memory_space<vmem>>, vector<16xf32>,
        %mul3A_223 = arith.mulf %get3A_222, %gather3A : vector<16xf32>
        %add3A_224 = arith.constant 112 : i32
        %add3A_225 = vector.broadcast %add3A_224 : i32 to vector<16xi32>
        %add3A_226 = arith.addi %iota3A, %add3A_225 : vector<16xi32>
        tpu.vector_store_idx %arg17[%gather3A_170, %add3A_226], %mul3A_223 {add = true} : memref<320x128xf32, #tpu.memory_space<vmem>>[vector<16xi32>, vector<16xi32>], vector<16xf32>,
        %mul3A_227 = arith.constant 2 : i32
        %mul3A_228 = arith.muli %scan3A_163, %mul3A_227 : i32
        %add3A_229 = arith.constant 1 : i32
        %add3A_230 = arith.addi %mul3A_228, %add3A_229 : i32
        %add3A_231 = arith.addi %multiple_of3A_149, %add3A_230 : i32
        %broadcast_in_dim3A_232 = vector.broadcast %add3A_231 : i32 to vector<16xi32>
        %gather3A_233 = tpu.vector_load_idx %arg15[%broadcast_in_dim3A_232] : memref<640xf32, #tpu.memory_space<vmem>>[vector<16xi32>], vector<16xf32>,
        %gather3A_234 = tpu.vector_load_idx %arg14[%broadcast_in_dim3A_232] : memref<640xi32, #tpu.memory_space<vmem>>[vector<16xi32>], vector<16xi32>,
        %get3A_235 = arith.index_cast %add3A_230 : i32 to index
        %get3A_236 = arith.constant 0 : index
        %get3A_237 = tpu.vector_load %arg16[%get3A_235, %get3A_236] {strides = array<i32>} : memref<80x128xf32, #tpu.memory_space<vmem>>, vector<16xf32>,
        %mul3A_238 = arith.mulf %get3A_237, %gather3A_233 : vector<16xf32>
        %add3A_239 = arith.constant 0 : i32
        %add3A_240 = vector.broadcast %add3A_239 : i32 to vector<16xi32>
        %add3A_241 = arith.addi %iota3A, %add3A_240 : vector<16xi32>
        tpu.vector_store_idx %arg17[%gather3A_234, %add3A_241], %mul3A_238 {add = true} : memref<320x128xf32, #tpu.memory_space<vmem>>[vector<16xi32>, vector<16xi32>], vector<16xf32>,
        %get3A_242 = arith.index_cast %add3A_230 : i32 to index
        %get3A_243 = arith.constant 16 : index
        %get3A_244 = tpu.vector_load %arg16[%get3A_242, %get3A_243] {strides = array<i32>} : memref<80x128xf32, #tpu.memory_space<vmem>>, vector<16xf32>,
        %mul3A_245 = arith.mulf %get3A_244, %gather3A_233 : vector<16xf32>
        %add3A_246 = arith.constant 16 : i32
        %add3A_247 = vector.broadcast %add3A_246 : i32 to vector<16xi32>
        %add3A_248 = arith.addi %iota3A, %add3A_247 : vector<16xi32>
        tpu.vector_store_idx %arg17[%gather3A_234, %add3A_248], %mul3A_245 {add = true} : memref<320x128xf32, #tpu.memory_space<vmem>>[vector<16xi32>, vector<16xi32>], vector<16xf32>,
        %get3A_249 = arith.index_cast %add3A_230 : i32 to index
        %get3A_250 = arith.constant 32 : index
        %get3A_251 = tpu.vector_load %arg16[%get3A_249, %get3A_250] {strides = array<i32>} : memref<80x128xf32, #tpu.memory_space<vmem>>, vector<16xf32>,
        %mul3A_252 = arith.mulf %get3A_251, %gather3A_233 : vector<16xf32>
        %add3A_253 = arith.constant 32 : i32
        %add3A_254 = vector.broadcast %add3A_253 : i32 to vector<16xi32>
        %add3A_255 = arith.addi %iota3A, %add3A_254 : vector<16xi32>
        tpu.vector_store_idx %arg17[%gather3A_234, %add3A_255], %mul3A_252 {add = true} : memref<320x128xf32, #tpu.memory_space<vmem>>[vector<16xi32>, vector<16xi32>], vector<16xf32>,
        %get3A_256 = arith.index_cast %add3A_230 : i32 to index
        %get3A_257 = arith.constant 48 : index
        %get3A_258 = tpu.vector_load %arg16[%get3A_256, %get3A_257] {strides = array<i32>} : memref<80x128xf32, #tpu.memory_space<vmem>>, vector<16xf32>,
        %mul3A_259 = arith.mulf %get3A_258, %gather3A_233 : vector<16xf32>
        %add3A_260 = arith.constant 48 : i32
        %add3A_261 = vector.broadcast %add3A_260 : i32 to vector<16xi32>
        %add3A_262 = arith.addi %iota3A, %add3A_261 : vector<16xi32>
        tpu.vector_store_idx %arg17[%gather3A_234, %add3A_262], %mul3A_259 {add = true} : memref<320x128xf32, #tpu.memory_space<vmem>>[vector<16xi32>, vector<16xi32>], vector<16xf32>,
        %get3A_263 = arith.index_cast %add3A_230 : i32 to index
        %get3A_264 = arith.constant 64 : index
        %get3A_265 = tpu.vector_load %arg16[%get3A_263, %get3A_264] {strides = array<i32>} : memref<80x128xf32, #tpu.memory_space<vmem>>, vector<16xf32>,
        %mul3A_266 = arith.mulf %get3A_265, %gather3A_233 : vector<16xf32>
        %add3A_267 = arith.constant 64 : i32
        %add3A_268 = vector.broadcast %add3A_267 : i32 to vector<16xi32>
        %add3A_269 = arith.addi %iota3A, %add3A_268 : vector<16xi32>
        tpu.vector_store_idx %arg17[%gather3A_234, %add3A_269], %mul3A_266 {add = true} : memref<320x128xf32, #tpu.memory_space<vmem>>[vector<16xi32>, vector<16xi32>], vector<16xf32>,
        %get3A_270 = arith.index_cast %add3A_230 : i32 to index
        %get3A_271 = arith.constant 80 : index
        %get3A_272 = tpu.vector_load %arg16[%get3A_270, %get3A_271] {strides = array<i32>} : memref<80x128xf32, #tpu.memory_space<vmem>>, vector<16xf32>,
        %mul3A_273 = arith.mulf %get3A_272, %gather3A_233 : vector<16xf32>
        %add3A_274 = arith.constant 80 : i32
        %add3A_275 = vector.broadcast %add3A_274 : i32 to vector<16xi32>
        %add3A_276 = arith.addi %iota3A, %add3A_275 : vector<16xi32>
        tpu.vector_store_idx %arg17[%gather3A_234, %add3A_276], %mul3A_273 {add = true} : memref<320x128xf32, #tpu.memory_space<vmem>>[vector<16xi32>, vector<16xi32>], vector<16xf32>,
        %get3A_277 = arith.index_cast %add3A_230 : i32 to index
        %get3A_278 = arith.constant 96 : index
        %get3A_279 = tpu.vector_load %arg16[%get3A_277, %get3A_278] {strides = array<i32>} : memref<80x128xf32, #tpu.memory_space<vmem>>, vector<16xf32>,
        %mul3A_280 = arith.mulf %get3A_279, %gather3A_233 : vector<16xf32>
        %add3A_281 = arith.constant 96 : i32
        %add3A_282 = vector.broadcast %add3A_281 : i32 to vector<16xi32>
        %add3A_283 = arith.addi %iota3A, %add3A_282 : vector<16xi32>
        tpu.vector_store_idx %arg17[%gather3A_234, %add3A_283], %mul3A_280 {add = true} : memref<320x128xf32, #tpu.memory_space<vmem>>[vector<16xi32>, vector<16xi32>], vector<16xf32>,
        %get3A_284 = arith.index_cast %add3A_230 : i32 to index
        %get3A_285 = arith.constant 112 : index
        %get3A_286 = tpu.vector_load %arg16[%get3A_284, %get3A_285] {strides = array<i32>} : memref<80x128xf32, #tpu.memory_space<vmem>>, vector<16xf32>,
        %mul3A_287 = arith.mulf %get3A_286, %gather3A_233 : vector<16xf32>
        %add3A_288 = arith.constant 112 : i32
        %add3A_289 = vector.broadcast %add3A_288 : i32 to vector<16xi32>
        %add3A_290 = arith.addi %iota3A, %add3A_289 : vector<16xi32>
        tpu.vector_store_idx %arg17[%gather3A_234, %add3A_290], %mul3A_287 {add = true} : memref<320x128xf32, #tpu.memory_space<vmem>>[vector<16xi32>, vector<16xi32>], vector<16xf32>,
      }
      %scan3A_162 = arith.constant 40 : i32
    }
    %mul3A_65 = arith.constant 80 : i32
    %mul3A_66 = arith.muli %select_n3A, %mul3A_65 : i32
    %add3A_67 = arith.constant 0 : i32
    %add3A_68 = arith.addi %mul3A_66, %add3A_67 : i32
    %multiple_of3A = tpu.assume_multiple %add3A_68, 16 : i32
    %get3A = arith.index_cast %multiple_of3A : i32 to index
    %get3A_69 = tpu.vector_load %arg13[%get3A] {strides = array<i32>} : memref<640xi32, #tpu.memory_space<vmem>>, vector<16xi32>,
    %swap3A = arith.constant 0 : index
    %swap3A_70 = tpu.vector_load %arg13[%swap3A] {strides = array<i32>} : memref<640xi32, #tpu.memory_space<vmem>>, vector<16xi32>,
    tpu.vector_store %arg13[%swap3A], %get3A_69 {strides = array<i32>} : memref<640xi32, #tpu.memory_space<vmem>>, vector<16xi32>,
    %get3A_71 = arith.index_cast %multiple_of3A : i32 to index
    %get3A_72 = tpu.vector_load %arg15[%get3A_71] {strides = array<i32>} : memref<640xf32, #tpu.memory_space<vmem>>, vector<16xf32>,
    %swap3A_73 = arith.constant 0 : index
    %swap3A_74 = tpu.vector_load %arg15[%swap3A_73] {strides = array<i32>} : memref<640xf32, #tpu.memory_space<vmem>>, vector<16xf32>,
    tpu.vector_store %arg15[%swap3A_73], %get3A_72 {strides = array<i32>} : memref<640xf32, #tpu.memory_space<vmem>>, vector<16xf32>,
    %get3A_75 = arith.index_cast %multiple_of3A : i32 to index
    %get3A_76 = tpu.vector_load %arg14[%get3A_75] {strides = array<i32>} : memref<640xi32, #tpu.memory_space<vmem>>, vector<16xi32>,
    %swap3A_77 = arith.constant 0 : index
    %swap3A_78 = tpu.vector_load %arg14[%swap3A_77] {strides = array<i32>} : memref<640xi32, #tpu.memory_space<vmem>>, vector<16xi32>,
    tpu.vector_store %arg14[%swap3A_77], %get3A_76 {strides = array<i32>} : memref<640xi32, #tpu.memory_space<vmem>>, vector<16xi32>,
    %add3A_79 = arith.constant 16 : i32
    %add3A_80 = arith.addi %mul3A_66, %add3A_79 : i32
    %multiple_of3A_81 = tpu.assume_multiple %add3A_80, 16 : i32
    %get3A_82 = arith.index_cast %multiple_of3A_81 : i32 to index
    %get3A_83 = tpu.vector_load %arg13[%get3A_82] {strides = array<i32>} : memref<640xi32, #tpu.memory_space<vmem>>, vector<16xi32>,
    %swap3A_84 = arith.constant 16 : index
    %swap3A_85 = tpu.vector_load %arg13[%swap3A_84] {strides = array<i32>} : memref<640xi32, #tpu.memory_space<vmem>>, vector<16xi32>,
    tpu.vector_store %arg13[%swap3A_84], %get3A_83 {strides = array<i32>} : memref<640xi32, #tpu.memory_space<vmem>>, vector<16xi32>,
    %get3A_86 = arith.index_cast %multiple_of3A_81 : i32 to index
    %get3A_87 = tpu.vector_load %arg15[%get3A_86] {strides = array<i32>} : memref<640xf32, #tpu.memory_space<vmem>>, vector<16xf32>,
    %swap3A_88 = arith.constant 16 : index
    %swap3A_89 = tpu.vector_load %arg15[%swap3A_88] {strides = array<i32>} : memref<640xf32, #tpu.memory_space<vmem>>, vector<16xf32>,
    tpu.vector_store %arg15[%swap3A_88], %get3A_87 {strides = array<i32>} : memref<640xf32, #tpu.memory_space<vmem>>, vector<16xf32>,
    %get3A_90 = arith.index_cast %multiple_of3A_81 : i32 to index
    %get3A_91 = tpu.vector_load %arg14[%get3A_90] {strides = array<i32>} : memref<640xi32, #tpu.memory_space<vmem>>, vector<16xi32>,
    %swap3A_92 = arith.constant 16 : index
    %swap3A_93 = tpu.vector_load %arg14[%swap3A_92] {strides = array<i32>} : memref<640xi32, #tpu.memory_space<vmem>>, vector<16xi32>,
    tpu.vector_store %arg14[%swap3A_92], %get3A_91 {strides = array<i32>} : memref<640xi32, #tpu.memory_space<vmem>>, vector<16xi32>,
    %add3A_94 = arith.constant 32 : i32
    %add3A_95 = arith.addi %mul3A_66, %add3A_94 : i32
    %multiple_of3A_96 = tpu.assume_multiple %add3A_95, 16 : i32
    %get3A_97 = arith.index_cast %multiple_of3A_96 : i32 to index
    %get3A_98 = tpu.vector_load %arg13[%get3A_97] {strides = array<i32>} : memref<640xi32, #tpu.memory_space<vmem>>, vector<16xi32>,
    %swap3A_99 = arith.constant 32 : index
    %swap3A_100 = tpu.vector_load %arg13[%swap3A_99] {strides = array<i32>} : memref<640xi32, #tpu.memory_space<vmem>>, vector<16xi32>,
    tpu.vector_store %arg13[%swap3A_99], %get3A_98 {strides = array<i32>} : memref<640xi32, #tpu.memory_space<vmem>>, vector<16xi32>,
    %get3A_101 = arith.index_cast %multiple_of3A_96 : i32 to index
    %get3A_102 = tpu.vector_load %arg15[%get3A_101] {strides = array<i32>} : memref<640xf32, #tpu.memory_space<vmem>>, vector<16xf32>,
    %swap3A_103 = arith.constant 32 : index
    %swap3A_104 = tpu.vector_load %arg15[%swap3A_103] {strides = array<i32>} : memref<640xf32, #tpu.memory_space<vmem>>, vector<16xf32>,
    tpu.vector_store %arg15[%swap3A_103], %get3A_102 {strides = array<i32>} : memref<640xf32, #tpu.memory_space<vmem>>, vector<16xf32>,
    %get3A_105 = arith.index_cast %multiple_of3A_96 : i32 to index
    %get3A_106 = tpu.vector_load %arg14[%get3A_105] {strides = array<i32>} : memref<640xi32, #tpu.memory_space<vmem>>, vector<16xi32>,
    %swap3A_107 = arith.constant 32 : index
    %swap3A_108 = tpu.vector_load %arg14[%swap3A_107] {strides = array<i32>} : memref<640xi32, #tpu.memory_space<vmem>>, vector<16xi32>,
    tpu.vector_store %arg14[%swap3A_107], %get3A_106 {strides = array<i32>} : memref<640xi32, #tpu.memory_space<vmem>>, vector<16xi32>,
    %add3A_109 = arith.constant 48 : i32
    %add3A_110 = arith.addi %mul3A_66, %add3A_109 : i32
    %multiple_of3A_111 = tpu.assume_multiple %add3A_110, 16 : i32
    %get3A_112 = arith.index_cast %multiple_of3A_111 : i32 to index
    %get3A_113 = tpu.vector_load %arg13[%get3A_112] {strides = array<i32>} : memref<640xi32, #tpu.memory_space<vmem>>, vector<16xi32>,
    %swap3A_114 = arith.constant 48 : index
    %swap3A_115 = tpu.vector_load %arg13[%swap3A_114] {strides = array<i32>} : memref<640xi32, #tpu.memory_space<vmem>>, vector<16xi32>,
    tpu.vector_store %arg13[%swap3A_114], %get3A_113 {strides = array<i32>} : memref<640xi32, #tpu.memory_space<vmem>>, vector<16xi32>,
    %get3A_116 = arith.index_cast %multiple_of3A_111 : i32 to index
    %get3A_117 = tpu.vector_load %arg15[%get3A_116] {strides = array<i32>} : memref<640xf32, #tpu.memory_space<vmem>>, vector<16xf32>,
    %swap3A_118 = arith.constant 48 : index
    %swap3A_119 = tpu.vector_load %arg15[%swap3A_118] {strides = array<i32>} : memref<640xf32, #tpu.memory_space<vmem>>, vector<16xf32>,
    tpu.vector_store %arg15[%swap3A_118], %get3A_117 {strides = array<i32>} : memref<640xf32, #tpu.memory_space<vmem>>, vector<16xf32>,
    %get3A_120 = arith.index_cast %multiple_of3A_111 : i32 to index
    %get3A_121 = tpu.vector_load %arg14[%get3A_120] {strides = array<i32>} : memref<640xi32, #tpu.memory_space<vmem>>, vector<16xi32>,
    %swap3A_122 = arith.constant 48 : index
    %swap3A_123 = tpu.vector_load %arg14[%swap3A_122] {strides = array<i32>} : memref<640xi32, #tpu.memory_space<vmem>>, vector<16xi32>,
    tpu.vector_store %arg14[%swap3A_122], %get3A_121 {strides = array<i32>} : memref<640xi32, #tpu.memory_space<vmem>>, vector<16xi32>,
    %add3A_124 = arith.constant 64 : i32
    %add3A_125 = arith.addi %mul3A_66, %add3A_124 : i32
    %multiple_of3A_126 = tpu.assume_multiple %add3A_125, 16 : i32
    %get3A_127 = arith.index_cast %multiple_of3A_126 : i32 to index
    %get3A_128 = tpu.vector_load %arg13[%get3A_127] {strides = array<i32>} : memref<640xi32, #tpu.memory_space<vmem>>, vector<16xi32>,
    %swap3A_129 = arith.constant 64 : index
    %swap3A_130 = tpu.vector_load %arg13[%swap3A_129] {strides = array<i32>} : memref<640xi32, #tpu.memory_space<vmem>>, vector<16xi32>,
    tpu.vector_store %arg13[%swap3A_129], %get3A_128 {strides = array<i32>} : memref<640xi32, #tpu.memory_space<vmem>>, vector<16xi32>,
    %get3A_131 = arith.index_cast %multiple_of3A_126 : i32 to index
    %get3A_132 = tpu.vector_load %arg15[%get3A_131] {strides = array<i32>} : memref<640xf32, #tpu.memory_space<vmem>>, vector<16xf32>,
    %swap3A_133 = arith.constant 64 : index
    %swap3A_134 = tpu.vector_load %arg15[%swap3A_133] {strides = array<i32>} : memref<640xf32, #tpu.memory_space<vmem>>, vector<16xf32>,
    tpu.vector_store %arg15[%swap3A_133], %get3A_132 {strides = array<i32>} : memref<640xf32, #tpu.memory_space<vmem>>, vector<16xf32>,
    %get3A_135 = arith.index_cast %multiple_of3A_126 : i32 to index
    %get3A_136 = tpu.vector_load %arg14[%get3A_135] {strides = array<i32>} : memref<640xi32, #tpu.memory_space<vmem>>, vector<16xi32>,
    %swap3A_137 = arith.constant 64 : index
    %swap3A_138 = tpu.vector_load %arg14[%swap3A_137] {strides = array<i32>} : memref<640xi32, #tpu.memory_space<vmem>>, vector<16xi32>,
    tpu.vector_store %arg14[%swap3A_137], %get3A_136 {strides = array<i32>} : memref<640xi32, #tpu.memory_space<vmem>>, vector<16xi32>,
    %sub3A_139 = arith.subi %reduce_max3A_39, %mul3A_66 : i32
    %broadcast_in_dim3A_140 = arith.constant 1 : i32
    %broadcast_in_dim3A_141 = vector.broadcast %broadcast_in_dim3A_140 : i32 to vector<16xi32>
    %mul3A_142 = vector.broadcast %sub3A_139 : i32 to vector<16xi32>
    %mul3A_143 = arith.muli %broadcast_in_dim3A_141, %mul3A_142 : vector<16xi32>
    %mul3A_144 = arith.constant 320 : i32
    %mul3A_145 = arith.muli %add3A, %mul3A_144 : i32
    "tpu.region"() ({
      %run_scoped3A = tpu.sem_alloc : memref<!tpu.dma_semaphore, #tpu.memory_space<semaphore_mem>>
      %dma_start3A_146 = arith.constant 0 : i32
      %dma_start3A_147 = tpu.memref_slice %arg6[%mul3A_145, %dma_start3A_146] : memref<10240x128xf32, #tpu.memory_space<hbm>> -> memref<320x128xf32, #tpu.memory_space<hbm>>
      %dma_start3A_148 = arith.constant 0 : i32
      %dma_start3A_149 = tpu.memref_slice %arg6[%mul3A_145, %dma_start3A_148] : memref<10240x128xf32, #tpu.memory_space<hbm>> -> memref<320x128xf32, #tpu.memory_space<hbm>>
      tpu.enqueue_dma source(%arg17 : memref<320x128xf32, #tpu.memory_space<vmem>>) target(%dma_start3A_149 : memref<320x128xf32, #tpu.memory_space<hbm>>) target_semaphore(%run_scoped3A : memref<!tpu.dma_semaphore, #tpu.memory_space<semaphore_mem>>)
      %dma_wait3A = arith.constant 0 : i32
      %dma_wait3A_150 = tpu.memref_slice %arg6[%mul3A_145, %dma_wait3A] : memref<10240x128xf32, #tpu.memory_space<hbm>> -> memref<320x128xf32, #tpu.memory_space<hbm>>
      %dma_wait3A_151 = arith.constant 0 : i32
      %dma_wait3A_152 = tpu.memref_slice %arg6[%mul3A_145, %dma_wait3A_151] : memref<10240x128xf32, #tpu.memory_space<hbm>> -> memref<320x128xf32, #tpu.memory_space<hbm>>
      tpu.wait_dma2 semaphore(%run_scoped3A : memref<!tpu.dma_semaphore, #tpu.memory_space<semaphore_mem>>) src(%arg17 : memref<320x128xf32, #tpu.memory_space<vmem>>) dst(%dma_wait3A_152 : memref<320x128xf32, #tpu.memory_space<hbm>>)
      tpu.yield
    }) : () -> ()
    return
  }
}

module attributes {stable_mosaic.version = 14 : i64} {
  func.func @_bn_body(%arg0: i32, %arg1: memref<1000x128xf32, #tpu.memory_space<vmem>>, %arg2: memref<1x128xf32, #tpu.memory_space<vmem>>, %arg3: memref<1x128xf32, #tpu.memory_space<vmem>>, %arg4: memref<1x128xf32, #tpu.memory_space<vmem>>, %arg5: memref<1x128xf32, #tpu.memory_space<vmem>>, %arg6: memref<1000x128xf32, #tpu.memory_space<vmem>>) attributes {dimension_semantics = [#tpu.dimension_semantics<arbitrary>], iteration_bounds = array<i64: 10>, scalar_prefetch = 0 : i64, scratch_operands = 0 : i64, tpu.core_type = #tpu.core_type<tc>, window_params = [{transform_indices = @transform_0, window_bounds = array<i64: 1000, 128>}, {pipeline_mode = #tpu.pipeline_mode<synchronous>, transform_indices = @transform_1, window_bounds = array<i64: 1, 128>}, {pipeline_mode = #tpu.pipeline_mode<synchronous>, transform_indices = @transform_2, window_bounds = array<i64: 1, 128>}, {pipeline_mode = #tpu.pipeline_mode<synchronous>, transform_indices = @transform_3, window_bounds = array<i64: 1, 128>}, {pipeline_mode = #tpu.pipeline_mode<synchronous>, transform_indices = @transform_4, window_bounds = array<i64: 1, 128>}, {transform_indices = @transform_5, window_bounds = array<i64: 1000, 128>}]} {
    %get3A = arith.constant 0 : index
    %get3A_0 = arith.constant 0 : index
    %get3A_1 = vector.load %arg2[%get3A, %get3A_0] : memref<1x128xf32, #tpu.memory_space<vmem>>, vector<1x128xf32>
    %div3A = arith.constant 1.000000e+04 : f32
    %div3A_2 = vector.broadcast %div3A : f32 to vector<1x128xf32>
    %div3A_3 = arith.divf %get3A_1, %div3A_2 : vector<1x128xf32>
    %get3A_4 = arith.constant 0 : index
    %get3A_5 = arith.constant 0 : index
    %get3A_6 = vector.load %arg3[%get3A_4, %get3A_5] : memref<1x128xf32, #tpu.memory_space<vmem>>, vector<1x128xf32>
    %div3A_7 = arith.constant 1.000000e+04 : f32
    %div3A_8 = vector.broadcast %div3A_7 : f32 to vector<1x128xf32>
    %div3A_9 = arith.divf %get3A_6, %div3A_8 : vector<1x128xf32>
    %mul3A = arith.mulf %div3A_3, %div3A_3 : vector<1x128xf32>
    %sub3A = arith.subf %div3A_9, %mul3A : vector<1x128xf32>
    %add3A = arith.constant 9.99999974E-6 : f32
    %add3A_10 = vector.broadcast %add3A : f32 to vector<1x128xf32>
    %add3A_11 = arith.addf %sub3A, %add3A_10 : vector<1x128xf32>
    %rsqrt3A = math.rsqrt %add3A_11 : vector<1x128xf32>
    %get3A_12 = arith.constant 0 : index
    %get3A_13 = arith.constant 0 : index
    %get3A_14 = vector.load %arg4[%get3A_12, %get3A_13] : memref<1x128xf32, #tpu.memory_space<vmem>>, vector<1x128xf32>
    %mul3A_15 = arith.mulf %rsqrt3A, %get3A_14 : vector<1x128xf32>
    %get3A_16 = arith.constant 0 : index
    %get3A_17 = arith.constant 0 : index
    %get3A_18 = vector.load %arg1[%get3A_16, %get3A_17] : memref<1000x128xf32, #tpu.memory_space<vmem>>, vector<1000x128xf32>
    %sub3A_19 = vector.broadcast %div3A_3 : vector<1x128xf32> to vector<1000x128xf32>
    %sub3A_20 = arith.subf %get3A_18, %sub3A_19 : vector<1000x128xf32>
    %mul3A_21 = vector.broadcast %mul3A_15 : vector<1x128xf32> to vector<1000x128xf32>
    %mul3A_22 = arith.mulf %sub3A_20, %mul3A_21 : vector<1000x128xf32>
    %get3A_23 = arith.constant 0 : index
    %get3A_24 = arith.constant 0 : index
    %get3A_25 = vector.load %arg5[%get3A_23, %get3A_24] : memref<1x128xf32, #tpu.memory_space<vmem>>, vector<1x128xf32>
    %add3A_26 = vector.broadcast %get3A_25 : vector<1x128xf32> to vector<1000x128xf32>
    %add3A_27 = arith.addf %mul3A_22, %add3A_26 : vector<1000x128xf32>
    %ge3A = arith.constant 0.000000e+00 : f32
    %ge3A_28 = vector.broadcast %ge3A : f32 to vector<1000x128xf32>
    %ge3A_29 = arith.cmpf oge, %add3A_27, %ge3A_28 : vector<1000x128xf32>
    %mul3A_30 = arith.constant 0.00999999977 : f32
    %mul3A_31 = vector.broadcast %mul3A_30 : f32 to vector<1000x128xf32>
    %mul3A_32 = arith.mulf %mul3A_31, %add3A_27 : vector<1000x128xf32>
    %select_n3A = arith.select %ge3A_29, %add3A_27, %mul3A_32 : vector<1000x128xi1>, vector<1000x128xf32>
    %swap3A = arith.constant 0 : index
    %swap3A_33 = arith.constant 0 : index
    %swap3A_34 = vector.load %arg6[%swap3A, %swap3A_33] : memref<1000x128xf32, #tpu.memory_space<vmem>>, vector<1000x128xf32>
    tpu.vector_store %arg6[%swap3A, %swap3A_33], %select_n3A {strides = array<i32>} : memref<1000x128xf32, #tpu.memory_space<vmem>>, vector<1000x128xf32>,
    return
  }
  func.func @transform_0(%arg0: i32) -> (i32, i32) {
    %c0_i32 = arith.constant 0 : i32
    %c0_i32_0 = arith.constant 0 : i32
    return %arg0, %c0_i32 : i32, i32
  }
  func.func @transform_1(%arg0: i32) -> (i32, i32) {
    %c0_i32 = arith.constant 0 : i32
    %c0_i32_0 = arith.constant 0 : i32
    %c0_i32_1 = arith.constant 0 : i32
    return %c0_i32, %c0_i32_0 : i32, i32
  }
  func.func @transform_2(%arg0: i32) -> (i32, i32) {
    %c0_i32 = arith.constant 0 : i32
    %c0_i32_0 = arith.constant 0 : i32
    %c0_i32_1 = arith.constant 0 : i32
    return %c0_i32, %c0_i32_0 : i32, i32
  }
  func.func @transform_3(%arg0: i32) -> (i32, i32) {
    %c0_i32 = arith.constant 0 : i32
    %c0_i32_0 = arith.constant 0 : i32
    %c0_i32_1 = arith.constant 0 : i32
    return %c0_i32, %c0_i32_0 : i32, i32
  }
  func.func @transform_4(%arg0: i32) -> (i32, i32) {
    %c0_i32 = arith.constant 0 : i32
    %c0_i32_0 = arith.constant 0 : i32
    %c0_i32_1 = arith.constant 0 : i32
    return %c0_i32, %c0_i32_0 : i32, i32
  }
  func.func @transform_5(%arg0: i32) -> (i32, i32) {
    %c0_i32 = arith.constant 0 : i32
    %c0_i32_0 = arith.constant 0 : i32
    return %arg0, %c0_i32 : i32, i32
  }
}

module attributes {stable_mosaic.version = 14 : i64} {
  func.func @_post_body(%arg0: i32, %arg1: memref<1000x128xf32, #tpu.memory_space<vmem>>, %arg2: memref<1000x128xf32, #tpu.memory_space<vmem>>, %arg3: memref<128x128xf32, #tpu.memory_space<vmem>>, %arg4: memref<128x128xf32, #tpu.memory_space<vmem>>, %arg5: memref<1x128xf32, #tpu.memory_space<vmem>>, %arg6: memref<128x128xf32, #tpu.memory_space<vmem>>, %arg7: memref<1x128xf32, #tpu.memory_space<vmem>>, %arg8: memref<1000x128xf32, #tpu.memory_space<vmem>>, %arg9: memref<1x128xf32, #tpu.memory_space<vmem>>, %arg10: memref<1x128xf32, #tpu.memory_space<vmem>>) attributes {dimension_semantics = [#tpu.dimension_semantics<arbitrary>], iteration_bounds = array<i64: 10>, scalar_prefetch = 0 : i64, scratch_operands = 0 : i64, tpu.core_type = #tpu.core_type<tc>, window_params = [{transform_indices = @transform_0, window_bounds = array<i64: 1000, 128>}, {transform_indices = @transform_1, window_bounds = array<i64: 1000, 128>}, {pipeline_mode = #tpu.pipeline_mode<synchronous>, transform_indices = @transform_2, window_bounds = array<i64: 128, 128>}, {pipeline_mode = #tpu.pipeline_mode<synchronous>, transform_indices = @transform_3, window_bounds = array<i64: 128, 128>}, {pipeline_mode = #tpu.pipeline_mode<synchronous>, transform_indices = @transform_4, window_bounds = array<i64: 1, 128>}, {pipeline_mode = #tpu.pipeline_mode<synchronous>, transform_indices = @transform_5, window_bounds = array<i64: 128, 128>}, {pipeline_mode = #tpu.pipeline_mode<synchronous>, transform_indices = @transform_6, window_bounds = array<i64: 1, 128>}, {transform_indices = @transform_7, window_bounds = array<i64: 1000, 128>}, {pipeline_mode = #tpu.pipeline_mode<synchronous>, transform_indices = @transform_8, window_bounds = array<i64: 1, 128>}, {pipeline_mode = #tpu.pipeline_mode<synchronous>, transform_indices = @transform_9, window_bounds = array<i64: 1, 128>}]} {
    %get3A = arith.constant 0 : index
    %get3A_0 = arith.constant 0 : index
    %get3A_1 = vector.load %arg1[%get3A, %get3A_0] : memref<1000x128xf32, #tpu.memory_space<vmem>>, vector<1000x128xf32>
    %get3A_2 = arith.constant 0 : index
    %get3A_3 = arith.constant 0 : index
    %get3A_4 = vector.load %arg3[%get3A_2, %get3A_3] : memref<128x128xf32, #tpu.memory_space<vmem>>, vector<128x128xf32>
    %dot_general3A = arith.constant dense<0.000000e+00> : vector<1000x128xf32>
    %dot_general3A_5 = tpu.matmul %get3A_1, %get3A_4, %dot_general3A {dimension_numbers = #tpu.dot_dimension_numbers<[1], [0], [0], [1], [0, 0, 1, 1], [], []>, transpose_lhs_hint = false} : vector<1000x128xf32>, vector<128x128xf32>, vector<1000x128xf32> -> vector<1000x128xf32>
    %get3A_6 = arith.constant 0 : index
    %get3A_7 = arith.constant 0 : index
    %get3A_8 = vector.load %arg2[%get3A_6, %get3A_7] : memref<1000x128xf32, #tpu.memory_space<vmem>>, vector<1000x128xf32>
    %get3A_9 = arith.constant 0 : index
    %get3A_10 = arith.constant 0 : index
    %get3A_11 = vector.load %arg4[%get3A_9, %get3A_10] : memref<128x128xf32, #tpu.memory_space<vmem>>, vector<128x128xf32>
    %dot_general3A_12 = arith.constant dense<0.000000e+00> : vector<1000x128xf32>
    %dot_general3A_13 = tpu.matmul %get3A_8, %get3A_11, %dot_general3A_12 {dimension_numbers = #tpu.dot_dimension_numbers<[1], [0], [0], [1], [0, 0, 1, 1], [], []>, transpose_lhs_hint = false} : vector<1000x128xf32>, vector<128x128xf32>, vector<1000x128xf32> -> vector<1000x128xf32>
    %add3A = arith.addf %dot_general3A_5, %dot_general3A_13 : vector<1000x128xf32>
    %get3A_14 = arith.constant 0 : index
    %get3A_15 = arith.constant 0 : index
    %get3A_16 = vector.load %arg5[%get3A_14, %get3A_15] : memref<1x128xf32, #tpu.memory_space<vmem>>, vector<1x128xf32>
    %add3A_17 = vector.broadcast %get3A_16 : vector<1x128xf32> to vector<1000x128xf32>
    %add3A_18 = arith.addf %add3A, %add3A_17 : vector<1000x128xf32>
    %ge3A = arith.constant 0.000000e+00 : f32
    %ge3A_19 = vector.broadcast %ge3A : f32 to vector<1000x128xf32>
    %ge3A_20 = arith.cmpf oge, %add3A_18, %ge3A_19 : vector<1000x128xf32>
    %mul3A = arith.constant 0.00999999977 : f32
    %mul3A_21 = vector.broadcast %mul3A : f32 to vector<1000x128xf32>
    %mul3A_22 = arith.mulf %mul3A_21, %add3A_18 : vector<1000x128xf32>
    %select_n3A = arith.select %ge3A_20, %add3A_18, %mul3A_22 : vector<1000x128xi1>, vector<1000x128xf32>
    %get3A_23 = arith.constant 0 : index
    %get3A_24 = arith.constant 0 : index
    %get3A_25 = vector.load %arg6[%get3A_23, %get3A_24] : memref<128x128xf32, #tpu.memory_space<vmem>>, vector<128x128xf32>
    %dot_general3A_26 = arith.constant dense<0.000000e+00> : vector<1000x128xf32>
    %dot_general3A_27 = tpu.matmul %select_n3A, %get3A_25, %dot_general3A_26 {dimension_numbers = #tpu.dot_dimension_numbers<[1], [0], [0], [1], [0, 0, 1, 1], [], []>, transpose_lhs_hint = false} : vector<1000x128xf32>, vector<128x128xf32>, vector<1000x128xf32> -> vector<1000x128xf32>
    %get3A_28 = arith.constant 0 : index
    %get3A_29 = arith.constant 0 : index
    %get3A_30 = vector.load %arg7[%get3A_28, %get3A_29] : memref<1x128xf32, #tpu.memory_space<vmem>>, vector<1x128xf32>
    %add3A_31 = vector.broadcast %get3A_30 : vector<1x128xf32> to vector<1000x128xf32>
    %add3A_32 = arith.addf %dot_general3A_27, %add3A_31 : vector<1000x128xf32>
    %swap3A = arith.constant 0 : index
    %swap3A_33 = arith.constant 0 : index
    %swap3A_34 = vector.load %arg8[%swap3A, %swap3A_33] : memref<1000x128xf32, #tpu.memory_space<vmem>>, vector<1000x128xf32>
    tpu.vector_store %arg8[%swap3A, %swap3A_33], %add3A_32 {strides = array<i32>} : memref<1000x128xf32, #tpu.memory_space<vmem>>, vector<1000x128xf32>,
    %eq3A = arith.constant 0 : i32
    %eq3A_35 = arith.cmpi eq, %arg0, %eq3A : i32
    %convert_element_type3A = arith.extui %eq3A_35 : i1 to i32
    %cond3A = arith.constant 0 : i32
    %cond3A_36 = arith.cmpi ne, %convert_element_type3A, %cond3A : i32
    scf.if %cond3A_36 {
      %broadcast_in_dim3A_56 = arith.constant 0.000000e+00 : f32
      %broadcast_in_dim3A_57 = vector.broadcast %broadcast_in_dim3A_56 : f32 to vector<1x128xf32>
      %swap3A_58 = arith.constant 0 : index
      %swap3A_59 = arith.constant 0 : index
      %swap3A_60 = vector.load %arg9[%swap3A_58, %swap3A_59] : memref<1x128xf32, #tpu.memory_space<vmem>>, vector<1x128xf32>
      tpu.vector_store %arg9[%swap3A_58, %swap3A_59], %broadcast_in_dim3A_57 {strides = array<i32>} : memref<1x128xf32, #tpu.memory_space<vmem>>, vector<1x128xf32>,
      %broadcast_in_dim3A_61 = arith.constant 0.000000e+00 : f32
      %broadcast_in_dim3A_62 = vector.broadcast %broadcast_in_dim3A_61 : f32 to vector<1x128xf32>
      %swap3A_63 = arith.constant 0 : index
      %swap3A_64 = arith.constant 0 : index
      %swap3A_65 = vector.load %arg10[%swap3A_63, %swap3A_64] : memref<1x128xf32, #tpu.memory_space<vmem>>, vector<1x128xf32>
      tpu.vector_store %arg10[%swap3A_63, %swap3A_64], %broadcast_in_dim3A_62 {strides = array<i32>} : memref<1x128xf32, #tpu.memory_space<vmem>>, vector<1x128xf32>,
    } else {
    }
    %get3A_37 = arith.constant 0 : index
    %get3A_38 = arith.constant 0 : index
    %get3A_39 = vector.load %arg9[%get3A_37, %get3A_38] : memref<1x128xf32, #tpu.memory_space<vmem>>, vector<1x128xf32>
    %reduce_sum3A = arith.constant dense<0.000000e+00> : vector<128xf32>
    %reduce_sum3A_40 = vector.multi_reduction <add>, %add3A_32, %reduce_sum3A [0] : vector<1000x128xf32> to vector<128xf32>
    %broadcast_in_dim3A = vector.shape_cast %reduce_sum3A_40 : vector<128xf32> to vector<1x128xf32>
    %add3A_41 = arith.addf %get3A_39, %broadcast_in_dim3A : vector<1x128xf32>
    %swap3A_42 = arith.constant 0 : index
    %swap3A_43 = arith.constant 0 : index
    %swap3A_44 = vector.load %arg9[%swap3A_42, %swap3A_43] : memref<1x128xf32, #tpu.memory_space<vmem>>, vector<1x128xf32>
    tpu.vector_store %arg9[%swap3A_42, %swap3A_43], %add3A_41 {strides = array<i32>} : memref<1x128xf32, #tpu.memory_space<vmem>>, vector<1x128xf32>,
    %get3A_45 = arith.constant 0 : index
    %get3A_46 = arith.constant 0 : index
    %get3A_47 = vector.load %arg10[%get3A_45, %get3A_46] : memref<1x128xf32, #tpu.memory_space<vmem>>, vector<1x128xf32>
    %mul3A_48 = arith.mulf %add3A_32, %add3A_32 : vector<1000x128xf32>
    %reduce_sum3A_49 = arith.constant dense<0.000000e+00> : vector<128xf32>
    %reduce_sum3A_50 = vector.multi_reduction <add>, %mul3A_48, %reduce_sum3A_49 [0] : vector<1000x128xf32> to vector<128xf32>
    %broadcast_in_dim3A_51 = vector.shape_cast %reduce_sum3A_50 : vector<128xf32> to vector<1x128xf32>
    %add3A_52 = arith.addf %get3A_47, %broadcast_in_dim3A_51 : vector<1x128xf32>
    %swap3A_53 = arith.constant 0 : index
    %swap3A_54 = arith.constant 0 : index
    %swap3A_55 = vector.load %arg10[%swap3A_53, %swap3A_54] : memref<1x128xf32, #tpu.memory_space<vmem>>, vector<1x128xf32>
    tpu.vector_store %arg10[%swap3A_53, %swap3A_54], %add3A_52 {strides = array<i32>} : memref<1x128xf32, #tpu.memory_space<vmem>>, vector<1x128xf32>,
    return
  }
  func.func @transform_0(%arg0: i32) -> (i32, i32) {
    %c0_i32 = arith.constant 0 : i32
    %c0_i32_0 = arith.constant 0 : i32
    return %arg0, %c0_i32 : i32, i32
  }
  func.func @transform_1(%arg0: i32) -> (i32, i32) {
    %c0_i32 = arith.constant 0 : i32
    %c0_i32_0 = arith.constant 0 : i32
    return %arg0, %c0_i32 : i32, i32
  }
  func.func @transform_2(%arg0: i32) -> (i32, i32) {
    %c0_i32 = arith.constant 0 : i32
    %c0_i32_0 = arith.constant 0 : i32
    %c0_i32_1 = arith.constant 0 : i32
    return %c0_i32, %c0_i32_0 : i32, i32
  }
  func.func @transform_3(%arg0: i32) -> (i32, i32) {
    %c0_i32 = arith.constant 0 : i32
    %c0_i32_0 = arith.constant 0 : i32
    %c0_i32_1 = arith.constant 0 : i32
    return %c0_i32, %c0_i32_0 : i32, i32
  }
  func.func @transform_4(%arg0: i32) -> (i32, i32) {
    %c0_i32 = arith.constant 0 : i32
    %c0_i32_0 = arith.constant 0 : i32
    %c0_i32_1 = arith.constant 0 : i32
    return %c0_i32, %c0_i32_0 : i32, i32
  }
  func.func @transform_5(%arg0: i32) -> (i32, i32) {
    %c0_i32 = arith.constant 0 : i32
    %c0_i32_0 = arith.constant 0 : i32
    %c0_i32_1 = arith.constant 0 : i32
    return %c0_i32, %c0_i32_0 : i32, i32
  }
  func.func @transform_6(%arg0: i32) -> (i32, i32) {
    %c0_i32 = arith.constant 0 : i32
    %c0_i32_0 = arith.constant 0 : i32
    %c0_i32_1 = arith.constant 0 : i32
    return %c0_i32, %c0_i32_0 : i32, i32
  }
  func.func @transform_7(%arg0: i32) -> (i32, i32) {
    %c0_i32 = arith.constant 0 : i32
    %c0_i32_0 = arith.constant 0 : i32
    return %arg0, %c0_i32 : i32, i32
  }
  func.func @transform_8(%arg0: i32) -> (i32, i32) {
    %c0_i32 = arith.constant 0 : i32
    %c0_i32_0 = arith.constant 0 : i32
    %c0_i32_1 = arith.constant 0 : i32
    return %c0_i32, %c0_i32_0 : i32, i32
  }
  func.func @transform_9(%arg0: i32) -> (i32, i32) {
    %c0_i32 = arith.constant 0 : i32
    %c0_i32_0 = arith.constant 0 : i32
    %c0_i32_1 = arith.constant 0 : i32
    return %c0_i32, %c0_i32_0 : i32, i32
  }
}

</mosaic_0001>

<sc_bundles>
// kernel: kernel.5.cloned.1.call-start
scs
__scs_entry_jumppad:
0x0: {  	(pc) =	sbr.rel $0x88, $3  }
0x1: {  	(tag) =	ssettag $0x0;
	lr =	simm.s32 $0x1  }
0x2: {  	[smem:$0x3F97] =	sst lr;
	_ =	strace $0xD0000000  }
0x3: {  	_ = 	snop  }
0x4: {  	_ = 	snop  }
0x5: {  	_ = 	snop  }
0x6: {  	_ = 	snop  }
0x7: {  	_ = 	snop  }
__scs_overlays_trampoline_lowered:
0x8: {  	[smem:$0x3FA6] =	sst s0  }
0x9: {  	[smem:$0x3FA7] =	sst s1  }
0xa: {  	[smem:$0x3FA8] =	sst s2  }
0xb: {  	[smem:$0x3FA9] =	sst s3  }
0xc: {  	[smem:$0x3FAA] =	sst s4  }
0xd: {  	[smem:$0x3FAB] =	sst s5  }
0xe: {  	[smem:$0x3FAC] =	sst s6  }
0xf: {  	[smem:$0x3FAD] =	sst s7  }
0x10: {  	[smem:$0x3FAE] =	sst s8  }
0x11: {  	[smem:$0x3FAF] =	sst s9;
	s0 =	simm.s32 @!p0 $0x0  }
0x12: {  	s1 =	sld [smem:$0x3F95];
	s0 =	simm.s32 @p0 $0x1  }
0x13: {  	[smem:$0x3FB0] =	sst s0;
	s0 =	simm.s32 @!p1 $0x0  }
0x14: {  	s2 =	sld [smem:$0x3F94];
	s0 =	simm.s32 @p1 $0x1  }
0x15: {  	[smem:$0x3FB1] =	sst s0;
	s0 =	simm.s32 @!p2 $0x0  }
0x16: {  	s3 =	sld [smem:$0x3FDB];
	s0 =	simm.s32 @p2 $0x1  }
0x17: {  	s4 =	simm.s32 $0x1BF5;
	[smem:$0x3FB3] =	sst s0  }
0x18: {  	s0 =	sld [smem:$0x3F96];
	_ =	swait.ge [sflag:s4], $0x0  }
0x19: {  	s7 =	sld [smem:$0x3F97]  }
0x1a: {  	s8 =	sadd.s32 $0xFFFFE003, lr  }
0x1b: {  	s9 =	sadd.s32 $0xFFFFFEF7, lr;
	s5 =	simm.s32 $0xFFFFFFFF;
	p2 =	slt.u32 s8, $0xFFFFF086  }
0x1c: {  	p1 =	slt.u32 s9, $0xF7A;
	s5 =	simm.s32 @!p2 $0x0  }
0x1d: {  	s5 =	simm.s32 @p1 $0x1;
	p0 =	seq.s32 s7, s2  }
0x1e: {  	s7 =	smul.u32 @!p0 $0xF7A, s2;
	p2 =	seq.s32 @!p0 s5, $0x0  }
0x1f: {  	s9 =	smul.u32 $0xF7A, s1;
	s8 =	simm.s32 @!p0 $0x1BF5;
	p2 =	por !p2, p0  }
0x20: {  	[sflag:s8] =	ssyncset.s32 @!p0 $0xFFFFF086;
	s6 =	sadd.s32 @!p0 s3, s7;
	s7 =	simm.s32 @!p0 $0x108  }
0x21: {  	s3 =	sadd.s32 s3, s9;
	s6 =	sadd.s32 @!p0 $0x88, s6;
	s7 =	simm.s32 @p2 $0x1082  }
0x22: {  	[simem:s7], [sflag:s8] =	dma.local @!p0 [hbm:s6], $0xF7A  }
0x23: {  	s9 =	sor.u32 $0xD0000000, s2;
	s6 =	simm.s32 $0x108;
	_ =	swait.ge @!p0 [sflag:s8], $0x0  }
0x24: {  	s3 =	sadd.s32 $0x88, s3;
	s6 =	simm.s32 @!p1 $0x1082;
	[sflag:s4] =	ssyncset.s32 $0xFFFFF086  }
0x25: {  	[simem:s6], [sflag:s4] =	dma.local [hbm:s3], $0xF7A  }
0x26: {  	[smem:$0x3F97] =	sst s1;
	(tag) =	ssettag s2;
	_ =	strace s9  }
0x27: {  	s1 =	sld [smem:$0x3FA7]  }
0x28: {  	s2 =	sld [smem:$0x3FA8]  }
0x29: {  	s4 =	sld [smem:$0x3FAA]  }
0x2a: {  	p0 =	seq.s32 s5, $0x0;
	s5 =	sld [smem:$0x3FAB]  }
0x2b: {  	s6 =	sld [smem:$0x3FAC]  }
0x2c: {  	s7 =	sld [smem:$0x3FAD]  }
0x2d: {  	s3 =	simm.s32 $0x108;
	s8 =	sld [smem:$0x3FAE]  }
0x2e: {  	s3 =	simm.s32 @!p0 $0x1082;
	s9 =	sld [smem:$0x3FAF]  }
0x2f: {  	lr =	sadd.s32 s0, s3;
	s0 =	sld [smem:$0x3FA6]  }
0x30: {  	s3 =	sld [smem:$0x3FA9]  }
0x31: {  	[smem:$0x3FB2] =	sst s10  }
0x32: {  	s10 =	sld [smem:$0x3FB0];
	_ =	sdelay $0x3  }
0x33: {  	p0 =	seq.s32 s10, $0x1;
	s10 =	sld [smem:$0x3FB2];
	_ =	sdelay $0x3  }
0x34: {  	[smem:$0x3FB2] =	sst s10  }
0x35: {  	s10 =	sld [smem:$0x3FB1];
	_ =	sdelay $0x3  }
0x36: {  	p1 =	seq.s32 s10, $0x1;
	s10 =	sld [smem:$0x3FB2];
	_ =	sdelay $0x3  }
0x37: {  	[smem:$0x3FB2] =	sst s10  }
0x38: {  	s10 =	sld [smem:$0x3FB3]  }
0x39: {  	_ = 	snop;
	(pc) =	sbr.ind lr, $3  }
0x3a: {  	_ = 	snop  }
0x3b: {  	_ = 	snop  }
0x3c: {  	p2 =	seq.s32 s10, $0x1;
	s10 =	sld [smem:$0x3FB2]  }
0x3d: {  	_ =	shalt  }
0x3e: {  	_ =	shalt  }
0x3f: {  	_ =	shalt  }
0x40: {  	_ =	shalt  }
0x41: {  	_ =	shalt  }
0x42: {  	_ =	shalt  }
0x43: {  	_ =	shalt  }
0x44: {  	_ =	shalt  }
0x45: {  	_ =	shalt  }
0x46: {  	_ =	shalt  }
0x47: {  	_ =	shalt  }
0x48: {  	_ =	shalt  }
0x49: {  	_ =	shalt  }
0x4a: {  	_ =	shalt  }
0x4b: {  	_ =	shalt  }
0x4c: {  	_ =	shalt  }
0x4d: {  	_ =	shalt  }
0x4e: {  	_ =	shalt  }
0x4f: {  	_ =	shalt  }
0x50: {  	_ =	shalt  }
0x51: {  	_ =	shalt  }
0x52: {  	_ =	shalt  }
0x53: {  	_ =	shalt  }
0x54: {  	_ =	shalt  }
0x55: {  	_ =	shalt  }
0x56: {  	_ =	shalt  }
0x57: {  	_ =	shalt  }
0x58: {  	_ =	shalt  }
0x59: {  	_ =	shalt  }
0x5a: {  	_ =	shalt  }
0x5b: {  	_ =	shalt  }
0x5c: {  	_ =	shalt  }
0x5d: {  	_ =	shalt  }
0x5e: {  	_ =	shalt  }
0x5f: {  	_ =	shalt  }
0x60: {  	_ =	shalt  }
0x61: {  	_ =	shalt  }
0x62: {  	_ =	shalt  }
0x63: {  	_ =	shalt  }
0x64: {  	_ =	shalt  }
0x65: {  	_ =	shalt  }
0x66: {  	_ =	shalt  }
0x67: {  	_ =	shalt  }
0x68: {  	_ =	shalt  }
0x69: {  	_ =	shalt  }
0x6a: {  	_ =	shalt  }
0x6b: {  	_ =	shalt  }
0x6c: {  	_ =	shalt  }
0x6d: {  	_ =	shalt  }
0x6e: {  	_ =	shalt  }
0x6f: {  	_ =	shalt  }
0x70: {  	_ =	shalt  }
0x71: {  	_ =	shalt  }
0x72: {  	_ =	shalt  }
0x73: {  	_ =	shalt  }
0x74: {  	_ =	shalt  }
0x75: {  	_ =	shalt  }
0x76: {  	_ =	shalt  }
0x77: {  	_ =	shalt  }
0x78: {  	_ =	shalt  }
0x79: {  	_ =	shalt  }
0x7a: {  	_ =	shalt  }
0x7b: {  	_ =	shalt  }
0x7c: {  	_ =	shalt  }
0x7d: {  	_ =	shalt  }
0x7e: {  	_ =	shalt  }
0x7f: {  	_ =	shalt  }
0x80: {  	_ =	shalt  }
0x81: {  	_ =	shalt  }
0x82: {  	_ =	shalt  }
0x83: {  	_ =	shalt  }
0x84: {  	_ =	shalt  }
0x85: {  	_ =	shalt  }
0x86: {  	_ =	shalt  }
0x87: {  	_ =	shalt  }
.Lfunc_end0:
.L_simem_size_0:
called_computation_lowered:
.L_overlay_start_0:
0x88: {  	s2 =	sld [smem:$0x3FD9]  }
0x89: {  	s3 =	sld [smem:$0x3FFE];
	_ =	sdelay $0x1  }
0x8a: {  	s1 =	srdreg.scid  }
0x8b: {  	s0 =	sand.u32 $0x1, s1  }
0x8c: {  	s17 =	sshll.u32 s0, $0xA;
	s2 =	sadd.s32 s3, s2  }
0x8d: {  	s2 =	sadd.s32 s2, s17  }
0x8e: {  	[smem:$0x3FBE] =	sst s2  }
0x8f: {  	_ = 	snop  }
0x90: {  	s2 =	sld [smem:$0x3FC9]  }
0x91: {  	s18 =	sld [smem:$0x3FC7]  }
0x92: {  	s4 =	sld [smem:$0x3FD0];
	(tm) =	ssettm $0x1  }
0x93: {  	s5 =	sld [smem:$0x3FFB];
	_ =	sdelay $0x3  }
0x94: {  	_ =	strace s5  }
0x95: {  	s5 =	sld [smem:$0x3FFC];
	_ =	sdelay $0x3  }
0x96: {  	_ =	strace s5  }
0x97: {  	s5 =	sld [smem:$0x3FFD];
	_ =	sdelay $0x3  }
0x98: {  	_ =	strace s5  }
0x99: {  	_ =	strace $0x8FFFFFFF  }
0x9a: {  	s19 =	sld [smem:$0x3FDB];
	_ =	sdelay $0x1  }
0x9b: {  	s6 =	simm.s32 $_scs_section_size  }
0x9c: {  	s7 =	simm.s32 $_size__tile_overlayer_lowered;
	s8 =	simm.s32 $_tile_overlayer_lowered  }
0x9d: {  	s22 =	simm.s32 $0x1BFF;
	s21 =	sshll.u32 s8, $0x1;
	s5 =	sadd.s32 s6, s19  }
0x9e: {  	s9 =	simm.s32 $0x0;
	s20 =	sshll.u32 s7, $0x1;
	s7 =	sadd.s32 s21, s5  }
0x9f: {  	[timem:s9], [sflag:s22] =	dma.local [hbm:s7], s20  }
0xa0: {  	_ =	swait.ge [sflag:s22], s20  }
0xa1: {  	s6 =	ssub.s32 $0x0, s20;
	[sflag:s22] =	ssyncset.done $0x0  }
0xa2: {  	[sflag:s22] =	ssyncadd.s32 s6;
	_ =	sdelay $0x1  }
0xa3: {  	s23 =	simm.s32 $0x1B8B  }
0xa4: {  	_ =	swait.ge [sflag:s23], $0x1  }
0xa5: {  	[sflag:s23] =	ssyncset.done $0x0  }
0xa6: {  	s25 =	simm.s32 $0x1B8E;
	s24 =	sld [smem:$0x3FFE];
	[sflag:s23] =	ssyncadd.s32 $0xFFFFFFFF  }
0xa7: {  	s26 =	simm.s32 $execute0_lowered;
	[smem:$0x3FD2] =	sst s25  }
0xa8: {  	s7 =	sshll.u32 s26, $0x1;
	_ =	strace $0x80000046;
	[dreg:$0x1] =	wrdreg $0xFFFFFFFF  }
0xa9: {  	s28 =	simm.s32 $_size_execute0_lowered;
	s5 =	sadd.s32 s5, s7;
	[dreg:$0x0] =	wrdreg $0x0  }
0xaa: {  	s7 =	sshll.u32 s28, $0x1;
	[dreg:$0x2] =	wrdreg s5  }
0xab: {  	[dreg:$0x3] =	wrdreg s7  }
0xac: {  	[dreg:$0x4] =	wrdreg $0xC0  }
0xad: {  	_ =	task [dreg:s9], $0x5FFFF  }
0xae: {  	[dreg:$0x1] =	wrdreg $0xFFFFFFFF  }
0xaf: {  	[dreg:$0x0] =	wrdreg $0x60  }
0xb0: {  	[dreg:$0x2] =	wrdreg s2  }
0xb1: {  	[dreg:$0x3] =	wrdreg s24  }
0xb2: {  	[dreg:$0x4] =	wrdreg s4  }
0xb3: {  	[dreg:$0x5] =	wrdreg s18  }
0xb4: {  	[dreg:$0x6] =	wrdreg $0x9  }
0xb5: {  	_ =	task.clear_ibuf [dreg:s9], $0x7FFFF;
	_ =	strace $0x90000046  }
0xb6: {  	s29 =	simm.s32 $0x9;
	_ =	strace $0x80000048  }
0xb7: {  	_ =	swait.ge [sflag:s29], $0x1  }
0xb8: {  	[sflag:s29] =	ssyncadd.s32 $0xFFFFFFFF  }
0xb9: {  	_ =	strace $0x90000048  }
0xba: {  	_ =	sfence  }
0xbb: {  	s30 =	sld [smem:$0x0];
	_ =	sdelay $0x2  }
0xbc: {  	s31 =	sshll.u32 s1, $0xD;
	s1 =	sshrl.u32 s1, $0x2  }
0xbd: {  	s3 =	sand.u32 $0x4000, s31;
	s1 =	sadd.s32 s1, s30  }
0xbe: {  	s0 =	sor.u32 s3, s0;
	s1 =	sshll.u32 s1, $0x11  }
0xbf: {  	s0 =	sor.u32 s1, s0  }
0xc0: {  	s0 =	sadd.s32 $0x8F2B, s0  }
0xc1: {  	[sflag:s0] =	ssyncadd.remote.s32 $0x1  }
0xc2: {  	_ =	sfence.sel $0xFFFF  }
0xc3: {  	[dreg:$0x0] =	wrdreg $0xFFFFFFFF;
	(pc) =	sbr.abs _section_cstart, $3  }
0xc4: {  	[dreg:$0x1] =	wrdreg $0xFFFFFFFF  }
0xc5: {  	_ =	task.clear_ibuf [dreg:s9], $0x2FFFF;
	_ =	strace $0x9FFFFFFF  }
0xc6: {  	(tm) =	ssettm $0x7FFFFFFF  }
0xc7: {  	_ =	shalt  }
tec
execute0_lowered:
.L_overlay_start_1:
0x0: {  	(tag) =	ssettag $0x1  }
0x1: {  	s0 =	rddreg [dreg:$0x0]  }
0x2: {  	s1 =	rddreg [dreg:$0x1]  }
0x3: {  	s2 =	srdreg.scid;
	s3 =	rddreg [dreg:$0x2]  }
0x4: {  	s4 =	rddreg [dreg:$0x3];
	s6 =	stileid.u32;
	s7 =	simm.s32 $0x0  }
0x5: {  	s11 =	simm.s32 $0x1;
	s12 =	simm.s32 $0x7680;
	s13 =	simm.s32 $0x9E00  }
0x6: {  	s14 =	simm.s32 $0xC580;
	s15 =	simm.s32 $0xED00;
	s2 =	sand.u32 $0x1, s2  }
0x7: {  	s16 =	simm.s32 $0xF200;
	s17 =	simm.s32 $0xEF80;
	s5 =	sshll.u32 s2, $0x4  }
0x8: {  	s18 =	simm.s32 $0x50;
	s19 =	simm.s32 $0xF480;
	s5 =	sor.u32 s6, s5  }
0x9: {  	s20 =	simm.s32 $0x3;
	s2 =	ssub.s32 $0x2, s2;
	s30 =	smul.u32 $0x1400, s5  }
.Ltmp0:
0xa: {  	s21 =	simm.s32 $0x11C80;
	s8 =	sshrl.u32 s2, $0x1;
	(pc) =	sbr.rel .LBB2_1-.Ltmp0, $4  }
0xb: {  	v2 =	vlaneseq.u32;
	v3 =	vimm.f32 $0.0e+00;
	v4 =	vimm.s32 $0x0;
	s22 =	simm.s32 $0x2;
	[smem:$0x7FF] =	sst s7;
	s2 =	ssub.s32 s2, s8  }
0xc: {  	v5 =	vor.u32 $0x10, v2;
	v6 =	vor.u32 $0x20, v2;
	v7 =	vor.u32 $0x30, v2;
	s6 =	sadd.s32 $0x1600, s1;
	s31 =	smax.u32 s2, $0x1;
	s1 =	sadd.s32 s30, s1  }
0xd: {  	v8 =	vor.u32 $0x40, v2;
	v9 =	vor.u32 $0x50, v2;
	_ =	strace $0x80000047;
	v0 =	vmov s5;
	[dreg:$0x6] =	wrdreg s31;
	s1 =	sadd.s32 $0xB400, s1  }
0xe: {  	s25 =	simm.s32 $0x0;
	v10 =	vor.u32 $0x60, v2;
	v11 =	vor.u32 $0x70, v2;
	s5 =	simm.s32 $0x0;
	v1 =	vmul.u32 $0x140, v0;
	[dreg:$0x5] =	wrdreg s1  }
.LBB2_25:
0xf: {  	s1 =	smul.u32 $0x50, s1;
	_ =	sdelay $0x1  }
0x10: {  	v12 =	vld [tilespmem:s1+$0xED00];
	_ =	sdelay $0x4  }
0x11: {  	[tilespmem:$0xED00] =	vst v12  }
0x12: {  	v12 =	vld [tilespmem:s1+$0xF200];
	_ =	sdelay $0x4  }
0x13: {  	[tilespmem:$0xF200] =	vst v12  }
0x14: {  	v12 =	vld [tilespmem:s1+$0xEF80];
	_ =	sdelay $0x4  }
0x15: {  	[tilespmem:$0xEF80] =	vst v12  }
0x16: {  	v12 =	vld [tilespmem:s1+$0xED10];
	_ =	sdelay $0x4  }
0x17: {  	[tilespmem:$0xED10] =	vst v12  }
0x18: {  	v12 =	vld [tilespmem:s1+$0xF210];
	_ =	sdelay $0x4  }
0x19: {  	[tilespmem:$0xF210] =	vst v12  }
0x1a: {  	v12 =	vld [tilespmem:s1+$0xEF90];
	_ =	sdelay $0x4  }
0x1b: {  	[tilespmem:$0xEF90] =	vst v12  }
0x1c: {  	v12 =	vld [tilespmem:s1+$0xED20];
	_ =	sdelay $0x4  }
0x1d: {  	[tilespmem:$0xED20] =	vst v12  }
0x1e: {  	v12 =	vld [tilespmem:s1+$0xF220];
	_ =	sdelay $0x4  }
0x1f: {  	[tilespmem:$0xF220] =	vst v12  }
0x20: {  	v12 =	vld [tilespmem:s1+$0xEFA0];
	_ =	sdelay $0x4  }
0x21: {  	[tilespmem:$0xEFA0] =	vst v12  }
0x22: {  	v12 =	vld [tilespmem:s1+$0xED30];
	_ =	sdelay $0x4  }
0x23: {  	[tilespmem:$0xED30] =	vst v12  }
0x24: {  	v12 =	vld [tilespmem:s1+$0xF230];
	_ =	sdelay $0x4  }
0x25: {  	[tilespmem:$0xF230] =	vst v12  }
0x26: {  	v12 =	vld [tilespmem:s1+$0xEFB0];
	_ =	sdelay $0x4  }
0x27: {  	[tilespmem:$0xEFB0] =	vst v12  }
0x28: {  	v12 =	vld [tilespmem:s1+$0xED40];
	_ =	sdelay $0x4  }
0x29: {  	[tilespmem:$0xED40] =	vst v12  }
0x2a: {  	v12 =	vld [tilespmem:s1+$0xF240];
	_ =	sdelay $0x4  }
0x2b: {  	[tilespmem:$0xF240] =	vst v12  }
0x2c: {  	v12 =	vld [tilespmem:s1+$0xEFC0];
	_ =	sdelay $0x4  }
0x2d: {  	s29 =	simm.s32 $0x0;
	s2 =	rddreg [dreg:$0x5];
	s30 =	simm.s32 $0x4;
	[tilespmem:$0xEFC0] =	vst v12  }
0x2e: {  	[hbm4b:s2+s29] =	stream.linear.scatter [tilespmem:s21], [sflag:$0x4], $0xA000, $0x38;
	[tilespmem:$0x1BC80] =	vst v63  }
0x2f: {  	_ =	swait.ge [sflag:s30], $0xA000  }
0x30: {  	s5 =	rddreg [dreg:$0x7]  }
0x31: {  	s31 =	rddreg [dreg:$0x6];
	s5 =	sadd.s32 $0x1, s5  }
0x32: {  	p0 =	sne.s32 s5, s31  }
.Ltmp1:
0x33: {  	_ = 	snop;
	(pc) =	sbr.rel @!p0 .LBB2_26-.Ltmp1, $3  }
0x34: {  	_ =	sdelay $0x1  }
0x35: {  	[sflag:s30] =	ssyncset.done $0x0  }
0x36: {  	[sflag:s30] =	ssyncadd.s32 $0xFFFF6000  }
.LBB2_1:
0x37: {  	s1 =	simm.s32 $0x0;
	s2 =	simm.s32 $0x200  }
.LBB2_2:
0x38: {  	p0 =	sne.s32 s2, $0x27E00;
	[tilespmem:s1+$0x11CF0] =	vst v3  }
0x39: {  	[tilespmem:s1+$0x11C80] =	vst v3  }
0x3a: {  	[tilespmem:s1+$0x11C90] =	vst v3  }
.Ltmp2:
0x3b: {  	[tilespmem:s1+$0x11CA0] =	vst v3;
	(pc) =	sbr.rel @p0 .LBB2_2-.Ltmp2, $4  }
0x3c: {  	[tilespmem:s1+$0x11CB0] =	vst v3  }
0x3d: {  	[tilespmem:s1+$0x11CC0] =	vst v3  }
0x3e: {  	[tilespmem:s1+$0x11CD0] =	vst v3  }
0x3f: {  	[tilespmem:s1+$0x11CE0] =	vst v3;
	s1 =	sshra.s32 s2, $0x2;
	s2 =	sadd.s32 $0x200, s2  }
0x40: {  	[tilespmem:s1+$0x11CF0] =	vst v3  }
0x41: {  	[tilespmem:s1+$0x11C80] =	vst v3  }
0x42: {  	[tilespmem:s1+$0x11C90] =	vst v3  }
0x43: {  	[tilespmem:s1+$0x11CA0] =	vst v3  }
0x44: {  	[tilespmem:s1+$0x11CB0] =	vst v3  }
0x45: {  	[tilespmem:s1+$0x11CC0] =	vst v3  }
0x46: {  	[tilespmem:s1+$0x11CD0] =	vst v3  }
0x47: {  	[tilespmem:s1+$0x11CE0] =	vst v3  }
0x48: {  	[tilespmem:s25], [sflag:$0x1] =	stream.linear.gather [hbm4b:s6+s25], $0x2710, $0x38;
	[tilespmem:$0x1BC80] =	vst v63  }
.Ltmp3:
0x49: {  	_ = 	snop;
	(pc) =	sbr.rel .LBB2_4-.Ltmp3, $4  }
0x4a: {  	s30 =	simm.s32 $0x2780  }
0x4b: {  	[tilespmem:s30], [sflag:$0x1] =	stream.linear.gather [hbm4b:s3+s25], $0x2710, $0x38;
	[tilespmem:$0x1BC80] =	vst v63  }
0x4c: {  	[dreg:$0x7] =	wrdreg s5;
	s31 =	simm.s32 $0x4F00;
	s26 =	simm.s32 $0x0  }
0x4d: {  	v12 =	vimm.s32 $0x0;
	[tilespmem:s31], [sflag:$0x1] =	stream.linear.gather [hbm4b:s4+s25], $0x2710, $0x38;
	[tilespmem:$0x1BC80] =	vst v63  }
.LBB2_20:
0x4e: {  	s26 =	sadd.s32 $0x1, s26  }
0x4f: {  	p0 =	sne.s32 s26, $0x10  }
.Ltmp4:
0x50: {  	_ = 	snop;
	(pc) =	sbr.rel @!p0 .LBB2_21-.Ltmp4, $1  }
0x51: {  	_ =	sdelay $0x3  }
.LBB2_4:
0x52: {  	_ =	swait.ge [sflag:s11], $0x2710  }
0x53: {  	[sflag:s11] =	ssyncset.done $0x0  }
0x54: {  	[sflag:s11] =	ssyncadd.s32 $0xFFFFD8F0  }
0x55: {  	_ =	swait.ge [sflag:s11], $0x2710  }
0x56: {  	s28 =	smul.u32 $0x4E20, s26;
	[sflag:s11] =	ssyncset.done $0x0  }
0x57: {  	[sflag:s11] =	ssyncadd.s32 $0xFFFFD8F0  }
0x58: {  	s1 =	sshrl.u32 s28, $0x3;
	_ =	swait.ge [sflag:s11], $0x2710  }
0x59: {  	s1 =	sadd.s32 $0x4E2, s1;
	[sflag:s11] =	ssyncset.done $0x0  }
0x5a: {  	s2 =	sadd.s32 s6, s1;
	[sflag:s11] =	ssyncadd.s32 $0xFFFFD8F0  }
0x5b: {  	[tilespmem:s12], [sflag:$0x2] =	stream.linear.gather [hbm4b:s2+s25], $0x2710, $0x38;
	[tilespmem:$0x1BC80] =	vst v63  }
.Ltmp5:
0x5c: {  	s24 =	sadd.s32 s3, s1;
	(pc) =	sbr.rel .LBB2_5-.Ltmp5, $4  }
0x5d: {  	[tilespmem:s13], [sflag:$0x2] =	stream.linear.gather [hbm4b:s24+s25], $0x2710, $0x38;
	[tilespmem:$0x1BC80] =	vst v63  }
0x5e: {  	s29 =	simm.s32 $0x27A0;
	s1 =	sadd.s32 s4, s1  }
0x5f: {  	[tilespmem:s14], [sflag:$0x2] =	stream.linear.gather [hbm4b:s1+s25], $0x2710, $0x38;
	[tilespmem:$0x1BC80] =	vst v63  }
0x60: {  	s30 =	simm.s32 $0x40;
	s31 =	simm.s32 $0x4F40;
	s1 =	simm.s32 $0x0  }
.LBB2_11:
0x61: {  	s5 =	smul.u32 $0x50, s9;
	_ =	sdelay $0x1  }
0x62: {  	v12 =	vld [tilespmem:s5+$0xED00];
	_ =	sdelay $0x4  }
0x63: {  	[tilespmem:$0xED00] =	vst v12  }
0x64: {  	v12 =	vld [tilespmem:s5+$0xF200];
	_ =	sdelay $0x4  }
0x65: {  	[tilespmem:$0xF200] =	vst v12  }
0x66: {  	v12 =	vld [tilespmem:s5+$0xEF80];
	_ =	sdelay $0x4  }
0x67: {  	[tilespmem:$0xEF80] =	vst v12  }
0x68: {  	v12 =	vld [tilespmem:s5+$0xED10];
	_ =	sdelay $0x4  }
0x69: {  	[tilespmem:$0xED10] =	vst v12  }
0x6a: {  	v12 =	vld [tilespmem:s5+$0xF210];
	_ =	sdelay $0x4  }
0x6b: {  	[tilespmem:$0xF210] =	vst v12  }
0x6c: {  	v12 =	vld [tilespmem:s5+$0xEF90];
	_ =	sdelay $0x4  }
0x6d: {  	[tilespmem:$0xEF90] =	vst v12  }
0x6e: {  	v12 =	vld [tilespmem:s5+$0xED20];
	_ =	sdelay $0x4  }
0x6f: {  	[tilespmem:$0xED20] =	vst v12  }
0x70: {  	v12 =	vld [tilespmem:s5+$0xF220];
	_ =	sdelay $0x4  }
0x71: {  	[tilespmem:$0xF220] =	vst v12  }
0x72: {  	v12 =	vld [tilespmem:s5+$0xEFA0];
	_ =	sdelay $0x4  }
0x73: {  	[tilespmem:$0xEFA0] =	vst v12  }
0x74: {  	v12 =	vld [tilespmem:s5+$0xED30];
	_ =	sdelay $0x4  }
0x75: {  	[tilespmem:$0xED30] =	vst v12  }
0x76: {  	v12 =	vld [tilespmem:s5+$0xF230];
	_ =	sdelay $0x4  }
0x77: {  	[tilespmem:$0xF230] =	vst v12  }
0x78: {  	v12 =	vld [tilespmem:s5+$0xEFB0];
	_ =	sdelay $0x4  }
0x79: {  	[tilespmem:$0xEFB0] =	vst v12  }
0x7a: {  	v12 =	vld [tilespmem:s5+$0xED40];
	_ =	sdelay $0x4  }
0x7b: {  	[tilespmem:$0xED40] =	vst v12  }
0x7c: {  	v12 =	vld [tilespmem:s5+$0xF240];
	_ =	sdelay $0x4  }
0x7d: {  	s1 =	sadd.s32 $0x1, s1;
	[tilespmem:$0xF240] =	vst v12  }
0x7e: {  	p0 =	sne.s32 s1, $0x19;
	v12 =	vld [tilespmem:s5+$0xEFC0]  }
.Ltmp6:
0x7f: {  	_ = 	snop;
	(pc) =	sbr.rel @!p0 .LBB2_12-.Ltmp6, $3  }
0x80: {  	_ =	sdelay $0x1  }
0x81: {  	s2 =	ssub.s32 s2, s5  }
0x82: {  	s29 =	sadd.s32 $0x190, s29;
	s30 =	sadd.s32 $0x190, s30;
	s31 =	sadd.s32 $0x190, s31;
	[tilespmem:$0xEFC0] =	vst v12;
	v12 =	vmov s2  }
.LBB2_5:
0x83: {  	v13 =	vmov s29;
	_ =	sdelay $0x2  }
0x84: {  	s2 =	simm.s32 $0x0;
	v14 =	vmov s30;
	v15 =	vmov s31  }
.LBB2_6:
0x85: {  	s5 =	sshra.s32 s2, $0x2  }
0x86: {  	v16 =	vld.idx.msk [tilespmem:v13+s5+$0xFFFFFFE0 ss:$0x1], $0xffff;
	_ =	sdelay $0x4  }
0x87: {  	v17 =	vshrl.u32 v16, $0x6  }
0x88: {  	v17 =	vmul.u32 $0xCCCD, v17;
	_ =	sdelay $0x1  }
0x89: {  	v17 =	vshrl.u32 v17, $0x12  }
0x8a: {  	vm0 =	veq.s32 v17, v0  }
0x8b: {  	v18 =	vsel vm0, $0x1, v4  }
0x8c: {  	(xrf0) =	vadd.scan.msk.s32 $0xffff, v18;
	_ =	sdelay $0x5  }
0x8d: {  	v19, _, _ =	vpop (xrf0)  }
0x8e: {  	v18 =	vsub.s32 v19, v18  }
0x8f: {  	v43 =	vld.idx.msk [tilespmem:v14+s5+$0xFFFFFFC0 ss:$0x1], $0xffff;
	v18 =	vadd.s32 v12, v18  }
0x90: {  	v20 =	vld.idx.msk [tilespmem:v15+s5+$0xFFFFFFC0 ss:$0x1], $0xffff;
	_ =	sdelay $0x2  }
0x91: {  	v17 =	vmul.u32 $0xFFFFFEC0, v17  }
0x92: {  	[tilespmem:v18+s15+$0x0] =	vst.idx.msk vm0, v43  }
0x93: {  	v16 =	vadd.s32 v16, v17;
	[tilespmem:v18+s16+$0x0] =	vst.idx.msk vm0, v20  }
0x94: {  	[tilespmem:v18+s17+$0x0] =	vst.idx.msk vm0, v16  }
0x95: {  	v16 =	vld.idx.msk [tilespmem:v13+s5+$0xFFFFFFF0 ss:$0x1], $0xffff;
	_ =	sdelay $0x4  }
0x96: {  	v17 =	vshrl.u32 v16, $0x6  }
0x97: {  	v17 =	vmul.u32 $0xCCCD, v17;
	_ =	sdelay $0x1  }
0x98: {  	v17 =	vshrl.u32 v17, $0x12  }
0x99: {  	vm1 =	veq.s32 v17, v0  }
0x9a: {  	v44 =	vsel vm1, $0x1, v4  }
0x9b: {  	(xrf0) =	vadd.scan.msk.s32 $0xffff, v44;
	_ =	sdelay $0x4  }
0x9c: {  	v45 =	vmpcnt.ones.xlane vm0  }
0x9d: {  	v46, _, _ =	vpop (xrf0)  }
0x9e: {  	v12 =	vadd.s32 v12, v45;
	v18 =	vsub.s32 v46, v44  }
0x9f: {  	v47 =	vld.idx.msk [tilespmem:v14+s5+$0xFFFFFFD0 ss:$0x1], $0xffff;
	v18 =	vadd.s32 v12, v18  }
0xa0: {  	v48 =	vld.idx.msk [tilespmem:v15+s5+$0xFFFFFFD0 ss:$0x1], $0xffff;
	_ =	sdelay $0x2  }
0xa1: {  	v17 =	vmul.u32 $0xFFFFFEC0, v17  }
0xa2: {  	[tilespmem:v18+s15+$0x0] =	vst.idx.msk vm1, v47  }
0xa3: {  	v16 =	vadd.s32 v16, v17;
	[tilespmem:v18+s16+$0x0] =	vst.idx.msk vm1, v48  }
0xa4: {  	[tilespmem:v18+s17+$0x0] =	vst.idx.msk vm1, v16  }
0xa5: {  	v16 =	vld.idx.msk [tilespmem:v13+s5+$0x0 ss:$0x1], $0xffff;
	_ =	sdelay $0x4  }
0xa6: {  	v17 =	vshrl.u32 v16, $0x6  }
0xa7: {  	v17 =	vmul.u32 $0xCCCD, v17;
	_ =	sdelay $0x1  }
0xa8: {  	v17 =	vshrl.u32 v17, $0x12  }
0xa9: {  	vm13 =	veq.s32 v17, v0  }
0xaa: {  	v49 =	vsel vm13, $0x1, v4  }
0xab: {  	(xrf0) =	vadd.scan.msk.s32 $0xffff, v49;
	_ =	sdelay $0x4  }
0xac: {  	v50 =	vmpcnt.ones.xlane vm1  }
0xad: {  	v51, _, _ =	vpop (xrf0)  }
0xae: {  	v12 =	vadd.s32 v12, v50;
	v18 =	vsub.s32 v51, v49  }
0xaf: {  	v52 =	vld.idx.msk [tilespmem:v14+s5+$0xFFFFFFE0 ss:$0x1], $0xffff;
	v18 =	vadd.s32 v12, v18  }
0xb0: {  	v53 =	vld.idx.msk [tilespmem:v15+s5+$0xFFFFFFE0 ss:$0x1], $0xffff;
	_ =	sdelay $0x2  }
0xb1: {  	v17 =	vmul.u32 $0xFFFFFEC0, v17  }
0xb2: {  	[tilespmem:v18+s15+$0x0] =	vst.idx.msk vm13, v52  }
0xb3: {  	v16 =	vadd.s32 v16, v17;
	[tilespmem:v18+s16+$0x0] =	vst.idx.msk vm13, v53  }
0xb4: {  	[tilespmem:v18+s17+$0x0] =	vst.idx.msk vm13, v16  }
0xb5: {  	v16 =	vld.idx.msk [tilespmem:v13+s5+$0x10 ss:$0x1], $0xffff;
	_ =	sdelay $0x4  }
0xb6: {  	v17 =	vshrl.u32 v16, $0x6  }
0xb7: {  	v17 =	vmul.u32 $0xCCCD, v17;
	_ =	sdelay $0x1  }
0xb8: {  	v17 =	vshrl.u32 v17, $0x12  }
0xb9: {  	vm14 =	veq.s32 v17, v0  }
0xba: {  	v54 =	vsel vm14, $0x1, v4  }
0xbb: {  	(xrf0) =	vadd.scan.msk.s32 $0xffff, v54;
	_ =	sdelay $0x4  }
0xbc: {  	v55 =	vmpcnt.ones.xlane vm13  }
0xbd: {  	v56, _, _ =	vpop (xrf0)  }
0xbe: {  	v12 =	vadd.s32 v12, v55;
	v18 =	vsub.s32 v56, v54  }
0xbf: {  	v57 =	vld.idx.msk [tilespmem:v14+s5+$0xFFFFFFF0 ss:$0x1], $0xffff;
	v18 =	vadd.s32 v12, v18  }
0xc0: {  	v58 =	vld.idx.msk [tilespmem:v15+s5+$0xFFFFFFF0 ss:$0x1], $0xffff;
	_ =	sdelay $0x2  }
0xc1: {  	v17 =	vmul.u32 $0xFFFFFEC0, v17  }
0xc2: {  	[tilespmem:v18+s15+$0x0] =	vst.idx.msk vm14, v57  }
0xc3: {  	v16 =	vadd.s32 v16, v17;
	[tilespmem:v18+s16+$0x0] =	vst.idx.msk vm14, v58  }
0xc4: {  	[tilespmem:v18+s17+$0x0] =	vst.idx.msk vm14, v16  }
0xc5: {  	v16 =	vld.idx.msk [tilespmem:v13+s5+$0x20 ss:$0x1], $0xffff;
	_ =	sdelay $0x4  }
0xc6: {  	v17 =	vshrl.u32 v16, $0x6  }
0xc7: {  	v17 =	vmul.u32 $0xCCCD, v17;
	_ =	sdelay $0x1  }
0xc8: {  	v17 =	vshrl.u32 v17, $0x12  }
0xc9: {  	vm15 =	veq.s32 v17, v0  }
0xca: {  	v59 =	vsel vm15, $0x1, v4  }
0xcb: {  	(xrf0) =	vadd.scan.msk.s32 $0xffff, v59;
	_ =	sdelay $0x4  }
0xcc: {  	v60 =	vmpcnt.ones.xlane vm14  }
0xcd: {  	v61, _, _ =	vpop (xrf0)  }
0xce: {  	v12 =	vadd.s32 v12, v60;
	v18 =	vsub.s32 v61, v59  }
0xcf: {  	v62 =	vld.idx.msk [tilespmem:v14+s5+$0x0 ss:$0x1], $0xffff;
	v18 =	vadd.s32 v12, v18  }
0xd0: {  	v63 =	vld.idx.msk [tilespmem:v15+s5+$0x0 ss:$0x1], $0xffff  }
0xd1: {  	p0 =	sne.s32 s2, $0x500  }
.Ltmp7:
0xd2: {  	_ = 	snop;
	(pc) =	sbr.rel @p0 .LBB2_6-.Ltmp7, $4  }
0xd3: {  	v17 =	vmul.u32 $0xFFFFFEC0, v17  }
0xd4: {  	v21 =	vmpcnt.ones.xlane vm15;
	[tilespmem:v18+s15+$0x0] =	vst.idx.msk vm15, v62  }
0xd5: {  	v16 =	vadd.s32 v16, v17;
	[tilespmem:v18+s16+$0x0] =	vst.idx.msk vm15, v63  }
0xd6: {  	s2 =	sadd.s32 $0x140, s2;
	v12 =	vadd.s32 v12, v21;
	[tilespmem:v18+s17+$0x0] =	vst.idx.msk vm15, v16  }
0xd7: {  	v12 =	vxor.u32 $0x80000000, v12  }
0xd8: {  	(xrf0) =	vmax.scan.msk.u32 $0xffff, v12;
	_ =	sdelay $0x5  }
0xd9: {  	v12, _, _ =	vpop (xrf0)  }
0xda: {  	(v2sf) =	vpush v12, $0xF;
	_ =	sdelay $0xe  }
0xdb: {  	s5 =	spop (v2sf)  }
0xdc: {  	s2 =	sxor.u32 $0x80000000, s5  }
0xdd: {  	s7 =	smulhi.u32 $0x66666667, s2;
	s8 =	sshra.s32 s2, $0x1F  }
0xde: {  	s8 =	smul.u32 $0x66666667, s8;
	_ =	sdelay $0x1  }
0xdf: {  	s7 =	sadd.s32 s8, s7  }
0xe0: {  	s8 =	sshrl.u32 s7, $0x1F;
	s7 =	sshra.s32 s7, $0x5  }
0xe1: {  	s7 =	sadd.s32 s8, s7  }
0xe2: {  	s8 =	smul.u32 $0xFFFFFFB0, s7  }
0xe3: {  	p1 =	sgt.s32 s5, $0xFFFFFFFF;
	p0 =	slt.s32 s2, $0x1;
	s24 =	ssub.s32 $0x0, s2  }
0xe4: {  	p0 =	por p1, p0;
	p6 =	sne.s32 s8, s24  }
0xe5: {  	p0 =	por !p0, !p6  }
0xe6: {  	s5 =	simm.s32 $0x1;
	p0 =	por !p0, !p0  }
0xe7: {  	s5 =	simm.s32 @!p0 $0x0  }
0xe8: {  	s9 =	ssub.s32 s7, s5  }
0xe9: {  	p0 =	slt.s32 s9, $0x1  }
.Ltmp8:
0xea: {  	_ = 	snop;
	(pc) =	sbr.rel @p0 .LBB2_11-.Ltmp8, $2  }
0xeb: {  	_ =	sdelay $0x2  }
0xec: {  	s10 =	simm.s32 $0x0;
	s5 =	simm.s32 $0x0  }
.LBB2_8:
0xed: {  	s8 =	sadd.s32 $0x0, s10  }
0xee: {  	v12 =	vmov s8  }
0xef: {  	s7 =	smul.u32 $0x50, s5;
	v12 =	vand.u32 $0xFFFFFFFE, v12  }
0xf0: {  	v12 =	vbroadcast v12, $0x0  }
0xf1: {  	s7 =	sadd.s32 $0xED00, s7  }
0xf2: {  	[tilespmem:s19], [sflag:$0x3] =	stream.indirect.gather [hbm4b:s0+s18], $0x80, s7, s18, $0xb8;
	[tilespmem:$0x1BC80] =	vst v63  }
0xf3: {  	_ =	swait.ge [sflag:s20], $0x2800  }
0xf4: {  	[sflag:s20] =	ssyncset.done $0x0  }
0xf5: {  	[sflag:s20] =	ssyncadd.s32 $0xFFFFD800  }
0xf6: {  	v13 =	vld.idx.msk [tilespmem:v12+s17+$0x0], $0xffff;
	_ =	sdelay $0x1  }
0xf7: {  	s7 =	simm.s32 $0xF500  }
0xf8: {  	v14 =	vld [tilespmem:s7+$0xFFFFFF80]  }
0xf9: {  	v12 =	vld.idx.msk [tilespmem:v12+s16+$0x0], $0xffff  }
0xfa: {  	v13 =	vshll.u32 v13, $0x7  }
0xfb: {  	v15 =	vor.u32 v2, v13;
	_ =	sdelay $0x2  }
0xfc: {  	v14 =	vmul.f32 v14, v12;
	_ =	sdelay $0x1  }
0xfd: {  	[tilespmem:v15+s21+$0x0] =	vst.idx.add.f32.msk $0xffff, v14  }
0xfe: {  	v14 =	vld [tilespmem:s7+$0xFFFFFF90];
	_ =	sdelay $0x1  }
0xff: {  	v15 =	vor.u32 v5, v13;
	_ =	sdelay $0x2  }
0x100: {  	v14 =	vmul.f32 v14, v12;
	_ =	sdelay $0x1  }
0x101: {  	[tilespmem:v15+s21+$0x0] =	vst.idx.add.f32.msk $0xffff, v14  }
0x102: {  	v14 =	vld [tilespmem:s7+$0xFFFFFFA0];
	_ =	sdelay $0x1  }
0x103: {  	v15 =	vor.u32 v6, v13;
	_ =	sdelay $0x2  }
0x104: {  	v14 =	vmul.f32 v14, v12;
	_ =	sdelay $0x1  }
0x105: {  	[tilespmem:v15+s21+$0x0] =	vst.idx.add.f32.msk $0xffff, v14  }
0x106: {  	v14 =	vld [tilespmem:s7+$0xFFFFFFB0];
	_ =	sdelay $0x1  }
0x107: {  	v15 =	vor.u32 v7, v13;
	_ =	sdelay $0x2  }
0x108: {  	v14 =	vmul.f32 v14, v12;
	_ =	sdelay $0x1  }
0x109: {  	[tilespmem:v15+s21+$0x0] =	vst.idx.add.f32.msk $0xffff, v14  }
0x10a: {  	v14 =	vld [tilespmem:s7+$0xFFFFFFC0];
	_ =	sdelay $0x1  }
0x10b: {  	v15 =	vor.u32 v8, v13;
	_ =	sdelay $0x2  }
0x10c: {  	v14 =	vmul.f32 v14, v12;
	_ =	sdelay $0x1  }
0x10d: {  	[tilespmem:v15+s21+$0x0] =	vst.idx.add.f32.msk $0xffff, v14  }
0x10e: {  	v14 =	vld [tilespmem:s7+$0xFFFFFFD0];
	_ =	sdelay $0x1  }
0x10f: {  	v15 =	vor.u32 v9, v13;
	_ =	sdelay $0x2  }
0x110: {  	v14 =	vmul.f32 v14, v12;
	_ =	sdelay $0x1  }
0x111: {  	[tilespmem:v15+s21+$0x0] =	vst.idx.add.f32.msk $0xffff, v14  }
0x112: {  	v14 =	vld [tilespmem:s7+$0xFFFFFFE0];
	_ =	sdelay $0x1  }
0x113: {  	v15 =	vor.u32 v10, v13;
	_ =	sdelay $0x2  }
0x114: {  	v14 =	vmul.f32 v14, v12;
	_ =	sdelay $0x1  }
0x115: {  	[tilespmem:v15+s21+$0x0] =	vst.idx.add.f32.msk $0xffff, v14  }
0x116: {  	v14 =	vld [tilespmem:s7+$0xFFFFFFF0];
	_ =	sdelay $0x1  }
0x117: {  	s8 =	sadd.s32 $0x1, s8;
	v13 =	vor.u32 v11, v13  }
0x118: {  	v15 =	vmov s8;
	_ =	sdelay $0x1  }
0x119: {  	v12 =	vmul.f32 v14, v12;
	_ =	sdelay $0x1  }
0x11a: {  	[tilespmem:v13+s21+$0x0] =	vst.idx.add.f32.msk $0xffff, v12  }
0x11b: {  	v12 =	vld.idx.msk [tilespmem:v15+s17+$0x0], $0xffff;
	_ =	sdelay $0x2  }
0x11c: {  	v14 =	vld.idx.msk [tilespmem:v15+s16+$0x0], $0xffff  }
0x11d: {  	v13 =	vld [tilespmem:s7+$0x0]  }
0x11e: {  	v15 =	vshll.u32 v12, $0x7  }
0x11f: {  	v12 =	vor.u32 v2, v15;
	_ =	sdelay $0x2  }
0x120: {  	v13 =	vmul.f32 v13, v14;
	_ =	sdelay $0x1  }
0x121: {  	[tilespmem:v12+s21+$0x0] =	vst.idx.add.f32.msk $0xffff, v13  }
0x122: {  	v12 =	vld [tilespmem:s7+$0x10];
	_ =	sdelay $0x1  }
0x123: {  	v13 =	vor.u32 v5, v15;
	_ =	sdelay $0x2  }
0x124: {  	v12 =	vmul.f32 v12, v14;
	_ =	sdelay $0x1  }
0x125: {  	[tilespmem:v13+s21+$0x0] =	vst.idx.add.f32.msk $0xffff, v12  }
0x126: {  	v12 =	vld [tilespmem:s7+$0x20];
	_ =	sdelay $0x1  }
0x127: {  	v13 =	vor.u32 v6, v15;
	_ =	sdelay $0x2  }
0x128: {  	v12 =	vmul.f32 v12, v14;
	_ =	sdelay $0x1  }
0x129: {  	[tilespmem:v13+s21+$0x0] =	vst.idx.add.f32.msk $0xffff, v12  }
0x12a: {  	v12 =	vld [tilespmem:s7+$0x30];
	_ =	sdelay $0x1  }
0x12b: {  	v13 =	vor.u32 v7, v15;
	_ =	sdelay $0x2  }
0x12c: {  	v12 =	vmul.f32 v12, v14;
	_ =	sdelay $0x1  }
0x12d: {  	[tilespmem:v13+s21+$0x0] =	vst.idx.add.f32.msk $0xffff, v12  }
0x12e: {  	v12 =	vld [tilespmem:s7+$0x40];
	_ =	sdelay $0x1  }
0x12f: {  	v13 =	vor.u32 v8, v15;
	_ =	sdelay $0x2  }
0x130: {  	v12 =	vmul.f32 v12, v14;
	_ =	sdelay $0x1  }
0x131: {  	[tilespmem:v13+s21+$0x0] =	vst.idx.add.f32.msk $0xffff, v12  }
0x132: {  	v12 =	vld [tilespmem:s7+$0x50];
	_ =	sdelay $0x1  }
0x133: {  	v13 =	vor.u32 v9, v15;
	_ =	sdelay $0x2  }
0x134: {  	v12 =	vmul.f32 v12, v14;
	_ =	sdelay $0x1  }
0x135: {  	[tilespmem:v13+s21+$0x0] =	vst.idx.add.f32.msk $0xffff, v12  }
0x136: {  	v12 =	vld [tilespmem:s7+$0x60];
	_ =	sdelay $0x1  }
0x137: {  	v13 =	vor.u32 v10, v15;
	_ =	sdelay $0x2  }
0x138: {  	v12 =	vmul.f32 v12, v14;
	_ =	sdelay $0x1  }
0x139: {  	s23 =	sadd.s32 $0x2, s10;
	[tilespmem:v13+s21+$0x0] =	vst.idx.add.f32.msk $0xffff, v12  }
0x13a: {  	v12 =	vmov s23;
	v16 =	vld [tilespmem:s7+$0x70]  }
0x13b: {  	v12 =	vand.u32 $0xFFFFFFFE, v12  }
0x13c: {  	v13 =	vor.u32 v11, v15;
	v12 =	vbroadcast v12, $0x0;
	_ =	sdelay $0x2  }
0x13d: {  	s24 =	sadd.s32 $0x1, s23;
	s8 =	simm.s32 $0x4;
	v14 =	vmul.f32 v16, v14  }
.LBB2_9:
0x13e: {  	p0 =	sne.s32 s8, $0x4E  }
0x13f: {  	s7 =	sadd.s32 $0x100, s7;
	s23 =	smov.u32 s8;
	s8 =	sadd.s32 $0x2, s8;
	[tilespmem:v13+s21+$0x0] =	vst.idx.add.f32.msk $0xffff, v14  }
0x140: {  	v13 =	vld.idx.msk [tilespmem:v12+s17+$0x0], $0xffff;
	_ =	sdelay $0x3  }
0x141: {  	v12 =	vld.idx.msk [tilespmem:v12+s16+$0x0], $0xffff  }
0x142: {  	v14 =	vld [tilespmem:s7+$0xFFFFFF80]  }
0x143: {  	v13 =	vshll.u32 v13, $0x7  }
0x144: {  	v15 =	vor.u32 v2, v13;
	_ =	sdelay $0x2  }
0x145: {  	v14 =	vmul.f32 v14, v12;
	_ =	sdelay $0x1  }
0x146: {  	[tilespmem:v15+s21+$0x0] =	vst.idx.add.f32.msk $0xffff, v14  }
0x147: {  	v14 =	vld [tilespmem:s7+$0xFFFFFF90];
	_ =	sdelay $0x1  }
0x148: {  	v15 =	vor.u32 v5, v13;
	_ =	sdelay $0x2  }
0x149: {  	v14 =	vmul.f32 v14, v12;
	_ =	sdelay $0x1  }
0x14a: {  	[tilespmem:v15+s21+$0x0] =	vst.idx.add.f32.msk $0xffff, v14  }
0x14b: {  	v14 =	vld [tilespmem:s7+$0xFFFFFFA0];
	_ =	sdelay $0x1  }
0x14c: {  	v15 =	vor.u32 v6, v13;
	_ =	sdelay $0x2  }
0x14d: {  	v14 =	vmul.f32 v14, v12;
	_ =	sdelay $0x1  }
0x14e: {  	[tilespmem:v15+s21+$0x0] =	vst.idx.add.f32.msk $0xffff, v14  }
0x14f: {  	v14 =	vld [tilespmem:s7+$0xFFFFFFB0];
	_ =	sdelay $0x1  }
0x150: {  	v15 =	vor.u32 v7, v13;
	_ =	sdelay $0x2  }
0x151: {  	v14 =	vmul.f32 v14, v12;
	_ =	sdelay $0x1  }
0x152: {  	[tilespmem:v15+s21+$0x0] =	vst.idx.add.f32.msk $0xffff, v14  }
0x153: {  	v14 =	vld [tilespmem:s7+$0xFFFFFFC0];
	_ =	sdelay $0x1  }
0x154: {  	v15 =	vor.u32 v8, v13;
	_ =	sdelay $0x2  }
0x155: {  	v14 =	vmul.f32 v14, v12;
	_ =	sdelay $0x1  }
0x156: {  	[tilespmem:v15+s21+$0x0] =	vst.idx.add.f32.msk $0xffff, v14  }
0x157: {  	v14 =	vld [tilespmem:s7+$0xFFFFFFD0];
	_ =	sdelay $0x1  }
0x158: {  	v15 =	vor.u32 v9, v13;
	_ =	sdelay $0x2  }
0x159: {  	v14 =	vmul.f32 v14, v12;
	_ =	sdelay $0x1  }
0x15a: {  	[tilespmem:v15+s21+$0x0] =	vst.idx.add.f32.msk $0xffff, v14  }
0x15b: {  	v14 =	vld [tilespmem:s7+$0xFFFFFFE0];
	_ =	sdelay $0x1  }
0x15c: {  	v15 =	vor.u32 v10, v13;
	_ =	sdelay $0x2  }
0x15d: {  	v14 =	vmul.f32 v14, v12;
	_ =	sdelay $0x1  }
0x15e: {  	[tilespmem:v15+s21+$0x0] =	vst.idx.add.f32.msk $0xffff, v14  }
0x15f: {  	v14 =	vld [tilespmem:s7+$0xFFFFFFF0];
	_ =	sdelay $0x1  }
0x160: {  	v13 =	vor.u32 v11, v13  }
0x161: {  	v15 =	vmov s24;
	_ =	sdelay $0x1  }
0x162: {  	v12 =	vmul.f32 v14, v12;
	_ =	sdelay $0x1  }
0x163: {  	[tilespmem:v13+s21+$0x0] =	vst.idx.add.f32.msk $0xffff, v12  }
0x164: {  	v12 =	vld.idx.msk [tilespmem:v15+s17+$0x0], $0xffff;
	_ =	sdelay $0x3  }
0x165: {  	v14 =	vld.idx.msk [tilespmem:v15+s16+$0x0], $0xffff  }
0x166: {  	v13 =	vld [tilespmem:s7+$0x0]  }
0x167: {  	v15 =	vshll.u32 v12, $0x7  }
0x168: {  	v12 =	vor.u32 v2, v15;
	_ =	sdelay $0x2  }
0x169: {  	v13 =	vmul.f32 v13, v14;
	_ =	sdelay $0x1  }
0x16a: {  	[tilespmem:v12+s21+$0x0] =	vst.idx.add.f32.msk $0xffff, v13  }
0x16b: {  	v12 =	vld [tilespmem:s7+$0x10];
	_ =	sdelay $0x1  }
0x16c: {  	v13 =	vor.u32 v5, v15;
	_ =	sdelay $0x2  }
0x16d: {  	v12 =	vmul.f32 v12, v14;
	_ =	sdelay $0x1  }
0x16e: {  	[tilespmem:v13+s21+$0x0] =	vst.idx.add.f32.msk $0xffff, v12  }
0x16f: {  	v12 =	vld [tilespmem:s7+$0x20];
	_ =	sdelay $0x1  }
0x170: {  	v13 =	vor.u32 v6, v15;
	_ =	sdelay $0x2  }
0x171: {  	v12 =	vmul.f32 v12, v14;
	_ =	sdelay $0x1  }
0x172: {  	[tilespmem:v13+s21+$0x0] =	vst.idx.add.f32.msk $0xffff, v12  }
0x173: {  	v12 =	vld [tilespmem:s7+$0x30];
	_ =	sdelay $0x1  }
0x174: {  	v13 =	vor.u32 v7, v15;
	_ =	sdelay $0x2  }
0x175: {  	v12 =	vmul.f32 v12, v14;
	_ =	sdelay $0x1  }
0x176: {  	[tilespmem:v13+s21+$0x0] =	vst.idx.add.f32.msk $0xffff, v12  }
0x177: {  	v12 =	vld [tilespmem:s7+$0x40];
	_ =	sdelay $0x1  }
0x178: {  	v13 =	vor.u32 v8, v15;
	_ =	sdelay $0x2  }
0x179: {  	v12 =	vmul.f32 v12, v14;
	_ =	sdelay $0x1  }
0x17a: {  	[tilespmem:v13+s21+$0x0] =	vst.idx.add.f32.msk $0xffff, v12  }
0x17b: {  	v12 =	vld [tilespmem:s7+$0x50];
	_ =	sdelay $0x1  }
0x17c: {  	v13 =	vor.u32 v9, v15;
	_ =	sdelay $0x2  }
0x17d: {  	v12 =	vmul.f32 v12, v14;
	_ =	sdelay $0x1  }
0x17e: {  	[tilespmem:v13+s21+$0x0] =	vst.idx.add.f32.msk $0xffff, v12  }
0x17f: {  	v12 =	vld [tilespmem:s7+$0x60];
	_ =	sdelay $0x1  }
0x180: {  	v13 =	vor.u32 v10, v15;
	_ =	sdelay $0x2  }
0x181: {  	v12 =	vmul.f32 v12, v14;
	_ =	sdelay $0x1  }
0x182: {  	s23 =	sadd.s32 s23, s10;
	[tilespmem:v13+s21+$0x0] =	vst.idx.add.f32.msk $0xffff, v12  }
0x183: {  	s24 =	sadd.s32 $0x1, s23;
	v12 =	vmov s23;
	v16 =	vld [tilespmem:s7+$0x70]  }
.Ltmp9:
0x184: {  	v12 =	vand.u32 $0xFFFFFFFE, v12;
	(pc) =	sbr.rel @p0 .LBB2_9-.Ltmp9, $2  }
0x185: {  	v13 =	vor.u32 v11, v15;
	v12 =	vbroadcast v12, $0x0;
	_ =	sdelay $0x2  }
0x186: {  	v14 =	vmul.f32 v16, v14  }
0x187: {  	_ =	sdelay $0x3  }
0x188: {  	[tilespmem:v13+s21+$0x0] =	vst.idx.add.f32.msk $0xffff, v14  }
0x189: {  	v13 =	vld.idx.msk [tilespmem:v12+s17+$0x0], $0xffff;
	_ =	sdelay $0x2  }
0x18a: {  	s7 =	sadd.s32 $0x100, s7;
	v48 =	vld.idx.msk [tilespmem:v12+s16+$0x0], $0xffff  }
0x18b: {  	v14 =	vld [tilespmem:s7+$0xFFFFFF80]  }
0x18c: {  	v13 =	vshll.u32 v13, $0x7  }
0x18d: {  	v15 =	vor.u32 v2, v13;
	_ =	sdelay $0x2  }
0x18e: {  	v14 =	vmul.f32 v14, v48;
	_ =	sdelay $0x1  }
0x18f: {  	[tilespmem:v15+s21+$0x0] =	vst.idx.add.f32.msk $0xffff, v14  }
0x190: {  	v14 =	vld [tilespmem:s7+$0xFFFFFF90];
	_ =	sdelay $0x1  }
0x191: {  	v49 =	vor.u32 v5, v13;
	_ =	sdelay $0x2  }
0x192: {  	v14 =	vmul.f32 v14, v48;
	_ =	sdelay $0x1  }
0x193: {  	[tilespmem:v49+s21+$0x0] =	vst.idx.add.f32.msk $0xffff, v14  }
0x194: {  	v14 =	vld [tilespmem:s7+$0xFFFFFFA0];
	_ =	sdelay $0x1  }
0x195: {  	v50 =	vor.u32 v6, v13;
	_ =	sdelay $0x2  }
0x196: {  	v14 =	vmul.f32 v14, v48;
	_ =	sdelay $0x1  }
0x197: {  	[tilespmem:v50+s21+$0x0] =	vst.idx.add.f32.msk $0xffff, v14  }
0x198: {  	v14 =	vld [tilespmem:s7+$0xFFFFFFB0];
	_ =	sdelay $0x1  }
0x199: {  	v51 =	vor.u32 v7, v13;
	_ =	sdelay $0x2  }
0x19a: {  	v14 =	vmul.f32 v14, v48;
	_ =	sdelay $0x1  }
0x19b: {  	[tilespmem:v51+s21+$0x0] =	vst.idx.add.f32.msk $0xffff, v14  }
0x19c: {  	v14 =	vld [tilespmem:s7+$0xFFFFFFC0];
	_ =	sdelay $0x1  }
0x19d: {  	v52 =	vor.u32 v8, v13;
	_ =	sdelay $0x2  }
0x19e: {  	v14 =	vmul.f32 v14, v48;
	_ =	sdelay $0x1  }
0x19f: {  	[tilespmem:v52+s21+$0x0] =	vst.idx.add.f32.msk $0xffff, v14  }
0x1a0: {  	v14 =	vld [tilespmem:s7+$0xFFFFFFD0];
	_ =	sdelay $0x1  }
0x1a1: {  	v53 =	vor.u32 v9, v13;
	_ =	sdelay $0x2  }
0x1a2: {  	v14 =	vmul.f32 v14, v48;
	_ =	sdelay $0x1  }
0x1a3: {  	[tilespmem:v53+s21+$0x0] =	vst.idx.add.f32.msk $0xffff, v14  }
0x1a4: {  	v14 =	vld [tilespmem:s7+$0xFFFFFFE0];
	_ =	sdelay $0x1  }
0x1a5: {  	v54 =	vor.u32 v10, v13;
	_ =	sdelay $0x2  }
0x1a6: {  	v14 =	vmul.f32 v14, v48;
	_ =	sdelay $0x1  }
0x1a7: {  	[tilespmem:v54+s21+$0x0] =	vst.idx.add.f32.msk $0xffff, v14  }
0x1a8: {  	v14 =	vld [tilespmem:s7+$0xFFFFFFF0];
	_ =	sdelay $0x1  }
0x1a9: {  	v13 =	vor.u32 v11, v13  }
0x1aa: {  	v55 =	vmov s24;
	_ =	sdelay $0x1  }
0x1ab: {  	v12 =	vmul.f32 v14, v48;
	_ =	sdelay $0x1  }
0x1ac: {  	[tilespmem:v13+s21+$0x0] =	vst.idx.add.f32.msk $0xffff, v12  }
0x1ad: {  	v12 =	vld.idx.msk [tilespmem:v55+s17+$0x0], $0xffff;
	_ =	sdelay $0x2  }
0x1ae: {  	v13 =	vld.idx.msk [tilespmem:v55+s16+$0x0], $0xffff  }
0x1af: {  	v56 =	vld [tilespmem:s7+$0x0]  }
0x1b0: {  	v12 =	vshll.u32 v12, $0x7  }
0x1b1: {  	v57 =	vor.u32 v2, v12;
	_ =	sdelay $0x2  }
0x1b2: {  	v14 =	vmul.f32 v56, v13;
	_ =	sdelay $0x1  }
0x1b3: {  	[tilespmem:v57+s21+$0x0] =	vst.idx.add.f32.msk $0xffff, v14  }
0x1b4: {  	v14 =	vld [tilespmem:s7+$0x10];
	_ =	sdelay $0x1  }
0x1b5: {  	v58 =	vor.u32 v5, v12;
	_ =	sdelay $0x2  }
0x1b6: {  	v14 =	vmul.f32 v14, v13;
	_ =	sdelay $0x1  }
0x1b7: {  	[tilespmem:v58+s21+$0x0] =	vst.idx.add.f32.msk $0xffff, v14  }
0x1b8: {  	v14 =	vld [tilespmem:s7+$0x20];
	_ =	sdelay $0x1  }
0x1b9: {  	v59 =	vor.u32 v6, v12;
	_ =	sdelay $0x2  }
0x1ba: {  	v14 =	vmul.f32 v14, v13;
	_ =	sdelay $0x1  }
0x1bb: {  	[tilespmem:v59+s21+$0x0] =	vst.idx.add.f32.msk $0xffff, v14  }
0x1bc: {  	v14 =	vld [tilespmem:s7+$0x30];
	_ =	sdelay $0x1  }
0x1bd: {  	v60 =	vor.u32 v7, v12;
	_ =	sdelay $0x2  }
0x1be: {  	v14 =	vmul.f32 v14, v13;
	_ =	sdelay $0x1  }
0x1bf: {  	[tilespmem:v60+s21+$0x0] =	vst.idx.add.f32.msk $0xffff, v14  }
0x1c0: {  	v14 =	vld [tilespmem:s7+$0x40];
	_ =	sdelay $0x1  }
0x1c1: {  	v61 =	vor.u32 v8, v12;
	_ =	sdelay $0x2  }
0x1c2: {  	v14 =	vmul.f32 v14, v13;
	_ =	sdelay $0x1  }
0x1c3: {  	[tilespmem:v61+s21+$0x0] =	vst.idx.add.f32.msk $0xffff, v14  }
0x1c4: {  	v14 =	vld [tilespmem:s7+$0x50];
	_ =	sdelay $0x1  }
0x1c5: {  	v62 =	vor.u32 v9, v12;
	_ =	sdelay $0x2  }
0x1c6: {  	v14 =	vmul.f32 v14, v13;
	_ =	sdelay $0x1  }
0x1c7: {  	[tilespmem:v62+s21+$0x0] =	vst.idx.add.f32.msk $0xffff, v14  }
0x1c8: {  	v14 =	vld [tilespmem:s7+$0x60];
	_ =	sdelay $0x1  }
0x1c9: {  	v63 =	vor.u32 v10, v12;
	_ =	sdelay $0x2  }
0x1ca: {  	v14 =	vmul.f32 v14, v13;
	_ =	sdelay $0x1  }
0x1cb: {  	[tilespmem:v63+s21+$0x0] =	vst.idx.add.f32.msk $0xffff, v14  }
0x1cc: {  	v14 =	vld [tilespmem:s7+$0x70]  }
0x1cd: {  	s5 =	sadd.s32 $0x1, s5  }
0x1ce: {  	p0 =	sne.s32 s5, s9;
	v12 =	vor.u32 v11, v12  }
.Ltmp10:
0x1cf: {  	_ = 	snop;
	(pc) =	sbr.rel @p0 .LBB2_8-.Ltmp10, $4  }
.Ltmp11:
0x1d0: {  	_ = 	snop;
	(pc) =	sbr.rel @!p0 .LBB2_11-.Ltmp11, $4  }
0x1d1: {  	v13 =	vmul.f32 v14, v13  }
0x1d2: {  	_ = 	snop  }
0x1d3: {  	s10 =	sadd.s32 $0x50, s10;
	[tilespmem:v12+s21+$0x0] =	vst.idx.add.f32.msk $0xffff, v13  }
0x1d4: {  	_ = 	snop  }
.LBB2_12:
0x1d5: {  	_ =	swait.ge [sflag:s22], $0x2710  }
0x1d6: {  	[sflag:s22] =	ssyncset.done $0x0  }
0x1d7: {  	[sflag:s22] =	ssyncadd.s32 $0xFFFFD8F0  }
0x1d8: {  	_ =	swait.ge [sflag:s22], $0x2710  }
0x1d9: {  	[sflag:s22] =	ssyncset.done $0x0  }
0x1da: {  	p0 =	seq.s32 s26, $0xF;
	[sflag:s22] =	ssyncadd.s32 $0xFFFFD8F0  }
0x1db: {  	s1 =	sshrl.u32 @!p0 s28, $0x3;
	_ =	swait.ge [sflag:s22], $0x2710  }
0x1dc: {  	s1 =	sadd.s32 @!p0 $0x9C4, s1;
	[sflag:s22] =	ssyncset.done $0x0  }
0x1dd: {  	s5 =	simm.s32 @!p0 $0x0;
	s2 =	sadd.s32 @!p0 s6, s1;
	[sflag:s22] =	ssyncadd.s32 $0xFFFFD8F0  }
0x1de: {  	[tilespmem:s5], [sflag:$0x1] =	stream.linear.gather @!p0 [hbm4b:s2+s5], $0x2710, $0x38;
	[tilespmem:$0x1BC80] =	vst v63  }
.Ltmp12:
0x1df: {  	s7 =	simm.s32 @!p0 $0x2780;
	s2 =	sadd.s32 @!p0 s3, s1;
	(pc) =	sbr.rel .LBB2_13-.Ltmp12, $4  }
0x1e0: {  	[tilespmem:s7], [sflag:$0x1] =	stream.linear.gather @!p0 [hbm4b:s2+s5], $0x2710, $0x38;
	[tilespmem:$0x1BC80] =	vst v63  }
0x1e1: {  	s29 =	simm.s32 $0x9E20;
	s1 =	sadd.s32 @!p0 s4, s1;
	s2 =	simm.s32 @!p0 $0x4F00  }
0x1e2: {  	[tilespmem:s2], [sflag:$0x1] =	stream.linear.gather @!p0 [hbm4b:s1+s5], $0x2710, $0x38;
	[tilespmem:$0x1BC80] =	vst v63  }
0x1e3: {  	s30 =	simm.s32 $0x76C0;
	s28 =	simm.s32 $0x0;
	s1 =	simm.s32 $0xC5C0  }
.LBB2_19:
0x1e4: {  	s5 =	smul.u32 $0x50, s9;
	_ =	sdelay $0x1  }
0x1e5: {  	v12 =	vld [tilespmem:s5+$0xED00];
	_ =	sdelay $0x4  }
0x1e6: {  	[tilespmem:$0xED00] =	vst v12  }
0x1e7: {  	v12 =	vld [tilespmem:s5+$0xF200];
	_ =	sdelay $0x4  }
0x1e8: {  	[tilespmem:$0xF200] =	vst v12  }
0x1e9: {  	v12 =	vld [tilespmem:s5+$0xEF80];
	_ =	sdelay $0x4  }
0x1ea: {  	[tilespmem:$0xEF80] =	vst v12  }
0x1eb: {  	v12 =	vld [tilespmem:s5+$0xED10];
	_ =	sdelay $0x4  }
0x1ec: {  	[tilespmem:$0xED10] =	vst v12  }
0x1ed: {  	v12 =	vld [tilespmem:s5+$0xF210];
	_ =	sdelay $0x4  }
0x1ee: {  	[tilespmem:$0xF210] =	vst v12  }
0x1ef: {  	v12 =	vld [tilespmem:s5+$0xEF90];
	_ =	sdelay $0x4  }
0x1f0: {  	[tilespmem:$0xEF90] =	vst v12  }
0x1f1: {  	v12 =	vld [tilespmem:s5+$0xED20];
	_ =	sdelay $0x4  }
0x1f2: {  	[tilespmem:$0xED20] =	vst v12  }
0x1f3: {  	v12 =	vld [tilespmem:s5+$0xF220];
	_ =	sdelay $0x4  }
0x1f4: {  	[tilespmem:$0xF220] =	vst v12  }
0x1f5: {  	v12 =	vld [tilespmem:s5+$0xEFA0];
	_ =	sdelay $0x4  }
0x1f6: {  	[tilespmem:$0xEFA0] =	vst v12  }
0x1f7: {  	v12 =	vld [tilespmem:s5+$0xED30];
	_ =	sdelay $0x4  }
0x1f8: {  	[tilespmem:$0xED30] =	vst v12  }
0x1f9: {  	v12 =	vld [tilespmem:s5+$0xF230];
	_ =	sdelay $0x4  }
0x1fa: {  	[tilespmem:$0xF230] =	vst v12  }
0x1fb: {  	v12 =	vld [tilespmem:s5+$0xEFB0];
	_ =	sdelay $0x4  }
0x1fc: {  	[tilespmem:$0xEFB0] =	vst v12  }
0x1fd: {  	v12 =	vld [tilespmem:s5+$0xED40];
	_ =	sdelay $0x4  }
0x1fe: {  	[tilespmem:$0xED40] =	vst v12  }
0x1ff: {  	v12 =	vld [tilespmem:s5+$0xF240];
	_ =	sdelay $0x4  }
0x200: {  	s28 =	sadd.s32 $0x1, s28;
	[tilespmem:$0xF240] =	vst v12  }
0x201: {  	p0 =	sne.s32 s28, $0x19;
	v12 =	vld [tilespmem:s5+$0xEFC0]  }
.Ltmp13:
0x202: {  	_ = 	snop;
	(pc) =	sbr.rel @!p0 .LBB2_20-.Ltmp13, $3  }
0x203: {  	_ =	sdelay $0x1  }
0x204: {  	s2 =	ssub.s32 s2, s5  }
0x205: {  	s29 =	sadd.s32 $0x190, s29;
	s30 =	sadd.s32 $0x190, s30;
	s1 =	sadd.s32 $0x190, s1;
	[tilespmem:$0xEFC0] =	vst v12;
	v12 =	vmov s2  }
.LBB2_13:
0x206: {  	v13 =	vmov s29;
	_ =	sdelay $0x2  }
0x207: {  	v14 =	vmov s30;
	v15 =	vmov s1;
	s2 =	simm.s32 $0x0  }
.LBB2_14:
0x208: {  	s5 =	sshra.s32 s2, $0x2  }
0x209: {  	v16 =	vld.idx.msk [tilespmem:v13+s5+$0xFFFFFFE0 ss:$0x1], $0xffff;
	_ =	sdelay $0x4  }
0x20a: {  	v17 =	vshrl.u32 v16, $0x6  }
0x20b: {  	v17 =	vmul.u32 $0xCCCD, v17;
	_ =	sdelay $0x1  }
0x20c: {  	v17 =	vshrl.u32 v17, $0x12  }
0x20d: {  	vm0 =	veq.s32 v17, v0  }
0x20e: {  	v18 =	vsel vm0, $0x1, v4  }
0x20f: {  	(xrf0) =	vadd.scan.msk.s32 $0xffff, v18;
	_ =	sdelay $0x5  }
0x210: {  	v19, _, _ =	vpop (xrf0)  }
0x211: {  	v18 =	vsub.s32 v19, v18  }
0x212: {  	v43 =	vld.idx.msk [tilespmem:v14+s5+$0xFFFFFFC0 ss:$0x1], $0xffff;
	v18 =	vadd.s32 v12, v18  }
0x213: {  	v20 =	vld.idx.msk [tilespmem:v15+s5+$0xFFFFFFC0 ss:$0x1], $0xffff;
	_ =	sdelay $0x2  }
0x214: {  	v17 =	vmul.u32 $0xFFFFFEC0, v17  }
0x215: {  	[tilespmem:v18+s15+$0x0] =	vst.idx.msk vm0, v43  }
0x216: {  	v16 =	vadd.s32 v16, v17;
	[tilespmem:v18+s16+$0x0] =	vst.idx.msk vm0, v20  }
0x217: {  	[tilespmem:v18+s17+$0x0] =	vst.idx.msk vm0, v16  }
0x218: {  	v16 =	vld.idx.msk [tilespmem:v13+s5+$0xFFFFFFF0 ss:$0x1], $0xffff;
	_ =	sdelay $0x4  }
0x219: {  	v17 =	vshrl.u32 v16, $0x6  }
0x21a: {  	v17 =	vmul.u32 $0xCCCD, v17;
	_ =	sdelay $0x1  }
0x21b: {  	v17 =	vshrl.u32 v17, $0x12  }
0x21c: {  	vm1 =	veq.s32 v17, v0  }
0x21d: {  	v44 =	vsel vm1, $0x1, v4  }
0x21e: {  	(xrf0) =	vadd.scan.msk.s32 $0xffff, v44;
	_ =	sdelay $0x4  }
0x21f: {  	v45 =	vmpcnt.ones.xlane vm0  }
0x220: {  	v46, _, _ =	vpop (xrf0)  }
0x221: {  	v12 =	vadd.s32 v12, v45;
	v18 =	vsub.s32 v46, v44  }
0x222: {  	v47 =	vld.idx.msk [tilespmem:v14+s5+$0xFFFFFFD0 ss:$0x1], $0xffff;
	v18 =	vadd.s32 v12, v18  }
0x223: {  	v48 =	vld.idx.msk [tilespmem:v15+s5+$0xFFFFFFD0 ss:$0x1], $0xffff;
	_ =	sdelay $0x2  }
0x224: {  	v17 =	vmul.u32 $0xFFFFFEC0, v17  }
0x225: {  	[tilespmem:v18+s15+$0x0] =	vst.idx.msk vm1, v47  }
0x226: {  	v16 =	vadd.s32 v16, v17;
	[tilespmem:v18+s16+$0x0] =	vst.idx.msk vm1, v48  }
0x227: {  	[tilespmem:v18+s17+$0x0] =	vst.idx.msk vm1, v16  }
0x228: {  	v16 =	vld.idx.msk [tilespmem:v13+s5+$0x0 ss:$0x1], $0xffff;
	_ =	sdelay $0x4  }
0x229: {  	v17 =	vshrl.u32 v16, $0x6  }
0x22a: {  	v17 =	vmul.u32 $0xCCCD, v17;
	_ =	sdelay $0x1  }
0x22b: {  	v17 =	vshrl.u32 v17, $0x12  }
0x22c: {  	vm13 =	veq.s32 v17, v0  }
0x22d: {  	v49 =	vsel vm13, $0x1, v4  }
0x22e: {  	(xrf0) =	vadd.scan.msk.s32 $0xffff, v49;
	_ =	sdelay $0x4  }
0x22f: {  	v50 =	vmpcnt.ones.xlane vm1  }
0x230: {  	v51, _, _ =	vpop (xrf0)  }
0x231: {  	v12 =	vadd.s32 v12, v50;
	v18 =	vsub.s32 v51, v49  }
0x232: {  	v52 =	vld.idx.msk [tilespmem:v14+s5+$0xFFFFFFE0 ss:$0x1], $0xffff;
	v18 =	vadd.s32 v12, v18  }
0x233: {  	v53 =	vld.idx.msk [tilespmem:v15+s5+$0xFFFFFFE0 ss:$0x1], $0xffff;
	_ =	sdelay $0x2  }
0x234: {  	v17 =	vmul.u32 $0xFFFFFEC0, v17  }
0x235: {  	[tilespmem:v18+s15+$0x0] =	vst.idx.msk vm13, v52  }
0x236: {  	v16 =	vadd.s32 v16, v17;
	[tilespmem:v18+s16+$0x0] =	vst.idx.msk vm13, v53  }
0x237: {  	[tilespmem:v18+s17+$0x0] =	vst.idx.msk vm13, v16  }
0x238: {  	v16 =	vld.idx.msk [tilespmem:v13+s5+$0x10 ss:$0x1], $0xffff;
	_ =	sdelay $0x4  }
0x239: {  	v17 =	vshrl.u32 v16, $0x6  }
0x23a: {  	v17 =	vmul.u32 $0xCCCD, v17;
	_ =	sdelay $0x1  }
0x23b: {  	v17 =	vshrl.u32 v17, $0x12  }
0x23c: {  	vm14 =	veq.s32 v17, v0  }
0x23d: {  	v54 =	vsel vm14, $0x1, v4  }
0x23e: {  	(xrf0) =	vadd.scan.msk.s32 $0xffff, v54;
	_ =	sdelay $0x4  }
0x23f: {  	v55 =	vmpcnt.ones.xlane vm13  }
0x240: {  	v56, _, _ =	vpop (xrf0)  }
0x241: {  	v12 =	vadd.s32 v12, v55;
	v18 =	vsub.s32 v56, v54  }
0x242: {  	v57 =	vld.idx.msk [tilespmem:v14+s5+$0xFFFFFFF0 ss:$0x1], $0xffff;
	v18 =	vadd.s32 v12, v18  }
0x243: {  	v58 =	vld.idx.msk [tilespmem:v15+s5+$0xFFFFFFF0 ss:$0x1], $0xffff;
	_ =	sdelay $0x2  }
0x244: {  	v17 =	vmul.u32 $0xFFFFFEC0, v17  }
0x245: {  	[tilespmem:v18+s15+$0x0] =	vst.idx.msk vm14, v57  }
0x246: {  	v16 =	vadd.s32 v16, v17;
	[tilespmem:v18+s16+$0x0] =	vst.idx.msk vm14, v58  }
0x247: {  	[tilespmem:v18+s17+$0x0] =	vst.idx.msk vm14, v16  }
0x248: {  	v16 =	vld.idx.msk [tilespmem:v13+s5+$0x20 ss:$0x1], $0xffff;
	_ =	sdelay $0x4  }
0x249: {  	v17 =	vshrl.u32 v16, $0x6  }
0x24a: {  	v17 =	vmul.u32 $0xCCCD, v17;
	_ =	sdelay $0x1  }
0x24b: {  	v17 =	vshrl.u32 v17, $0x12  }
0x24c: {  	vm15 =	veq.s32 v17, v0  }
0x24d: {  	v59 =	vsel vm15, $0x1, v4  }
0x24e: {  	(xrf0) =	vadd.scan.msk.s32 $0xffff, v59;
	_ =	sdelay $0x4  }
0x24f: {  	v60 =	vmpcnt.ones.xlane vm14  }
0x250: {  	v61, _, _ =	vpop (xrf0)  }
0x251: {  	v12 =	vadd.s32 v12, v60;
	v18 =	vsub.s32 v61, v59  }
0x252: {  	v62 =	vld.idx.msk [tilespmem:v14+s5+$0x0 ss:$0x1], $0xffff;
	v18 =	vadd.s32 v12, v18  }
0x253: {  	v63 =	vld.idx.msk [tilespmem:v15+s5+$0x0 ss:$0x1], $0xffff  }
0x254: {  	p0 =	sne.s32 s2, $0x500  }
.Ltmp14:
0x255: {  	_ = 	snop;
	(pc) =	sbr.rel @p0 .LBB2_14-.Ltmp14, $4  }
0x256: {  	v17 =	vmul.u32 $0xFFFFFEC0, v17  }
0x257: {  	v21 =	vmpcnt.ones.xlane vm15;
	[tilespmem:v18+s15+$0x0] =	vst.idx.msk vm15, v62  }
0x258: {  	v16 =	vadd.s32 v16, v17;
	[tilespmem:v18+s16+$0x0] =	vst.idx.msk vm15, v63  }
0x259: {  	s2 =	sadd.s32 $0x140, s2;
	v12 =	vadd.s32 v12, v21;
	[tilespmem:v18+s17+$0x0] =	vst.idx.msk vm15, v16  }
0x25a: {  	v12 =	vxor.u32 $0x80000000, v12  }
0x25b: {  	(xrf0) =	vmax.scan.msk.u32 $0xffff, v12;
	_ =	sdelay $0x5  }
0x25c: {  	v12, _, _ =	vpop (xrf0)  }
0x25d: {  	(v2sf) =	vpush v12, $0xF;
	_ =	sdelay $0xe  }
0x25e: {  	s5 =	spop (v2sf)  }
0x25f: {  	s2 =	sxor.u32 $0x80000000, s5  }
0x260: {  	s7 =	smulhi.u32 $0x66666667, s2;
	s8 =	sshra.s32 s2, $0x1F  }
0x261: {  	s8 =	smul.u32 $0x66666667, s8;
	_ =	sdelay $0x1  }
0x262: {  	s7 =	sadd.s32 s8, s7  }
0x263: {  	s8 =	sshrl.u32 s7, $0x1F;
	s7 =	sshra.s32 s7, $0x5  }
0x264: {  	s7 =	sadd.s32 s8, s7  }
0x265: {  	s8 =	smul.u32 $0xFFFFFFB0, s7  }
0x266: {  	p1 =	sgt.s32 s5, $0xFFFFFFFF;
	p0 =	slt.s32 s2, $0x1;
	s31 =	ssub.s32 $0x0, s2  }
0x267: {  	p0 =	por p1, p0;
	p6 =	sne.s32 s8, s31  }
0x268: {  	p0 =	por !p0, !p6  }
0x269: {  	s5 =	simm.s32 $0x1;
	p0 =	por !p0, !p0  }
0x26a: {  	s5 =	simm.s32 @!p0 $0x0  }
0x26b: {  	s9 =	ssub.s32 s7, s5  }
0x26c: {  	p0 =	slt.s32 s9, $0x1  }
.Ltmp15:
0x26d: {  	_ = 	snop;
	(pc) =	sbr.rel @p0 .LBB2_19-.Ltmp15, $2  }
0x26e: {  	_ =	sdelay $0x2  }
0x26f: {  	s10 =	simm.s32 $0x0;
	s5 =	simm.s32 $0x0  }
.LBB2_16:
0x270: {  	s8 =	sadd.s32 $0x0, s10  }
0x271: {  	v12 =	vmov s8  }
0x272: {  	s7 =	smul.u32 $0x50, s5;
	v12 =	vand.u32 $0xFFFFFFFE, v12  }
0x273: {  	v12 =	vbroadcast v12, $0x0  }
0x274: {  	s7 =	sadd.s32 $0xED00, s7  }
0x275: {  	[tilespmem:s19], [sflag:$0x3] =	stream.indirect.gather [hbm4b:s0+s18], $0x80, s7, s18, $0xb8;
	[tilespmem:$0x1BC80] =	vst v63  }
0x276: {  	_ =	swait.ge [sflag:s20], $0x2800  }
0x277: {  	[sflag:s20] =	ssyncset.done $0x0  }
0x278: {  	[sflag:s20] =	ssyncadd.s32 $0xFFFFD800  }
0x279: {  	v13 =	vld.idx.msk [tilespmem:v12+s17+$0x0], $0xffff;
	_ =	sdelay $0x1  }
0x27a: {  	s7 =	simm.s32 $0xF500  }
0x27b: {  	v14 =	vld [tilespmem:s7+$0xFFFFFF80]  }
0x27c: {  	v12 =	vld.idx.msk [tilespmem:v12+s16+$0x0], $0xffff  }
0x27d: {  	v13 =	vshll.u32 v13, $0x7  }
0x27e: {  	v15 =	vor.u32 v2, v13;
	_ =	sdelay $0x2  }
0x27f: {  	v14 =	vmul.f32 v14, v12;
	_ =	sdelay $0x1  }
0x280: {  	[tilespmem:v15+s21+$0x0] =	vst.idx.add.f32.msk $0xffff, v14  }
0x281: {  	v14 =	vld [tilespmem:s7+$0xFFFFFF90];
	_ =	sdelay $0x1  }
0x282: {  	v15 =	vor.u32 v5, v13;
	_ =	sdelay $0x2  }
0x283: {  	v14 =	vmul.f32 v14, v12;
	_ =	sdelay $0x1  }
0x284: {  	[tilespmem:v15+s21+$0x0] =	vst.idx.add.f32.msk $0xffff, v14  }
0x285: {  	v14 =	vld [tilespmem:s7+$0xFFFFFFA0];
	_ =	sdelay $0x1  }
0x286: {  	v15 =	vor.u32 v6, v13;
	_ =	sdelay $0x2  }
0x287: {  	v14 =	vmul.f32 v14, v12;
	_ =	sdelay $0x1  }
0x288: {  	[tilespmem:v15+s21+$0x0] =	vst.idx.add.f32.msk $0xffff, v14  }
0x289: {  	v14 =	vld [tilespmem:s7+$0xFFFFFFB0];
	_ =	sdelay $0x1  }
0x28a: {  	v15 =	vor.u32 v7, v13;
	_ =	sdelay $0x2  }
0x28b: {  	v14 =	vmul.f32 v14, v12;
	_ =	sdelay $0x1  }
0x28c: {  	[tilespmem:v15+s21+$0x0] =	vst.idx.add.f32.msk $0xffff, v14  }
0x28d: {  	v14 =	vld [tilespmem:s7+$0xFFFFFFC0];
	_ =	sdelay $0x1  }
0x28e: {  	v15 =	vor.u32 v8, v13;
	_ =	sdelay $0x2  }
0x28f: {  	v14 =	vmul.f32 v14, v12;
	_ =	sdelay $0x1  }
0x290: {  	[tilespmem:v15+s21+$0x0] =	vst.idx.add.f32.msk $0xffff, v14  }
0x291: {  	v14 =	vld [tilespmem:s7+$0xFFFFFFD0];
	_ =	sdelay $0x1  }
0x292: {  	v15 =	vor.u32 v9, v13;
	_ =	sdelay $0x2  }
0x293: {  	v14 =	vmul.f32 v14, v12;
	_ =	sdelay $0x1  }
0x294: {  	[tilespmem:v15+s21+$0x0] =	vst.idx.add.f32.msk $0xffff, v14  }
0x295: {  	v14 =	vld [tilespmem:s7+$0xFFFFFFE0];
	_ =	sdelay $0x1  }
0x296: {  	v15 =	vor.u32 v10, v13;
	_ =	sdelay $0x2  }
0x297: {  	v14 =	vmul.f32 v14, v12;
	_ =	sdelay $0x1  }
0x298: {  	[tilespmem:v15+s21+$0x0] =	vst.idx.add.f32.msk $0xffff, v14  }
0x299: {  	v14 =	vld [tilespmem:s7+$0xFFFFFFF0];
	_ =	sdelay $0x1  }
0x29a: {  	s8 =	sadd.s32 $0x1, s8;
	v13 =	vor.u32 v11, v13  }
0x29b: {  	v15 =	vmov s8;
	_ =	sdelay $0x1  }
0x29c: {  	v12 =	vmul.f32 v14, v12;
	_ =	sdelay $0x1  }
0x29d: {  	[tilespmem:v13+s21+$0x0] =	vst.idx.add.f32.msk $0xffff, v12  }
0x29e: {  	v12 =	vld.idx.msk [tilespmem:v15+s17+$0x0], $0xffff;
	_ =	sdelay $0x2  }
0x29f: {  	v14 =	vld.idx.msk [tilespmem:v15+s16+$0x0], $0xffff  }
0x2a0: {  	v13 =	vld [tilespmem:s7+$0x0]  }
0x2a1: {  	v15 =	vshll.u32 v12, $0x7  }
0x2a2: {  	v12 =	vor.u32 v2, v15;
	_ =	sdelay $0x2  }
0x2a3: {  	v13 =	vmul.f32 v13, v14;
	_ =	sdelay $0x1  }
0x2a4: {  	[tilespmem:v12+s21+$0x0] =	vst.idx.add.f32.msk $0xffff, v13  }
0x2a5: {  	v12 =	vld [tilespmem:s7+$0x10];
	_ =	sdelay $0x1  }
0x2a6: {  	v13 =	vor.u32 v5, v15;
	_ =	sdelay $0x2  }
0x2a7: {  	v12 =	vmul.f32 v12, v14;
	_ =	sdelay $0x1  }
0x2a8: {  	[tilespmem:v13+s21+$0x0] =	vst.idx.add.f32.msk $0xffff, v12  }
0x2a9: {  	v12 =	vld [tilespmem:s7+$0x20];
	_ =	sdelay $0x1  }
0x2aa: {  	v13 =	vor.u32 v6, v15;
	_ =	sdelay $0x2  }
0x2ab: {  	v12 =	vmul.f32 v12, v14;
	_ =	sdelay $0x1  }
0x2ac: {  	[tilespmem:v13+s21+$0x0] =	vst.idx.add.f32.msk $0xffff, v12  }
0x2ad: {  	v12 =	vld [tilespmem:s7+$0x30];
	_ =	sdelay $0x1  }
0x2ae: {  	v13 =	vor.u32 v7, v15;
	_ =	sdelay $0x2  }
0x2af: {  	v12 =	vmul.f32 v12, v14;
	_ =	sdelay $0x1  }
0x2b0: {  	[tilespmem:v13+s21+$0x0] =	vst.idx.add.f32.msk $0xffff, v12  }
0x2b1: {  	v12 =	vld [tilespmem:s7+$0x40];
	_ =	sdelay $0x1  }
0x2b2: {  	v13 =	vor.u32 v8, v15;
	_ =	sdelay $0x2  }
0x2b3: {  	v12 =	vmul.f32 v12, v14;
	_ =	sdelay $0x1  }
0x2b4: {  	[tilespmem:v13+s21+$0x0] =	vst.idx.add.f32.msk $0xffff, v12  }
0x2b5: {  	v12 =	vld [tilespmem:s7+$0x50];
	_ =	sdelay $0x1  }
0x2b6: {  	v13 =	vor.u32 v9, v15;
	_ =	sdelay $0x2  }
0x2b7: {  	v12 =	vmul.f32 v12, v14;
	_ =	sdelay $0x1  }
0x2b8: {  	[tilespmem:v13+s21+$0x0] =	vst.idx.add.f32.msk $0xffff, v12  }
0x2b9: {  	v12 =	vld [tilespmem:s7+$0x60];
	_ =	sdelay $0x1  }
0x2ba: {  	v13 =	vor.u32 v10, v15;
	_ =	sdelay $0x2  }
0x2bb: {  	v12 =	vmul.f32 v12, v14;
	_ =	sdelay $0x1  }
0x2bc: {  	s23 =	sadd.s32 $0x2, s10;
	[tilespmem:v13+s21+$0x0] =	vst.idx.add.f32.msk $0xffff, v12  }
0x2bd: {  	v12 =	vmov s23;
	v16 =	vld [tilespmem:s7+$0x70]  }
0x2be: {  	v12 =	vand.u32 $0xFFFFFFFE, v12  }
0x2bf: {  	v13 =	vor.u32 v11, v15;
	v12 =	vbroadcast v12, $0x0;
	_ =	sdelay $0x2  }
0x2c0: {  	s24 =	sadd.s32 $0x1, s23;
	s8 =	simm.s32 $0x4;
	v14 =	vmul.f32 v16, v14  }
.LBB2_17:
0x2c1: {  	p0 =	sne.s32 s8, $0x4E  }
0x2c2: {  	s7 =	sadd.s32 $0x100, s7;
	s23 =	smov.u32 s8;
	s8 =	sadd.s32 $0x2, s8;
	[tilespmem:v13+s21+$0x0] =	vst.idx.add.f32.msk $0xffff, v14  }
0x2c3: {  	v13 =	vld.idx.msk [tilespmem:v12+s17+$0x0], $0xffff;
	_ =	sdelay $0x3  }
0x2c4: {  	v12 =	vld.idx.msk [tilespmem:v12+s16+$0x0], $0xffff  }
0x2c5: {  	v14 =	vld [tilespmem:s7+$0xFFFFFF80]  }
0x2c6: {  	v13 =	vshll.u32 v13, $0x7  }
0x2c7: {  	v15 =	vor.u32 v2, v13;
	_ =	sdelay $0x2  }
0x2c8: {  	v14 =	vmul.f32 v14, v12;
	_ =	sdelay $0x1  }
0x2c9: {  	[tilespmem:v15+s21+$0x0] =	vst.idx.add.f32.msk $0xffff, v14  }
0x2ca: {  	v14 =	vld [tilespmem:s7+$0xFFFFFF90];
	_ =	sdelay $0x1  }
0x2cb: {  	v15 =	vor.u32 v5, v13;
	_ =	sdelay $0x2  }
0x2cc: {  	v14 =	vmul.f32 v14, v12;
	_ =	sdelay $0x1  }
0x2cd: {  	[tilespmem:v15+s21+$0x0] =	vst.idx.add.f32.msk $0xffff, v14  }
0x2ce: {  	v14 =	vld [tilespmem:s7+$0xFFFFFFA0];
	_ =	sdelay $0x1  }
0x2cf: {  	v15 =	vor.u32 v6, v13;
	_ =	sdelay $0x2  }
0x2d0: {  	v14 =	vmul.f32 v14, v12;
	_ =	sdelay $0x1  }
0x2d1: {  	[tilespmem:v15+s21+$0x0] =	vst.idx.add.f32.msk $0xffff, v14  }
0x2d2: {  	v14 =	vld [tilespmem:s7+$0xFFFFFFB0];
	_ =	sdelay $0x1  }
0x2d3: {  	v15 =	vor.u32 v7, v13;
	_ =	sdelay $0x2  }
0x2d4: {  	v14 =	vmul.f32 v14, v12;
	_ =	sdelay $0x1  }
0x2d5: {  	[tilespmem:v15+s21+$0x0] =	vst.idx.add.f32.msk $0xffff, v14  }
0x2d6: {  	v14 =	vld [tilespmem:s7+$0xFFFFFFC0];
	_ =	sdelay $0x1  }
0x2d7: {  	v15 =	vor.u32 v8, v13;
	_ =	sdelay $0x2  }
0x2d8: {  	v14 =	vmul.f32 v14, v12;
	_ =	sdelay $0x1  }
0x2d9: {  	[tilespmem:v15+s21+$0x0] =	vst.idx.add.f32.msk $0xffff, v14  }
0x2da: {  	v14 =	vld [tilespmem:s7+$0xFFFFFFD0];
	_ =	sdelay $0x1  }
0x2db: {  	v15 =	vor.u32 v9, v13;
	_ =	sdelay $0x2  }
0x2dc: {  	v14 =	vmul.f32 v14, v12;
	_ =	sdelay $0x1  }
0x2dd: {  	[tilespmem:v15+s21+$0x0] =	vst.idx.add.f32.msk $0xffff, v14  }
0x2de: {  	v14 =	vld [tilespmem:s7+$0xFFFFFFE0];
	_ =	sdelay $0x1  }
0x2df: {  	v15 =	vor.u32 v10, v13;
	_ =	sdelay $0x2  }
0x2e0: {  	v14 =	vmul.f32 v14, v12;
	_ =	sdelay $0x1  }
0x2e1: {  	[tilespmem:v15+s21+$0x0] =	vst.idx.add.f32.msk $0xffff, v14  }
0x2e2: {  	v14 =	vld [tilespmem:s7+$0xFFFFFFF0];
	_ =	sdelay $0x1  }
0x2e3: {  	v13 =	vor.u32 v11, v13  }
0x2e4: {  	v15 =	vmov s24;
	_ =	sdelay $0x1  }
0x2e5: {  	v12 =	vmul.f32 v14, v12;
	_ =	sdelay $0x1  }
0x2e6: {  	[tilespmem:v13+s21+$0x0] =	vst.idx.add.f32.msk $0xffff, v12  }
0x2e7: {  	v12 =	vld.idx.msk [tilespmem:v15+s17+$0x0], $0xffff;
	_ =	sdelay $0x3  }
0x2e8: {  	v14 =	vld.idx.msk [tilespmem:v15+s16+$0x0], $0xffff  }
0x2e9: {  	v13 =	vld [tilespmem:s7+$0x0]  }
0x2ea: {  	v15 =	vshll.u32 v12, $0x7  }
0x2eb: {  	v12 =	vor.u32 v2, v15;
	_ =	sdelay $0x2  }
0x2ec: {  	v13 =	vmul.f32 v13, v14;
	_ =	sdelay $0x1  }
0x2ed: {  	[tilespmem:v12+s21+$0x0] =	vst.idx.add.f32.msk $0xffff, v13  }
0x2ee: {  	v12 =	vld [tilespmem:s7+$0x10];
	_ =	sdelay $0x1  }
0x2ef: {  	v13 =	vor.u32 v5, v15;
	_ =	sdelay $0x2  }
0x2f0: {  	v12 =	vmul.f32 v12, v14;
	_ =	sdelay $0x1  }
0x2f1: {  	[tilespmem:v13+s21+$0x0] =	vst.idx.add.f32.msk $0xffff, v12  }
0x2f2: {  	v12 =	vld [tilespmem:s7+$0x20];
	_ =	sdelay $0x1  }
0x2f3: {  	v13 =	vor.u32 v6, v15;
	_ =	sdelay $0x2  }
0x2f4: {  	v12 =	vmul.f32 v12, v14;
	_ =	sdelay $0x1  }
0x2f5: {  	[tilespmem:v13+s21+$0x0] =	vst.idx.add.f32.msk $0xffff, v12  }
0x2f6: {  	v12 =	vld [tilespmem:s7+$0x30];
	_ =	sdelay $0x1  }
0x2f7: {  	v13 =	vor.u32 v7, v15;
	_ =	sdelay $0x2  }
0x2f8: {  	v12 =	vmul.f32 v12, v14;
	_ =	sdelay $0x1  }
0x2f9: {  	[tilespmem:v13+s21+$0x0] =	vst.idx.add.f32.msk $0xffff, v12  }
0x2fa: {  	v12 =	vld [tilespmem:s7+$0x40];
	_ =	sdelay $0x1  }
0x2fb: {  	v13 =	vor.u32 v8, v15;
	_ =	sdelay $0x2  }
0x2fc: {  	v12 =	vmul.f32 v12, v14;
	_ =	sdelay $0x1  }
0x2fd: {  	[tilespmem:v13+s21+$0x0] =	vst.idx.add.f32.msk $0xffff, v12  }
0x2fe: {  	v12 =	vld [tilespmem:s7+$0x50];
	_ =	sdelay $0x1  }
0x2ff: {  	v13 =	vor.u32 v9, v15;
	_ =	sdelay $0x2  }
0x300: {  	v12 =	vmul.f32 v12, v14;
	_ =	sdelay $0x1  }
0x301: {  	[tilespmem:v13+s21+$0x0] =	vst.idx.add.f32.msk $0xffff, v12  }
0x302: {  	v12 =	vld [tilespmem:s7+$0x60];
	_ =	sdelay $0x1  }
0x303: {  	v13 =	vor.u32 v10, v15;
	_ =	sdelay $0x2  }
0x304: {  	v12 =	vmul.f32 v12, v14;
	_ =	sdelay $0x1  }
0x305: {  	s23 =	sadd.s32 s23, s10;
	[tilespmem:v13+s21+$0x0] =	vst.idx.add.f32.msk $0xffff, v12  }
0x306: {  	s24 =	sadd.s32 $0x1, s23;
	v12 =	vmov s23;
	v16 =	vld [tilespmem:s7+$0x70]  }
.Ltmp16:
0x307: {  	v12 =	vand.u32 $0xFFFFFFFE, v12;
	(pc) =	sbr.rel @p0 .LBB2_17-.Ltmp16, $2  }
0x308: {  	v13 =	vor.u32 v11, v15;
	v12 =	vbroadcast v12, $0x0;
	_ =	sdelay $0x2  }
0x309: {  	v14 =	vmul.f32 v16, v14  }
0x30a: {  	_ =	sdelay $0x3  }
0x30b: {  	[tilespmem:v13+s21+$0x0] =	vst.idx.add.f32.msk $0xffff, v14  }
0x30c: {  	v13 =	vld.idx.msk [tilespmem:v12+s17+$0x0], $0xffff;
	_ =	sdelay $0x2  }
0x30d: {  	s7 =	sadd.s32 $0x100, s7;
	v48 =	vld.idx.msk [tilespmem:v12+s16+$0x0], $0xffff  }
0x30e: {  	v14 =	vld [tilespmem:s7+$0xFFFFFF80]  }
0x30f: {  	v13 =	vshll.u32 v13, $0x7  }
0x310: {  	v15 =	vor.u32 v2, v13;
	_ =	sdelay $0x2  }
0x311: {  	v14 =	vmul.f32 v14, v48;
	_ =	sdelay $0x1  }
0x312: {  	[tilespmem:v15+s21+$0x0] =	vst.idx.add.f32.msk $0xffff, v14  }
0x313: {  	v14 =	vld [tilespmem:s7+$0xFFFFFF90];
	_ =	sdelay $0x1  }
0x314: {  	v49 =	vor.u32 v5, v13;
	_ =	sdelay $0x2  }
0x315: {  	v14 =	vmul.f32 v14, v48;
	_ =	sdelay $0x1  }
0x316: {  	[tilespmem:v49+s21+$0x0] =	vst.idx.add.f32.msk $0xffff, v14  }
0x317: {  	v14 =	vld [tilespmem:s7+$0xFFFFFFA0];
	_ =	sdelay $0x1  }
0x318: {  	v50 =	vor.u32 v6, v13;
	_ =	sdelay $0x2  }
0x319: {  	v14 =	vmul.f32 v14, v48;
	_ =	sdelay $0x1  }
0x31a: {  	[tilespmem:v50+s21+$0x0] =	vst.idx.add.f32.msk $0xffff, v14  }
0x31b: {  	v14 =	vld [tilespmem:s7+$0xFFFFFFB0];
	_ =	sdelay $0x1  }
0x31c: {  	v51 =	vor.u32 v7, v13;
	_ =	sdelay $0x2  }
0x31d: {  	v14 =	vmul.f32 v14, v48;
	_ =	sdelay $0x1  }
0x31e: {  	[tilespmem:v51+s21+$0x0] =	vst.idx.add.f32.msk $0xffff, v14  }
0x31f: {  	v14 =	vld [tilespmem:s7+$0xFFFFFFC0];
	_ =	sdelay $0x1  }
0x320: {  	v52 =	vor.u32 v8, v13;
	_ =	sdelay $0x2  }
0x321: {  	v14 =	vmul.f32 v14, v48;
	_ =	sdelay $0x1  }
0x322: {  	[tilespmem:v52+s21+$0x0] =	vst.idx.add.f32.msk $0xffff, v14  }
0x323: {  	v14 =	vld [tilespmem:s7+$0xFFFFFFD0];
	_ =	sdelay $0x1  }
0x324: {  	v53 =	vor.u32 v9, v13;
	_ =	sdelay $0x2  }
0x325: {  	v14 =	vmul.f32 v14, v48;
	_ =	sdelay $0x1  }
0x326: {  	[tilespmem:v53+s21+$0x0] =	vst.idx.add.f32.msk $0xffff, v14  }
0x327: {  	v14 =	vld [tilespmem:s7+$0xFFFFFFE0];
	_ =	sdelay $0x1  }
0x328: {  	v54 =	vor.u32 v10, v13;
	_ =	sdelay $0x2  }
0x329: {  	v14 =	vmul.f32 v14, v48;
	_ =	sdelay $0x1  }
0x32a: {  	[tilespmem:v54+s21+$0x0] =	vst.idx.add.f32.msk $0xffff, v14  }
0x32b: {  	v14 =	vld [tilespmem:s7+$0xFFFFFFF0];
	_ =	sdelay $0x1  }
0x32c: {  	v13 =	vor.u32 v11, v13  }
0x32d: {  	v55 =	vmov s24;
	_ =	sdelay $0x1  }
0x32e: {  	v12 =	vmul.f32 v14, v48;
	_ =	sdelay $0x1  }
0x32f: {  	[tilespmem:v13+s21+$0x0] =	vst.idx.add.f32.msk $0xffff, v12  }
0x330: {  	v12 =	vld.idx.msk [tilespmem:v55+s17+$0x0], $0xffff;
	_ =	sdelay $0x2  }
0x331: {  	v13 =	vld.idx.msk [tilespmem:v55+s16+$0x0], $0xffff  }
0x332: {  	v56 =	vld [tilespmem:s7+$0x0]  }
0x333: {  	v12 =	vshll.u32 v12, $0x7  }
0x334: {  	v57 =	vor.u32 v2, v12;
	_ =	sdelay $0x2  }
0x335: {  	v14 =	vmul.f32 v56, v13;
	_ =	sdelay $0x1  }
0x336: {  	[tilespmem:v57+s21+$0x0] =	vst.idx.add.f32.msk $0xffff, v14  }
0x337: {  	v14 =	vld [tilespmem:s7+$0x10];
	_ =	sdelay $0x1  }
0x338: {  	v58 =	vor.u32 v5, v12;
	_ =	sdelay $0x2  }
0x339: {  	v14 =	vmul.f32 v14, v13;
	_ =	sdelay $0x1  }
0x33a: {  	[tilespmem:v58+s21+$0x0] =	vst.idx.add.f32.msk $0xffff, v14  }
0x33b: {  	v14 =	vld [tilespmem:s7+$0x20];
	_ =	sdelay $0x1  }
0x33c: {  	v59 =	vor.u32 v6, v12;
	_ =	sdelay $0x2  }
0x33d: {  	v14 =	vmul.f32 v14, v13;
	_ =	sdelay $0x1  }
0x33e: {  	[tilespmem:v59+s21+$0x0] =	vst.idx.add.f32.msk $0xffff, v14  }
0x33f: {  	v14 =	vld [tilespmem:s7+$0x30];
	_ =	sdelay $0x1  }
0x340: {  	v60 =	vor.u32 v7, v12;
	_ =	sdelay $0x2  }
0x341: {  	v14 =	vmul.f32 v14, v13;
	_ =	sdelay $0x1  }
0x342: {  	[tilespmem:v60+s21+$0x0] =	vst.idx.add.f32.msk $0xffff, v14  }
0x343: {  	v14 =	vld [tilespmem:s7+$0x40];
	_ =	sdelay $0x1  }
0x344: {  	v61 =	vor.u32 v8, v12;
	_ =	sdelay $0x2  }
0x345: {  	v14 =	vmul.f32 v14, v13;
	_ =	sdelay $0x1  }
0x346: {  	[tilespmem:v61+s21+$0x0] =	vst.idx.add.f32.msk $0xffff, v14  }
0x347: {  	v14 =	vld [tilespmem:s7+$0x50];
	_ =	sdelay $0x1  }
0x348: {  	v62 =	vor.u32 v9, v12;
	_ =	sdelay $0x2  }
0x349: {  	v14 =	vmul.f32 v14, v13;
	_ =	sdelay $0x1  }
0x34a: {  	[tilespmem:v62+s21+$0x0] =	vst.idx.add.f32.msk $0xffff, v14  }
0x34b: {  	v14 =	vld [tilespmem:s7+$0x60];
	_ =	sdelay $0x1  }
0x34c: {  	v63 =	vor.u32 v10, v12;
	_ =	sdelay $0x2  }
0x34d: {  	v14 =	vmul.f32 v14, v13;
	_ =	sdelay $0x1  }
0x34e: {  	[tilespmem:v63+s21+$0x0] =	vst.idx.add.f32.msk $0xffff, v14  }
0x34f: {  	v14 =	vld [tilespmem:s7+$0x70]  }
0x350: {  	s5 =	sadd.s32 $0x1, s5  }
0x351: {  	p0 =	sne.s32 s5, s9;
	v12 =	vor.u32 v11, v12  }
.Ltmp17:
0x352: {  	_ = 	snop;
	(pc) =	sbr.rel @p0 .LBB2_16-.Ltmp17, $4  }
.Ltmp18:
0x353: {  	_ = 	snop;
	(pc) =	sbr.rel @!p0 .LBB2_19-.Ltmp18, $4  }
0x354: {  	v13 =	vmul.f32 v14, v13  }
0x355: {  	_ = 	snop  }
0x356: {  	s10 =	sadd.s32 $0x50, s10;
	[tilespmem:v12+s21+$0x0] =	vst.idx.add.f32.msk $0xffff, v13  }
0x357: {  	_ = 	snop  }
.LBB2_21:
0x358: {  	[tilespmem:$0x2780] =	vst v1  }
0x359: {  	v13 =	vld [tilespmem:$0x2780];
	_ =	sdelay $0x3  }
0x35a: {  	[tilespmem:$0x0] =	vst v4  }
0x35b: {  	v16 =	vadd.s32 v2, v12;
	v14 =	vld [tilespmem:$0x0];
	v15 =	vshrl.u32 v13, $0x6  }
0x35c: {  	v15 =	vmul.u32 $0xCCCD, v15;
	_ =	sdelay $0x1  }
0x35d: {  	v15 =	vshrl.u32 v15, $0x12  }
0x35e: {  	[tilespmem:$0x4F00] =	vst v3;
	v15 =	vmul.u32 $0xFFFFFEC0, v15  }
0x35f: {  	[tilespmem:v16+s15+$0x0] =	vst.idx.msk $0xffff, v14  }
0x360: {  	[tilespmem:v16+s16+$0x0] =	vst.idx.msk $0xffff, v3;
	v13 =	vadd.s32 v13, v15  }
0x361: {  	[tilespmem:v16+s17+$0x0] =	vst.idx.msk $0xffff, v13  }
0x362: {  	[tilespmem:$0x2790] =	vst v1  }
0x363: {  	v13 =	vld [tilespmem:$0x2790];
	_ =	sdelay $0x3  }
0x364: {  	[tilespmem:$0x10] =	vst v4  }
0x365: {  	v55 =	vadd.s32 v5, v12;
	v14 =	vld [tilespmem:$0x10];
	v54 =	vshrl.u32 v13, $0x6  }
0x366: {  	v15 =	vmul.u32 $0xCCCD, v54;
	_ =	sdelay $0x1  }
0x367: {  	v15 =	vshrl.u32 v15, $0x12  }
0x368: {  	[tilespmem:$0x4F10] =	vst v3;
	v15 =	vmul.u32 $0xFFFFFEC0, v15  }
0x369: {  	[tilespmem:v55+s15+$0x0] =	vst.idx.msk $0xffff, v14  }
0x36a: {  	v56 =	vadd.s32 $0x80000050, v12;
	[tilespmem:v55+s16+$0x0] =	vst.idx.msk $0xffff, v3;
	v13 =	vadd.s32 v13, v15  }
0x36b: {  	(xrf0) =	vmax.scan.msk.u32 $0xffff, v56;
	[tilespmem:v55+s17+$0x0] =	vst.idx.msk $0xffff, v13  }
0x36c: {  	[tilespmem:$0x27A0] =	vst v1  }
0x36d: {  	v13 =	vld [tilespmem:$0x27A0];
	_ =	sdelay $0x3  }
0x36e: {  	v17, _, _ =	vpop (xrf0);
	[tilespmem:$0x20] =	vst v4  }
0x36f: {  	v59 =	vadd.s32 v6, v12;
	(v2sf) =	vpush v17, $0xF;
	v57 =	vld [tilespmem:$0x20];
	v58 =	vshrl.u32 v13, $0x6  }
0x370: {  	v15 =	vmul.u32 $0xCCCD, v58;
	_ =	sdelay $0x1  }
0x371: {  	v15 =	vshrl.u32 v15, $0x12  }
0x372: {  	[tilespmem:$0x4F20] =	vst v3;
	v15 =	vmul.u32 $0xFFFFFEC0, v15  }
0x373: {  	[tilespmem:v59+s15+$0x0] =	vst.idx.msk $0xffff, v57  }
0x374: {  	[tilespmem:v59+s16+$0x0] =	vst.idx.msk $0xffff, v3;
	v13 =	vadd.s32 v13, v15  }
0x375: {  	[tilespmem:v59+s17+$0x0] =	vst.idx.msk $0xffff, v13  }
0x376: {  	[tilespmem:$0x27B0] =	vst v1  }
0x377: {  	v13 =	vld [tilespmem:$0x27B0];
	_ =	sdelay $0x3  }
0x378: {  	[tilespmem:$0x30] =	vst v4  }
0x379: {  	v61 =	vadd.s32 v7, v12;
	v14 =	vld [tilespmem:$0x30];
	v60 =	vshrl.u32 v13, $0x6  }
0x37a: {  	s1 =	spop (v2sf);
	v15 =	vmul.u32 $0xCCCD, v60  }
0x37b: {  	s2 =	sxor.u32 $0x80000000, s1  }
0x37c: {  	s5 =	smulhi.u32 $0x66666667, s2;
	s7 =	sshra.s32 s2, $0x1F;
	v15 =	vshrl.u32 v15, $0x12  }
0x37d: {  	s7 =	smul.u32 $0x66666667, s7;
	[tilespmem:$0x4F30] =	vst v3;
	v15 =	vmul.u32 $0xFFFFFEC0, v15  }
0x37e: {  	[tilespmem:v61+s15+$0x0] =	vst.idx.msk $0xffff, v14  }
0x37f: {  	s5 =	sadd.s32 s7, s5;
	[tilespmem:v61+s16+$0x0] =	vst.idx.msk $0xffff, v3;
	v13 =	vadd.s32 v13, v15  }
0x380: {  	s7 =	sshrl.u32 s5, $0x1F;
	s5 =	sshra.s32 s5, $0x5;
	[tilespmem:v61+s17+$0x0] =	vst.idx.msk $0xffff, v13  }
0x381: {  	s5 =	sadd.s32 s7, s5;
	[tilespmem:$0x27C0] =	vst v1  }
0x382: {  	s7 =	smul.u32 $0xFFFFFFB0, s5;
	v13 =	vld [tilespmem:$0x27C0]  }
0x383: {  	p1 =	sgt.s32 s1, $0xFFFFFFFF;
	p0 =	slt.s32 s2, $0x1;
	s31 =	ssub.s32 $0x0, s2  }
0x384: {  	p0 =	por p1, p0;
	p6 =	sne.s32 s7, s31  }
0x385: {  	p0 =	por !p0, !p6  }
0x386: {  	s1 =	simm.s32 $0x1;
	p0 =	por !p0, !p0;
	[tilespmem:$0x40] =	vst v4  }
0x387: {  	v63 =	vadd.s32 v8, v12;
	s1 =	simm.s32 @!p0 $0x0;
	v14 =	vld [tilespmem:$0x40];
	v62 =	vshrl.u32 v13, $0x6  }
0x388: {  	s1 =	ssub.s32 s5, s1;
	v15 =	vmul.u32 $0xCCCD, v62  }
0x389: {  	p0 =	slt.s32 s1, $0x1  }
.Ltmp19:
0x38a: {  	v15 =	vshrl.u32 v15, $0x12;
	(pc) =	sbr.rel @p0 .LBB2_25-.Ltmp19, $4  }
0x38b: {  	[tilespmem:$0x4F40] =	vst v3;
	v15 =	vmul.u32 $0xFFFFFEC0, v15  }
0x38c: {  	[tilespmem:v63+s15+$0x0] =	vst.idx.msk $0xffff, v14  }
0x38d: {  	[tilespmem:v63+s16+$0x0] =	vst.idx.msk $0xffff, v3;
	v13 =	vadd.s32 v13, v15  }
0x38e: {  	s2 =	simm.s32 $0x0;
	s5 =	simm.s32 $0x0;
	[tilespmem:v63+s17+$0x0] =	vst.idx.msk $0xffff, v13  }
.LBB2_22:
0x38f: {  	s8 =	sadd.s32 $0x0, s2  }
0x390: {  	v12 =	vmov s8  }
0x391: {  	s7 =	smul.u32 $0x50, s5;
	v12 =	vand.u32 $0xFFFFFFFE, v12  }
0x392: {  	v12 =	vbroadcast v12, $0x0  }
0x393: {  	s7 =	sadd.s32 $0xED00, s7  }
0x394: {  	[tilespmem:s19], [sflag:$0x3] =	stream.indirect.gather [hbm4b:s0+s18], $0x80, s7, s18, $0xb8;
	[tilespmem:$0x1BC80] =	vst v63  }
0x395: {  	_ =	swait.ge [sflag:s20], $0x2800  }
0x396: {  	[sflag:s20] =	ssyncset.done $0x0  }
0x397: {  	[sflag:s20] =	ssyncadd.s32 $0xFFFFD800  }
0x398: {  	v13 =	vld.idx.msk [tilespmem:v12+s17+$0x0], $0xffff;
	_ =	sdelay $0x1  }
0x399: {  	s7 =	simm.s32 $0xF500  }
0x39a: {  	v14 =	vld [tilespmem:s7+$0xFFFFFF80]  }
0x39b: {  	v12 =	vld.idx.msk [tilespmem:v12+s16+$0x0], $0xffff  }
0x39c: {  	v13 =	vshll.u32 v13, $0x7  }
0x39d: {  	v15 =	vor.u32 v2, v13;
	_ =	sdelay $0x2  }
0x39e: {  	v14 =	vmul.f32 v14, v12;
	_ =	sdelay $0x1  }
0x39f: {  	[tilespmem:v15+s21+$0x0] =	vst.idx.add.f32.msk $0xffff, v14  }
0x3a0: {  	v14 =	vld [tilespmem:s7+$0xFFFFFF90];
	_ =	sdelay $0x1  }
0x3a1: {  	v15 =	vor.u32 v5, v13;
	_ =	sdelay $0x2  }
0x3a2: {  	v14 =	vmul.f32 v14, v12;
	_ =	sdelay $0x1  }
0x3a3: {  	[tilespmem:v15+s21+$0x0] =	vst.idx.add.f32.msk $0xffff, v14  }
0x3a4: {  	v14 =	vld [tilespmem:s7+$0xFFFFFFA0];
	_ =	sdelay $0x1  }
0x3a5: {  	v15 =	vor.u32 v6, v13;
	_ =	sdelay $0x2  }
0x3a6: {  	v14 =	vmul.f32 v14, v12;
	_ =	sdelay $0x1  }
0x3a7: {  	[tilespmem:v15+s21+$0x0] =	vst.idx.add.f32.msk $0xffff, v14  }
0x3a8: {  	v14 =	vld [tilespmem:s7+$0xFFFFFFB0];
	_ =	sdelay $0x1  }
0x3a9: {  	v15 =	vor.u32 v7, v13;
	_ =	sdelay $0x2  }
0x3aa: {  	v14 =	vmul.f32 v14, v12;
	_ =	sdelay $0x1  }
0x3ab: {  	[tilespmem:v15+s21+$0x0] =	vst.idx.add.f32.msk $0xffff, v14  }
0x3ac: {  	v14 =	vld [tilespmem:s7+$0xFFFFFFC0];
	_ =	sdelay $0x1  }
0x3ad: {  	v15 =	vor.u32 v8, v13;
	_ =	sdelay $0x2  }
0x3ae: {  	v14 =	vmul.f32 v14, v12;
	_ =	sdelay $0x1  }
0x3af: {  	[tilespmem:v15+s21+$0x0] =	vst.idx.add.f32.msk $0xffff, v14  }
0x3b0: {  	v14 =	vld [tilespmem:s7+$0xFFFFFFD0];
	_ =	sdelay $0x1  }
0x3b1: {  	v15 =	vor.u32 v9, v13;
	_ =	sdelay $0x2  }
0x3b2: {  	v14 =	vmul.f32 v14, v12;
	_ =	sdelay $0x1  }
0x3b3: {  	[tilespmem:v15+s21+$0x0] =	vst.idx.add.f32.msk $0xffff, v14  }
0x3b4: {  	v14 =	vld [tilespmem:s7+$0xFFFFFFE0];
	_ =	sdelay $0x1  }
0x3b5: {  	v15 =	vor.u32 v10, v13;
	_ =	sdelay $0x2  }
0x3b6: {  	v14 =	vmul.f32 v14, v12;
	_ =	sdelay $0x1  }
0x3b7: {  	[tilespmem:v15+s21+$0x0] =	vst.idx.add.f32.msk $0xffff, v14  }
0x3b8: {  	v14 =	vld [tilespmem:s7+$0xFFFFFFF0];
	_ =	sdelay $0x1  }
0x3b9: {  	s8 =	sadd.s32 $0x1, s8;
	v13 =	vor.u32 v11, v13  }
0x3ba: {  	v15 =	vmov s8;
	_ =	sdelay $0x1  }
0x3bb: {  	v12 =	vmul.f32 v14, v12;
	_ =	sdelay $0x1  }
0x3bc: {  	[tilespmem:v13+s21+$0x0] =	vst.idx.add.f32.msk $0xffff, v12  }
0x3bd: {  	v12 =	vld.idx.msk [tilespmem:v15+s17+$0x0], $0xffff;
	_ =	sdelay $0x2  }
0x3be: {  	v14 =	vld.idx.msk [tilespmem:v15+s16+$0x0], $0xffff  }
0x3bf: {  	v13 =	vld [tilespmem:s7+$0x0]  }
0x3c0: {  	v15 =	vshll.u32 v12, $0x7  }
0x3c1: {  	v12 =	vor.u32 v2, v15;
	_ =	sdelay $0x2  }
0x3c2: {  	v13 =	vmul.f32 v13, v14;
	_ =	sdelay $0x1  }
0x3c3: {  	[tilespmem:v12+s21+$0x0] =	vst.idx.add.f32.msk $0xffff, v13  }
0x3c4: {  	v12 =	vld [tilespmem:s7+$0x10];
	_ =	sdelay $0x1  }
0x3c5: {  	v13 =	vor.u32 v5, v15;
	_ =	sdelay $0x2  }
0x3c6: {  	v12 =	vmul.f32 v12, v14;
	_ =	sdelay $0x1  }
0x3c7: {  	[tilespmem:v13+s21+$0x0] =	vst.idx.add.f32.msk $0xffff, v12  }
0x3c8: {  	v12 =	vld [tilespmem:s7+$0x20];
	_ =	sdelay $0x1  }
0x3c9: {  	v13 =	vor.u32 v6, v15;
	_ =	sdelay $0x2  }
0x3ca: {  	v12 =	vmul.f32 v12, v14;
	_ =	sdelay $0x1  }
0x3cb: {  	[tilespmem:v13+s21+$0x0] =	vst.idx.add.f32.msk $0xffff, v12  }
0x3cc: {  	v12 =	vld [tilespmem:s7+$0x30];
	_ =	sdelay $0x1  }
0x3cd: {  	v13 =	vor.u32 v7, v15;
	_ =	sdelay $0x2  }
0x3ce: {  	v12 =	vmul.f32 v12, v14;
	_ =	sdelay $0x1  }
0x3cf: {  	[tilespmem:v13+s21+$0x0] =	vst.idx.add.f32.msk $0xffff, v12  }
0x3d0: {  	v12 =	vld [tilespmem:s7+$0x40];
	_ =	sdelay $0x1  }
0x3d1: {  	v13 =	vor.u32 v8, v15;
	_ =	sdelay $0x2  }
0x3d2: {  	v12 =	vmul.f32 v12, v14;
	_ =	sdelay $0x1  }
0x3d3: {  	[tilespmem:v13+s21+$0x0] =	vst.idx.add.f32.msk $0xffff, v12  }
0x3d4: {  	v12 =	vld [tilespmem:s7+$0x50];
	_ =	sdelay $0x1  }
0x3d5: {  	v13 =	vor.u32 v9, v15;
	_ =	sdelay $0x2  }
0x3d6: {  	v12 =	vmul.f32 v12, v14;
	_ =	sdelay $0x1  }
0x3d7: {  	[tilespmem:v13+s21+$0x0] =	vst.idx.add.f32.msk $0xffff, v12  }
0x3d8: {  	v12 =	vld [tilespmem:s7+$0x60];
	_ =	sdelay $0x1  }
0x3d9: {  	v13 =	vor.u32 v10, v15;
	_ =	sdelay $0x2  }
0x3da: {  	v12 =	vmul.f32 v12, v14;
	_ =	sdelay $0x1  }
0x3db: {  	s9 =	sadd.s32 $0x2, s2;
	[tilespmem:v13+s21+$0x0] =	vst.idx.add.f32.msk $0xffff, v12  }
0x3dc: {  	v12 =	vmov s9;
	v16 =	vld [tilespmem:s7+$0x70]  }
0x3dd: {  	v12 =	vand.u32 $0xFFFFFFFE, v12  }
0x3de: {  	v13 =	vor.u32 v11, v15;
	v12 =	vbroadcast v12, $0x0;
	_ =	sdelay $0x2  }
0x3df: {  	s10 =	sadd.s32 $0x1, s9;
	s8 =	simm.s32 $0x4;
	v14 =	vmul.f32 v16, v14  }
.LBB2_23:
0x3e0: {  	p0 =	sne.s32 s8, $0x4E  }
0x3e1: {  	s7 =	sadd.s32 $0x100, s7;
	s9 =	smov.u32 s8;
	s8 =	sadd.s32 $0x2, s8;
	[tilespmem:v13+s21+$0x0] =	vst.idx.add.f32.msk $0xffff, v14  }
0x3e2: {  	v13 =	vld.idx.msk [tilespmem:v12+s17+$0x0], $0xffff;
	_ =	sdelay $0x3  }
0x3e3: {  	v12 =	vld.idx.msk [tilespmem:v12+s16+$0x0], $0xffff  }
0x3e4: {  	v14 =	vld [tilespmem:s7+$0xFFFFFF80]  }
0x3e5: {  	v13 =	vshll.u32 v13, $0x7  }
0x3e6: {  	v15 =	vor.u32 v2, v13;
	_ =	sdelay $0x2  }
0x3e7: {  	v14 =	vmul.f32 v14, v12;
	_ =	sdelay $0x1  }
0x3e8: {  	[tilespmem:v15+s21+$0x0] =	vst.idx.add.f32.msk $0xffff, v14  }
0x3e9: {  	v14 =	vld [tilespmem:s7+$0xFFFFFF90];
	_ =	sdelay $0x1  }
0x3ea: {  	v15 =	vor.u32 v5, v13;
	_ =	sdelay $0x2  }
0x3eb: {  	v14 =	vmul.f32 v14, v12;
	_ =	sdelay $0x1  }
0x3ec: {  	[tilespmem:v15+s21+$0x0] =	vst.idx.add.f32.msk $0xffff, v14  }
0x3ed: {  	v14 =	vld [tilespmem:s7+$0xFFFFFFA0];
	_ =	sdelay $0x1  }
0x3ee: {  	v15 =	vor.u32 v6, v13;
	_ =	sdelay $0x2  }
0x3ef: {  	v14 =	vmul.f32 v14, v12;
	_ =	sdelay $0x1  }
0x3f0: {  	[tilespmem:v15+s21+$0x0] =	vst.idx.add.f32.msk $0xffff, v14  }
0x3f1: {  	v14 =	vld [tilespmem:s7+$0xFFFFFFB0];
	_ =	sdelay $0x1  }
0x3f2: {  	v15 =	vor.u32 v7, v13;
	_ =	sdelay $0x2  }
0x3f3: {  	v14 =	vmul.f32 v14, v12;
	_ =	sdelay $0x1  }
0x3f4: {  	[tilespmem:v15+s21+$0x0] =	vst.idx.add.f32.msk $0xffff, v14  }
0x3f5: {  	v14 =	vld [tilespmem:s7+$0xFFFFFFC0];
	_ =	sdelay $0x1  }
0x3f6: {  	v15 =	vor.u32 v8, v13;
	_ =	sdelay $0x2  }
0x3f7: {  	v14 =	vmul.f32 v14, v12;
	_ =	sdelay $0x1  }
0x3f8: {  	[tilespmem:v15+s21+$0x0] =	vst.idx.add.f32.msk $0xffff, v14  }
0x3f9: {  	v14 =	vld [tilespmem:s7+$0xFFFFFFD0];
	_ =	sdelay $0x1  }
0x3fa: {  	v15 =	vor.u32 v9, v13;
	_ =	sdelay $0x2  }
0x3fb: {  	v14 =	vmul.f32 v14, v12;
	_ =	sdelay $0x1  }
0x3fc: {  	[tilespmem:v15+s21+$0x0] =	vst.idx.add.f32.msk $0xffff, v14  }
0x3fd: {  	v14 =	vld [tilespmem:s7+$0xFFFFFFE0];
	_ =	sdelay $0x1  }
0x3fe: {  	v15 =	vor.u32 v10, v13;
	_ =	sdelay $0x2  }
0x3ff: {  	v14 =	vmul.f32 v14, v12;
	_ =	sdelay $0x1  }
0x400: {  	[tilespmem:v15+s21+$0x0] =	vst.idx.add.f32.msk $0xffff, v14  }
0x401: {  	v14 =	vld [tilespmem:s7+$0xFFFFFFF0];
	_ =	sdelay $0x1  }
0x402: {  	v13 =	vor.u32 v11, v13  }
0x403: {  	v15 =	vmov s10;
	_ =	sdelay $0x1  }
0x404: {  	v12 =	vmul.f32 v14, v12;
	_ =	sdelay $0x1  }
0x405: {  	[tilespmem:v13+s21+$0x0] =	vst.idx.add.f32.msk $0xffff, v12  }
0x406: {  	v12 =	vld.idx.msk [tilespmem:v15+s17+$0x0], $0xffff;
	_ =	sdelay $0x3  }
0x407: {  	v14 =	vld.idx.msk [tilespmem:v15+s16+$0x0], $0xffff  }
0x408: {  	v13 =	vld [tilespmem:s7+$0x0]  }
0x409: {  	v15 =	vshll.u32 v12, $0x7  }
0x40a: {  	v12 =	vor.u32 v2, v15;
	_ =	sdelay $0x2  }
0x40b: {  	v13 =	vmul.f32 v13, v14;
	_ =	sdelay $0x1  }
0x40c: {  	[tilespmem:v12+s21+$0x0] =	vst.idx.add.f32.msk $0xffff, v13  }
0x40d: {  	v12 =	vld [tilespmem:s7+$0x10];
	_ =	sdelay $0x1  }
0x40e: {  	v13 =	vor.u32 v5, v15;
	_ =	sdelay $0x2  }
0x40f: {  	v12 =	vmul.f32 v12, v14;
	_ =	sdelay $0x1  }
0x410: {  	[tilespmem:v13+s21+$0x0] =	vst.idx.add.f32.msk $0xffff, v12  }
0x411: {  	v12 =	vld [tilespmem:s7+$0x20];
	_ =	sdelay $0x1  }
0x412: {  	v13 =	vor.u32 v6, v15;
	_ =	sdelay $0x2  }
0x413: {  	v12 =	vmul.f32 v12, v14;
	_ =	sdelay $0x1  }
0x414: {  	[tilespmem:v13+s21+$0x0] =	vst.idx.add.f32.msk $0xffff, v12  }
0x415: {  	v12 =	vld [tilespmem:s7+$0x30];
	_ =	sdelay $0x1  }
0x416: {  	v13 =	vor.u32 v7, v15;
	_ =	sdelay $0x2  }
0x417: {  	v12 =	vmul.f32 v12, v14;
	_ =	sdelay $0x1  }
0x418: {  	[tilespmem:v13+s21+$0x0] =	vst.idx.add.f32.msk $0xffff, v12  }
0x419: {  	v12 =	vld [tilespmem:s7+$0x40];
	_ =	sdelay $0x1  }
0x41a: {  	v13 =	vor.u32 v8, v15;
	_ =	sdelay $0x2  }
0x41b: {  	v12 =	vmul.f32 v12, v14;
	_ =	sdelay $0x1  }
0x41c: {  	[tilespmem:v13+s21+$0x0] =	vst.idx.add.f32.msk $0xffff, v12  }
0x41d: {  	v12 =	vld [tilespmem:s7+$0x50];
	_ =	sdelay $0x1  }
0x41e: {  	v13 =	vor.u32 v9, v15;
	_ =	sdelay $0x2  }
0x41f: {  	v12 =	vmul.f32 v12, v14;
	_ =	sdelay $0x1  }
0x420: {  	[tilespmem:v13+s21+$0x0] =	vst.idx.add.f32.msk $0xffff, v12  }
0x421: {  	v12 =	vld [tilespmem:s7+$0x60];
	_ =	sdelay $0x1  }
0x422: {  	v13 =	vor.u32 v10, v15;
	_ =	sdelay $0x2  }
0x423: {  	v12 =	vmul.f32 v12, v14;
	_ =	sdelay $0x1  }
0x424: {  	s9 =	sadd.s32 s9, s2;
	[tilespmem:v13+s21+$0x0] =	vst.idx.add.f32.msk $0xffff, v12  }
0x425: {  	s10 =	sadd.s32 $0x1, s9;
	v12 =	vmov s9;
	v16 =	vld [tilespmem:s7+$0x70]  }
.Ltmp20:
0x426: {  	v12 =	vand.u32 $0xFFFFFFFE, v12;
	(pc) =	sbr.rel @p0 .LBB2_23-.Ltmp20, $2  }
0x427: {  	v13 =	vor.u32 v11, v15;
	v12 =	vbroadcast v12, $0x0;
	_ =	sdelay $0x2  }
0x428: {  	v14 =	vmul.f32 v16, v14  }
0x429: {  	_ =	sdelay $0x3  }
0x42a: {  	[tilespmem:v13+s21+$0x0] =	vst.idx.add.f32.msk $0xffff, v14  }
0x42b: {  	v13 =	vld.idx.msk [tilespmem:v12+s17+$0x0], $0xffff;
	_ =	sdelay $0x2  }
0x42c: {  	s7 =	sadd.s32 $0x100, s7;
	v48 =	vld.idx.msk [tilespmem:v12+s16+$0x0], $0xffff  }
0x42d: {  	v14 =	vld [tilespmem:s7+$0xFFFFFF80]  }
0x42e: {  	v13 =	vshll.u32 v13, $0x7  }
0x42f: {  	v15 =	vor.u32 v2, v13;
	_ =	sdelay $0x2  }
0x430: {  	v14 =	vmul.f32 v14, v48;
	_ =	sdelay $0x1  }
0x431: {  	[tilespmem:v15+s21+$0x0] =	vst.idx.add.f32.msk $0xffff, v14  }
0x432: {  	v14 =	vld [tilespmem:s7+$0xFFFFFF90];
	_ =	sdelay $0x1  }
0x433: {  	v49 =	vor.u32 v5, v13;
	_ =	sdelay $0x2  }
0x434: {  	v14 =	vmul.f32 v14, v48;
	_ =	sdelay $0x1  }
0x435: {  	[tilespmem:v49+s21+$0x0] =	vst.idx.add.f32.msk $0xffff, v14  }
0x436: {  	v14 =	vld [tilespmem:s7+$0xFFFFFFA0];
	_ =	sdelay $0x1  }
0x437: {  	v50 =	vor.u32 v6, v13;
	_ =	sdelay $0x2  }
0x438: {  	v14 =	vmul.f32 v14, v48;
	_ =	sdelay $0x1  }
0x439: {  	[tilespmem:v50+s21+$0x0] =	vst.idx.add.f32.msk $0xffff, v14  }
0x43a: {  	v14 =	vld [tilespmem:s7+$0xFFFFFFB0];
	_ =	sdelay $0x1  }
0x43b: {  	v51 =	vor.u32 v7, v13;
	_ =	sdelay $0x2  }
0x43c: {  	v14 =	vmul.f32 v14, v48;
	_ =	sdelay $0x1  }
0x43d: {  	[tilespmem:v51+s21+$0x0] =	vst.idx.add.f32.msk $0xffff, v14  }
0x43e: {  	v14 =	vld [tilespmem:s7+$0xFFFFFFC0];
	_ =	sdelay $0x1  }
0x43f: {  	v52 =	vor.u32 v8, v13;
	_ =	sdelay $0x2  }
0x440: {  	v14 =	vmul.f32 v14, v48;
	_ =	sdelay $0x1  }
0x441: {  	[tilespmem:v52+s21+$0x0] =	vst.idx.add.f32.msk $0xffff, v14  }
0x442: {  	v14 =	vld [tilespmem:s7+$0xFFFFFFD0];
	_ =	sdelay $0x1  }
0x443: {  	v53 =	vor.u32 v9, v13;
	_ =	sdelay $0x2  }
0x444: {  	v14 =	vmul.f32 v14, v48;
	_ =	sdelay $0x1  }
0x445: {  	[tilespmem:v53+s21+$0x0] =	vst.idx.add.f32.msk $0xffff, v14  }
0x446: {  	v14 =	vld [tilespmem:s7+$0xFFFFFFE0];
	_ =	sdelay $0x1  }
0x447: {  	v54 =	vor.u32 v10, v13;
	_ =	sdelay $0x2  }
0x448: {  	v14 =	vmul.f32 v14, v48;
	_ =	sdelay $0x1  }
0x449: {  	[tilespmem:v54+s21+$0x0] =	vst.idx.add.f32.msk $0xffff, v14  }
0x44a: {  	v14 =	vld [tilespmem:s7+$0xFFFFFFF0];
	_ =	sdelay $0x1  }
0x44b: {  	v13 =	vor.u32 v11, v13  }
0x44c: {  	v55 =	vmov s10;
	_ =	sdelay $0x1  }
0x44d: {  	v12 =	vmul.f32 v14, v48;
	_ =	sdelay $0x1  }
0x44e: {  	[tilespmem:v13+s21+$0x0] =	vst.idx.add.f32.msk $0xffff, v12  }
0x44f: {  	v12 =	vld.idx.msk [tilespmem:v55+s17+$0x0], $0xffff;
	_ =	sdelay $0x2  }
0x450: {  	v13 =	vld.idx.msk [tilespmem:v55+s16+$0x0], $0xffff  }
0x451: {  	v56 =	vld [tilespmem:s7+$0x0]  }
0x452: {  	v12 =	vshll.u32 v12, $0x7  }
0x453: {  	v57 =	vor.u32 v2, v12;
	_ =	sdelay $0x2  }
0x454: {  	v14 =	vmul.f32 v56, v13;
	_ =	sdelay $0x1  }
0x455: {  	[tilespmem:v57+s21+$0x0] =	vst.idx.add.f32.msk $0xffff, v14  }
0x456: {  	v14 =	vld [tilespmem:s7+$0x10];
	_ =	sdelay $0x1  }
0x457: {  	v58 =	vor.u32 v5, v12;
	_ =	sdelay $0x2  }
0x458: {  	v14 =	vmul.f32 v14, v13;
	_ =	sdelay $0x1  }
0x459: {  	[tilespmem:v58+s21+$0x0] =	vst.idx.add.f32.msk $0xffff, v14  }
0x45a: {  	v14 =	vld [tilespmem:s7+$0x20];
	_ =	sdelay $0x1  }
0x45b: {  	v59 =	vor.u32 v6, v12;
	_ =	sdelay $0x2  }
0x45c: {  	v14 =	vmul.f32 v14, v13;
	_ =	sdelay $0x1  }
0x45d: {  	[tilespmem:v59+s21+$0x0] =	vst.idx.add.f32.msk $0xffff, v14  }
0x45e: {  	v14 =	vld [tilespmem:s7+$0x30];
	_ =	sdelay $0x1  }
0x45f: {  	v60 =	vor.u32 v7, v12;
	_ =	sdelay $0x2  }
0x460: {  	v14 =	vmul.f32 v14, v13;
	_ =	sdelay $0x1  }
0x461: {  	[tilespmem:v60+s21+$0x0] =	vst.idx.add.f32.msk $0xffff, v14  }
0x462: {  	v14 =	vld [tilespmem:s7+$0x40];
	_ =	sdelay $0x1  }
0x463: {  	v61 =	vor.u32 v8, v12;
	_ =	sdelay $0x2  }
0x464: {  	v14 =	vmul.f32 v14, v13;
	_ =	sdelay $0x1  }
0x465: {  	[tilespmem:v61+s21+$0x0] =	vst.idx.add.f32.msk $0xffff, v14  }
0x466: {  	v14 =	vld [tilespmem:s7+$0x50];
	_ =	sdelay $0x1  }
0x467: {  	v62 =	vor.u32 v9, v12;
	_ =	sdelay $0x2  }
0x468: {  	v14 =	vmul.f32 v14, v13;
	_ =	sdelay $0x1  }
0x469: {  	[tilespmem:v62+s21+$0x0] =	vst.idx.add.f32.msk $0xffff, v14  }
0x46a: {  	v14 =	vld [tilespmem:s7+$0x60];
	_ =	sdelay $0x1  }
0x46b: {  	v63 =	vor.u32 v10, v12;
	_ =	sdelay $0x2  }
0x46c: {  	v14 =	vmul.f32 v14, v13;
	_ =	sdelay $0x1  }
0x46d: {  	[tilespmem:v63+s21+$0x0] =	vst.idx.add.f32.msk $0xffff, v14  }
0x46e: {  	v14 =	vld [tilespmem:s7+$0x70]  }
0x46f: {  	s5 =	sadd.s32 $0x1, s5  }
0x470: {  	p0 =	sne.s32 s5, s1;
	v12 =	vor.u32 v11, v12  }
.Ltmp21:
0x471: {  	_ = 	snop;
	(pc) =	sbr.rel @p0 .LBB2_22-.Ltmp21, $4  }
.Ltmp22:
0x472: {  	_ = 	snop;
	(pc) =	sbr.rel @!p0 .LBB2_25-.Ltmp22, $4  }
0x473: {  	v13 =	vmul.f32 v14, v13  }
0x474: {  	_ = 	snop  }
0x475: {  	s2 =	sadd.s32 $0x50, s2;
	[tilespmem:v12+s21+$0x0] =	vst.idx.add.f32.msk $0xffff, v13  }
0x476: {  	_ = 	snop  }
.LBB2_26:
0x477: {  	_ =	sfence.sel $0x180000  }
0x478: {  	[bflag:$0x0] =	sbarrier.arrive $0xFFFF  }
0x479: {  	_ =	strace $0x90000047  }
0x47a: {  	s0 =	stileid.u32;
	[bflag:$0x2] =	sbarrier.arrive $0xFFFF  }
0x47b: {  	p0 =	sne.s32 s0, $0x0;
	s0 =	rddreg [dreg:$0x4]  }
0x47c: {  	s0 =	sadd.s32 @!p0 $0x100000, s0  }
0x47d: {  	[sflag:s0] =	ssyncadd.tile.s32 @!p0 $0x1;
	_ =	shalt  }
.Lfunc_end2:
_tile_overlayer_lowered:
.L_overlay_start_2:
0x47e: {  	(tag) =	ssettag $0x2  }
0x47f: {  	s0 =	rddreg [dreg:$0x0];
	s2 =	stileid.u32  }
0x480: {  	s1 =	rddreg [dreg:$0x1];
	p0 =	sne.s32 s2, $0x0  }
0x481: {  	s3 =	rddreg [dreg:$0x2];
	[bflag:$0x3] =	sbarrier.arrive $0xFFFF;
	s2 =	simm.s32 @!p0 $0x1C04  }
0x482: {  	[timem:s3], [sflag:s2] =	dma.local @!p0 [hbm:s0], s1  }
0x483: {  	s0 =	simm.s32 @!p0 $0x4  }
0x484: {  	_ =	swait.ge @!p0 [sflag:s0], s1  }
0x485: {  	s1 =	ssub.s32 @!p0 $0x0, s1;
	[sflag:s0] =	ssyncset.done @!p0 $0x0  }
0x486: {  	[sflag:s0] =	ssyncadd.s32 @!p0 s1  }
0x487: {  	[bflag:$0x3] =	sbarrier.arrive $0xFFFF  }
0x488: {  	_ =	shalt  }

</sc_bundles>
